<compile_context>
chip_gen: v7x
topology: tpu7x:2x2x1
jax: 0.10.2.dev20260603
libtpu: 0.0.44.dev20260713+nightly
codegen_flags: <defaults>
</compile_context>

<pallas_src>
import functools

import jax
import jax.numpy as jnp
from jax import lax
from jax.experimental import pallas as pl
from jax.experimental.pallas import tpu as pltpu
from jax.experimental.pallas import tpu_sc as plsc

N_CORES = 2
N_SUB = 16
N_WORKERS = N_CORES * N_SUB
CH = 80
DEG_W = 16

_f32 = jnp.float32


def _mesh():
    return plsc.VectorSubcoreMesh(core_axis_name="c", subcore_axis_name="s")


def _dot(a, b):
    return lax.dot_general(a, b, (((1,), (0,)), ((), ())),
                           preferred_element_type=_f32)


def _full_spec(w):
    return pl.BlockSpec(w.shape, lambda i: (0,) * w.ndim)



def _sc_degree(dst3, zeros_deg, n):
    n_chunks = dst3.shape[0]
    cpw = n_chunks // N_WORKERS
    rpt = n // N_SUB

    @functools.partial(
        pl.kernel,
        out_type=jax.ShapeDtypeStruct((N_CORES, N_SUB, rpt, DEG_W), _f32),
        mesh=_mesh(),
        compiler_params=pltpu.CompilerParams(use_tc_tiling_on_sc=False),
        scratch_types=[
            pltpu.VMEM((cpw, 1, CH), jnp.int32),
            pltpu.VMEM((CH, DEG_W), _f32),
            pltpu.VMEM_SHARED((n, DEG_W), _f32),
            pltpu.SemaphoreType.DMA,
        ],
    )
    def k(dst_hbm, zeros_hbm, out_hbm, idx_v, ones_v, deg_sh, sem):
        c = lax.axis_index("c")
        s = lax.axis_index("s")
        wid = s * N_CORES + c

        def fill(i, carry):
            ones_v[i, :] = jnp.full((DEG_W,), 1.0, _f32)
            return carry

        lax.fori_loop(0, CH, fill, 0)
        pltpu.sync_copy(zeros_hbm, deg_sh.at[pl.ds(s * rpt, rpt)])
        pltpu.sync_copy(dst_hbm.at[pl.ds(wid * cpw, cpw)], idx_v)
        plsc.subcore_barrier()

        def step(i, carry):
            pltpu.sync_copy(ones_v, deg_sh.at[idx_v.at[i, 0]], add=True)
            return carry

        lax.fori_loop(0, cpw, step, 0)
        plsc.subcore_barrier()
        pltpu.sync_copy(deg_sh.at[pl.ds(s * rpt, rpt)], out_hbm.at[c, s])

    return k(dst3, zeros_deg)


def _sc_conv(tables, src3, dst3, zeros_rows):
    n_blocks = len(tables)
    nst, rpt, d = tables[0].shape
    n = nst * rpt
    n_chunks = src3.shape[0]
    cpw = n_chunks // N_WORKERS

    @functools.partial(
        pl.kernel,
        out_type=jax.ShapeDtypeStruct((N_CORES, n_blocks, N_SUB, rpt, d),
                                      _f32),
        mesh=_mesh(),
        compiler_params=pltpu.CompilerParams(use_tc_tiling_on_sc=False),
        scratch_types=[
            pltpu.VMEM((cpw, 1, CH), jnp.int32),
            pltpu.VMEM((cpw, 1, CH), jnp.int32),
            pltpu.VMEM((2, CH, d), _f32),
            pltpu.VMEM_SHARED((n, d), _f32),
            pltpu.VMEM_SHARED((n, d), _f32),
            pltpu.SemaphoreType.DMA((2,)),
            pltpu.SemaphoreType.DMA((2,)),
        ],
    )
    def k(*refs):
        t_hbms = refs[:n_blocks]
        (src_hbm, dst_hbm, zeros_hbm, out_hbm,
         src_v, dst_v, rows_v, tab_sh, acc_sh, gsem, ssem) = refs[n_blocks:]
        c = lax.axis_index("c")
        s = lax.axis_index("s")
        wid = s * N_CORES + c
        pltpu.sync_copy(src_hbm.at[pl.ds(wid * cpw, cpw)], src_v)
        pltpu.sync_copy(dst_hbm.at[pl.ds(wid * cpw, cpw)], dst_v)
        for blk in range(n_blocks):
            pltpu.sync_copy(t_hbms[blk].at[s], tab_sh.at[pl.ds(s * rpt, rpt)])
            pltpu.sync_copy(zeros_hbm, acc_sh.at[pl.ds(s * rpt, rpt)])
            plsc.subcore_barrier()
            pltpu.async_copy(tab_sh.at[src_v.at[0, 0]], rows_v.at[0],
                             gsem.at[0])

            def step(i, carry):
                b = lax.rem(i, 2)
                nxt = lax.rem(i + 1, 2)

                @pl.when(i >= 1)
                def _():
                    pltpu.make_async_copy(
                        rows_v.at[nxt], acc_sh.at[dst_v.at[i - 1, 0]],
                        ssem.at[nxt]).wait()

                @pl.when(i + 1 < cpw)
                def _():
                    pltpu.async_copy(tab_sh.at[src_v.at[i + 1, 0]],
                                     rows_v.at[nxt], gsem.at[nxt])

                pltpu.make_async_copy(tab_sh.at[src_v.at[i, 0]],
                                      rows_v.at[b], gsem.at[b]).wait()
                pltpu.async_copy(rows_v.at[b], acc_sh.at[dst_v.at[i, 0]],
                                 ssem.at[b], add=True)
                return carry

            lax.fori_loop(0, cpw, step, 0)
            lastb = (cpw - 1) % 2
            pltpu.make_async_copy(rows_v.at[lastb],
                                  acc_sh.at[dst_v.at[cpw - 1, 0]],
                                  ssem.at[lastb]).wait()
            plsc.subcore_barrier()
            pltpu.sync_copy(acc_sh.at[pl.ds(s * rpt, rpt)],
                            out_hbm.at[c, blk, s])

    return k(*tables, src3, dst3, zeros_rows)


def _sc_edge_gather(ta3, tb3, src3, dst3):
    nst, rpt, d = ta3.shape
    n = nst * rpt
    n_chunks = src3.shape[0]
    e = n_chunks * CH
    cpw = n_chunks // N_WORKERS

    @functools.partial(
        pl.kernel,
        out_type=(jax.ShapeDtypeStruct((n_chunks, CH, d), _f32),
                  jax.ShapeDtypeStruct((n_chunks, CH, d), _f32)),
        mesh=_mesh(),
        compiler_params=pltpu.CompilerParams(use_tc_tiling_on_sc=False),
        scratch_types=[
            pltpu.VMEM((cpw, 1, CH), jnp.int32),
            pltpu.VMEM((cpw, 1, CH), jnp.int32),
            pltpu.VMEM((2, CH, d), _f32),
            pltpu.VMEM((2, CH, d), _f32),
            pltpu.VMEM_SHARED((n, d), _f32),
            pltpu.VMEM_SHARED((n, d), _f32),
            pltpu.SemaphoreType.DMA((2,)),
            pltpu.SemaphoreType.DMA((2,)),
            pltpu.SemaphoreType.DMA((2,)),
            pltpu.SemaphoreType.DMA((2,)),
        ],
    )
    def k(ta_hbm, tb_hbm, src_hbm, dst_hbm, oa_hbm, ob_hbm,
          src_v, dst_v, ra_v, rb_v, ta_sh, tb_sh, ga, gb, wa, wb):
        c = lax.axis_index("c")
        s = lax.axis_index("s")
        wid = s * N_CORES + c
        base = wid * cpw
        pltpu.sync_copy(src_hbm.at[pl.ds(base, cpw)], src_v)
        pltpu.sync_copy(dst_hbm.at[pl.ds(base, cpw)], dst_v)
        pltpu.sync_copy(ta_hbm.at[s], ta_sh.at[pl.ds(s * rpt, rpt)])
        pltpu.sync_copy(tb_hbm.at[s], tb_sh.at[pl.ds(s * rpt, rpt)])
        plsc.subcore_barrier()
        pltpu.async_copy(ta_sh.at[src_v.at[0, 0]], ra_v.at[0], ga.at[0])
        pltpu.async_copy(tb_sh.at[dst_v.at[0, 0]], rb_v.at[0], gb.at[0])

        def step(i, carry):
            b = lax.rem(i, 2)
            nxt = lax.rem(i + 1, 2)

            @pl.when(i >= 1)
            def _():
                pltpu.make_async_copy(
                    ra_v.at[nxt], oa_hbm.at[base + i - 1],
                    wa.at[nxt]).wait()
                pltpu.make_async_copy(
                    rb_v.at[nxt], ob_hbm.at[base + i - 1],
                    wb.at[nxt]).wait()

            @pl.when(i + 1 < cpw)
            def _():
                pltpu.async_copy(ta_sh.at[src_v.at[i + 1, 0]], ra_v.at[nxt],
                                 ga.at[nxt])
                pltpu.async_copy(tb_sh.at[dst_v.at[i + 1, 0]], rb_v.at[nxt],
                                 gb.at[nxt])

            pltpu.make_async_copy(ta_sh.at[src_v.at[i, 0]], ra_v.at[b],
                                  ga.at[b]).wait()
            pltpu.make_async_copy(tb_sh.at[dst_v.at[i, 0]], rb_v.at[b],
                                  gb.at[b]).wait()
            pltpu.async_copy(ra_v.at[b], oa_hbm.at[base + i], wa.at[b])
            pltpu.async_copy(rb_v.at[b], ob_hbm.at[base + i], wb.at[b])
            return carry

        lax.fori_loop(0, cpw, step, 0)
        lastb = (cpw - 1) % 2
        pltpu.make_async_copy(ra_v.at[lastb], oa_hbm.at[base + cpw - 1],
                              wa.at[lastb]).wait()
        pltpu.make_async_copy(rb_v.at[lastb], ob_hbm.at[base + cpw - 1],
                              wb.at[lastb]).wait()

    return k(ta3, tb3, src3, dst3)



def _tc_prep(deg2, x, w1):
    n = x.shape[0]
    d1 = w1.shape[1]
    dh = d1 // 2

    def body(deg_ref, x_ref, w_ref, dinv_ref, gsa_ref, gsb_ref):
        deg = deg_ref[0] + deg_ref[1]
        dinv = lax.rsqrt(deg[:, 0:1] + 1.0)
        dinv_ref[...] = dinv
        gs = _dot(x_ref[...], w_ref[...]) * dinv
        gsa_ref[...] = gs[:, :dh]
        gsb_ref[...] = gs[:, dh:]

    bn = 2000
    return pl.pallas_call(
        body,
        grid=(n // bn,),
        in_specs=[
            pl.BlockSpec((N_CORES, bn, DEG_W), lambda i: (0, i, 0)),
            pl.BlockSpec((bn, x.shape[1]), lambda i: (i, 0)),
            _full_spec(w1),
        ],
        out_specs=(pl.BlockSpec((bn, 1), lambda i: (i, 0)),
                   pl.BlockSpec((bn, dh), lambda i: (i, 0)),
                   pl.BlockSpec((bn, dh), lambda i: (i, 0))),
        out_shape=(jax.ShapeDtypeStruct((n, 1), _f32),
                   jax.ShapeDtypeStruct((n, dh), _f32),
                   jax.ShapeDtypeStruct((n, dh), _f32)),
    )(deg2, x, w1)


def _tc_mid(acc4, gsa, gsb, dinv, b1, w2):
    n, dh = gsa.shape
    d2 = w2.shape[1]

    def body(acc_ref, gsa_ref, gsb_ref, dinv_ref, b_ref, w_ref, out_ref):
        dinv = dinv_ref[...]
        b = b_ref[...]
        za = ((acc_ref[0, 0] + acc_ref[1, 0] + gsa_ref[...]) * dinv
              + b[:, :dh])
        zb = ((acc_ref[0, 1] + acc_ref[1, 1] + gsb_ref[...]) * dinv
              + b[:, dh:])
        z = jnp.maximum(jnp.concatenate([za, zb], axis=1), 0.0)
        out_ref[...] = _dot(z, w_ref[...]) * dinv

    bn = 2000
    return pl.pallas_call(
        body,
        grid=(n // bn,),
        in_specs=[
            pl.BlockSpec((N_CORES, 2, bn, dh), lambda i: (0, 0, i, 0)),
            pl.BlockSpec((bn, dh), lambda i: (i, 0)),
            pl.BlockSpec((bn, dh), lambda i: (i, 0)),
            pl.BlockSpec((bn, 1), lambda i: (i, 0)),
            _full_spec(b1),
            _full_spec(w2),
        ],
        out_specs=pl.BlockSpec((bn, d2), lambda i: (i, 0)),
        out_shape=jax.ShapeDtypeStruct((n, d2), _f32),
    )(acc4, gsa, gsb, dinv, b1, w2)


def _tc_head(acc2, gs2, dinv, b2, fw1, fb1):
    n, d2 = gs2.shape

    def body(acc_ref, gs_ref, dinv_ref, b_ref, fw_ref, fb_ref,
             a_ref, bb_ref):
        z2 = ((acc_ref[0] + acc_ref[1] + gs_ref[...]) * dinv_ref[...]
              + b_ref[...])
        fw = fw_ref[...]
        a_ref[...] = _dot(z2, fw[:d2])
        bb_ref[...] = _dot(z2, fw[d2:]) + fb_ref[...]

    bn = 2000
    return pl.pallas_call(
        body,
        grid=(n // bn,),
        in_specs=[
            pl.BlockSpec((N_CORES, bn, d2), lambda i: (0, i, 0)),
            pl.BlockSpec((bn, d2), lambda i: (i, 0)),
            pl.BlockSpec((bn, 1), lambda i: (i, 0)),
            _full_spec(b2), _full_spec(fw1), _full_spec(fb1),
        ],
        out_specs=(pl.BlockSpec((bn, d2), lambda i: (i, 0)),
                   pl.BlockSpec((bn, d2), lambda i: (i, 0))),
        out_shape=(jax.ShapeDtypeStruct((n, d2), _f32),
                   jax.ShapeDtypeStruct((n, d2), _f32)),
    )(acc2, gs2, dinv, b2, fw1, fb1)


def _tc_mlp(ea2, eb2, w2p, b2p, w3p, b3p, w4p, b4p):
    e2 = ea2.shape[0]
    be = 8000
    grid = e2 // be

    def body(a_ref, b_ref, w2_ref, b2_ref, w3_ref, b3_ref, w4_ref, b4_ref,
             o_ref):
        h1 = jnp.maximum(a_ref[...] + b_ref[...], 0.0)
        h2 = jnp.maximum(_dot(h1, w2_ref[...]) + b2_ref[...], 0.0)
        h3 = jnp.maximum(_dot(h2, w3_ref[...]) + b3_ref[...], 0.0)
        o_ref[...] = _dot(h3, w4_ref[...]) + b4_ref[...]

    return pl.pallas_call(
        body,
        grid=(grid,),
        in_specs=[
            pl.BlockSpec((be, 128), lambda i: (i, 0)),
            pl.BlockSpec((be, 128), lambda i: (i, 0)),
            _full_spec(w2p), _full_spec(b2p), _full_spec(w3p),
            _full_spec(b3p), _full_spec(w4p), _full_spec(b4p),
        ],
        out_specs=pl.BlockSpec((be, 2), lambda i: (i, 0)),
        out_shape=jax.ShapeDtypeStruct((e2, 2), _f32),
    )(ea2, eb2, w2p, b2p, w3p, b3p, w4p, b4p)



def kernel(x, edge_index, W1, b1, W2, b2, fw1, fb1, fw2, fb2, fw3, fb3,
           fw4, fb4):
    n = x.shape[0]
    e = edge_index.shape[1]
    d2 = W2.shape[1]
    rpt = n // N_SUB

    src3 = edge_index[0].reshape(e // CH, 1, CH)
    dst3 = edge_index[1].reshape(e // CH, 1, CH)

    deg4 = _sc_degree(dst3, jnp.zeros((rpt, DEG_W), _f32), n)
    deg2 = deg4.reshape(N_CORES, n, DEG_W)
    dinv, gsa, gsb = _tc_prep(deg2, x, W1)
    zeros_rows = jnp.zeros((rpt, d2), _f32)

    def _t3(a):
        return a.reshape(N_SUB, rpt, d2)

    acc1 = _sc_conv([_t3(gsa), _t3(gsb)], src3, dst3,
                    zeros_rows).reshape(N_CORES, 2, n, d2)
    gs2 = _tc_mid(acc1, gsa, gsb, dinv, b1.reshape(1, -1), W2)
    acc2 = _sc_conv([_t3(gs2)], src3, dst3,
                    zeros_rows).reshape(N_CORES, n, d2)
    ta, tb = _tc_head(acc2, gs2, dinv, b2.reshape(1, -1), fw1,
                      fb1.reshape(1, -1))
    ea3, eb3 = _sc_edge_gather(_t3(ta), _t3(tb), src3, dst3)
    ea2 = ea3.reshape(e * d2 // 128, 128)
    eb2 = eb3.reshape(e * d2 // 128, 128)

    def _pair_w(w):
        r, c = w.shape
        wp = jnp.zeros((2 * r, 2 * c), _f32)
        return wp.at[:r, :c].set(w).at[r:, c:].set(w)

    def _pair_b(b):
        return jnp.concatenate([b, b]).reshape(1, -1)

    out2 = _tc_mlp(ea2, eb2, _pair_w(fw2), _pair_b(fb2), _pair_w(fw3),
                   _pair_b(fb3), _pair_w(fw4), _pair_b(fb4))
    return out2.reshape(e)

# --- scband reference (transcript-rebuilt; emitter-appended) ---
"""Pipeline reference for scband-slmgae-79405355369094 (READ-ONLY COPY).

The authoritative reference and input builder live on the scoring server;
editing this copy changes nothing except your own understanding.
"""

import jax, jax.numpy as jnp
import numpy as np

N = 10000
E = 320000
D_IN = 128
D_OUT = 64  # out_channels; conv1 outputs 2*D_OUT


def _w(key, fan_in, fan_out):
    return jax.random.normal(key, (fan_in, fan_out), dtype=jnp.float32) * (1.0 / np.sqrt(fan_in))


def setup_inputs(seed: int = 0) -> dict:
    key = jax.random.key(seed)
    ks = jax.random.split(key, 16)
    x = jax.random.normal(ks[0], (N, D_IN), dtype=jnp.float32)
    edge_index = jax.random.randint(ks[1], (2, E), 0, N)
    # GCNConv layers: conv1 (in -> 2*out), conv2 (2*out -> out)
    W1 = _w(ks[2], D_IN, 2 * D_OUT)
    b1 = jnp.zeros((2 * D_OUT,), dtype=jnp.float32)
    W2 = _w(ks[3], 2 * D_OUT, D_OUT)
    b2 = jnp.zeros((D_OUT,), dtype=jnp.float32)
    # decode MLP: fc1 (2*out -> out), fc2 (out -> out//2), fc3 (out//2 -> out//4), fc4 (out//4 -> 1)
    fw1 = _w(ks[4], 2 * D_OUT, D_OUT)
    fb1 = jnp.zeros((D_OUT,), dtype=jnp.float32)
    fw2 = _w(ks[5], D_OUT, D_OUT // 2)
    fb2 = jnp.zeros((D_OUT // 2,), dtype=jnp.float32)
    fw3 = _w(ks[6], D_OUT // 2, D_OUT // 4)
    fb3 = jnp.zeros((D_OUT // 4,), dtype=jnp.float32)
    fw4 = _w(ks[7], D_OUT // 4, 1)
    fb4 = jnp.zeros((1,), dtype=jnp.float32)
    return {"x": x, "edge_index": edge_index, "W1": W1, "b1": b1, "W2": W2, "b2": b2,
            "fw1": fw1, "fb1": fb1, "fw2": fw2, "fb2": fb2, "fw3": fw3, "fb3": fb3,
            "fw4": fw4, "fb4": fb4}


def reference(x, edge_index, W1, b1, W2, b2, fw1, fb1, fw2, fb2, fw3, fb3, fw4, fb4):
    n = x.shape[0]
    # GCNConv with added self-loops and symmetric normalization (PyG default)
    loop = jnp.arange(n)
    src = jnp.concatenate([edge_index[0], loop])
    dst = jnp.concatenate([edge_index[1], loop])
    deg = jnp.zeros((n,), x.dtype).at[dst].add(1.0)
    dinv = jnp.where(deg > 0, jax.lax.rsqrt(jnp.maximum(deg, 1e-12)), 0.0)
    norm = dinv[src] * dinv[dst]

    def conv(h, W, b):
        h = h @ W
        msg = h[src] * norm[:, None]
        agg = jnp.zeros((n, W.shape[1]), h.dtype).at[dst].add(msg)
        return agg + b

    # encode
    z = jax.nn.relu(conv(x, W1, b1))
    z = conv(z, W2, b2)
    # decode (dropout is identity in eval mode)
    e = jnp.concatenate([z[edge_index[0]], z[edge_index[1]]], axis=1)
    h = jax.nn.relu(e @ fw1 + fb1)
    h = jax.nn.relu(h @ fw2 + fb2)
    h = jax.nn.relu(h @ fw3 + fb3)
    h = h @ fw4 + fb4
    return jnp.squeeze(h, -1)

if __name__ == "__main__":
    import jax
    _d = setup_inputs()
    print(jax.jit(kernel)(*tuple(_d.values())))

</pallas_src>

<mosaic_0001>
#map = affine_map<(d0, d1) -> (0, 0, 0)>
#map1 = affine_map<(d0, d1) -> (0, 0)>
#map2 = affine_map<(d0, d1) -> (0, 0, 0, 0, 0)>
module attributes {stable_mosaic.version = 14 : i64} {
  func.func @k(%arg0: i32, %arg1: i32, %arg2: memref<16x625x64xf32, #tpu.memory_space<hbm>>, %arg3: memref<4000x1x80xi32, #tpu.memory_space<hbm>>, %arg4: memref<4000x1x80xi32, #tpu.memory_space<hbm>>, %arg5: memref<625x64xf32, #tpu.memory_space<hbm>>, %arg6: memref<2x1x16x625x64xf32, #tpu.memory_space<hbm>>, %arg7: memref<125x1x80xi32, #tpu.memory_space<vmem>>, %arg8: memref<125x1x80xi32, #tpu.memory_space<vmem>>, %arg9: memref<2x80x64xf32, #tpu.memory_space<vmem>>, %arg10: memref<10000x64xf32, #tpu.memory_space<vmem_shared>>, %arg11: memref<10000x64xf32, #tpu.memory_space<vmem_shared>>, %arg12: memref<2x!tpu.dma_semaphore, #tpu.memory_space<semaphore_mem>>, %arg13: memref<2x!tpu.dma_semaphore, #tpu.memory_space<semaphore_mem>>) attributes {dimension_semantics = [#tpu.dimension_semantics<core_parallel>, #tpu.dimension_semantics<subcore_parallel>], iteration_bounds = array<i64: 2, 16>, scalar_prefetch = 0 : i64, scratch_operands = 7 : i64, tpu.core_type = #tpu.core_type<sc_vector_subcore>, window_params = [{transform_indices = #map}, {transform_indices = #map}, {transform_indices = #map}, {transform_indices = #map1}, {transform_indices = #map2}]} {
    %mul3A = arith.constant 2 : i32
    %mul3A_0 = arith.muli %arg1, %mul3A : i32
    %add3A = arith.addi %mul3A_0, %arg0 : i32
    %mul3A_1 = arith.constant 125 : i32
    %mul3A_2 = arith.muli %add3A, %mul3A_1 : i32
    "tpu.region"() ({
      %run_scoped3A_47 = tpu.sem_alloc : memref<!tpu.dma_semaphore, #tpu.memory_space<semaphore_mem>>
      %dma_start3A_48 = arith.constant 0 : i32
      %dma_start3A_49 = arith.constant 0 : i32
      %dma_start3A_50 = tpu.memref_slice %arg3[%mul3A_2, %dma_start3A_48, %dma_start3A_49] : memref<4000x1x80xi32, #tpu.memory_space<hbm>> -> memref<125x1x80xi32, #tpu.memory_space<hbm>>
      %dma_start3A_51 = arith.constant 0 : i32
      %dma_start3A_52 = arith.constant 0 : i32
      %dma_start3A_53 = tpu.memref_slice %arg3[%mul3A_2, %dma_start3A_51, %dma_start3A_52] : memref<4000x1x80xi32, #tpu.memory_space<hbm>> -> memref<125x1x80xi32, #tpu.memory_space<hbm>>
      tpu.enqueue_dma source(%dma_start3A_53 : memref<125x1x80xi32, #tpu.memory_space<hbm>>) target(%arg7 : memref<125x1x80xi32, #tpu.memory_space<vmem>>) target_semaphore(%run_scoped3A_47 : memref<!tpu.dma_semaphore, #tpu.memory_space<semaphore_mem>>)
      %dma_wait3A_54 = arith.constant 0 : i32
      %dma_wait3A_55 = arith.constant 0 : i32
      %dma_wait3A_56 = tpu.memref_slice %arg3[%mul3A_2, %dma_wait3A_54, %dma_wait3A_55] : memref<4000x1x80xi32, #tpu.memory_space<hbm>> -> memref<125x1x80xi32, #tpu.memory_space<hbm>>
      %dma_wait3A_57 = arith.constant 0 : i32
      %dma_wait3A_58 = arith.constant 0 : i32
      %dma_wait3A_59 = tpu.memref_slice %arg3[%mul3A_2, %dma_wait3A_57, %dma_wait3A_58] : memref<4000x1x80xi32, #tpu.memory_space<hbm>> -> memref<125x1x80xi32, #tpu.memory_space<hbm>>
      tpu.wait_dma2 semaphore(%run_scoped3A_47 : memref<!tpu.dma_semaphore, #tpu.memory_space<semaphore_mem>>) src(%dma_wait3A_59 : memref<125x1x80xi32, #tpu.memory_space<hbm>>) dst(%arg7 : memref<125x1x80xi32, #tpu.memory_space<vmem>>)
      tpu.yield
    }) : () -> ()
    %mul3A_3 = arith.constant 125 : i32
    %mul3A_4 = arith.muli %add3A, %mul3A_3 : i32
    "tpu.region"() ({
      %run_scoped3A_47 = tpu.sem_alloc : memref<!tpu.dma_semaphore, #tpu.memory_space<semaphore_mem>>
      %dma_start3A_48 = arith.constant 0 : i32
      %dma_start3A_49 = arith.constant 0 : i32
      %dma_start3A_50 = tpu.memref_slice %arg4[%mul3A_4, %dma_start3A_48, %dma_start3A_49] : memref<4000x1x80xi32, #tpu.memory_space<hbm>> -> memref<125x1x80xi32, #tpu.memory_space<hbm>>
      %dma_start3A_51 = arith.constant 0 : i32
      %dma_start3A_52 = arith.constant 0 : i32
      %dma_start3A_53 = tpu.memref_slice %arg4[%mul3A_4, %dma_start3A_51, %dma_start3A_52] : memref<4000x1x80xi32, #tpu.memory_space<hbm>> -> memref<125x1x80xi32, #tpu.memory_space<hbm>>
      tpu.enqueue_dma source(%dma_start3A_53 : memref<125x1x80xi32, #tpu.memory_space<hbm>>) target(%arg8 : memref<125x1x80xi32, #tpu.memory_space<vmem>>) target_semaphore(%run_scoped3A_47 : memref<!tpu.dma_semaphore, #tpu.memory_space<semaphore_mem>>)
      %dma_wait3A_54 = arith.constant 0 : i32
      %dma_wait3A_55 = arith.constant 0 : i32
      %dma_wait3A_56 = tpu.memref_slice %arg4[%mul3A_4, %dma_wait3A_54, %dma_wait3A_55] : memref<4000x1x80xi32, #tpu.memory_space<hbm>> -> memref<125x1x80xi32, #tpu.memory_space<hbm>>
      %dma_wait3A_57 = arith.constant 0 : i32
      %dma_wait3A_58 = arith.constant 0 : i32
      %dma_wait3A_59 = tpu.memref_slice %arg4[%mul3A_4, %dma_wait3A_57, %dma_wait3A_58] : memref<4000x1x80xi32, #tpu.memory_space<hbm>> -> memref<125x1x80xi32, #tpu.memory_space<hbm>>
      tpu.wait_dma2 semaphore(%run_scoped3A_47 : memref<!tpu.dma_semaphore, #tpu.memory_space<semaphore_mem>>) src(%dma_wait3A_59 : memref<125x1x80xi32, #tpu.memory_space<hbm>>) dst(%arg8 : memref<125x1x80xi32, #tpu.memory_space<vmem>>)
      tpu.yield
    }) : () -> ()
    %mul3A_5 = arith.constant 625 : i32
    %mul3A_6 = arith.muli %arg1, %mul3A_5 : i32
    "tpu.region"() ({
      %run_scoped3A_47 = tpu.sem_alloc : memref<!tpu.dma_semaphore, #tpu.memory_space<semaphore_mem>>
      %dma_start3A_48 = arith.constant 0 : i32
      %dma_start3A_49 = tpu.memref_slice %arg10[%mul3A_6, %dma_start3A_48] : memref<10000x64xf32, #tpu.memory_space<vmem_shared>> -> memref<625x64xf32, #tpu.memory_space<vmem_shared>>
      %dma_start3A_50 = arith.constant 0 : i32
      %dma_start3A_51 = arith.constant 0 : i32
      %dma_start3A_52 = tpu.memref_slice %arg2[%arg1, %dma_start3A_50, %dma_start3A_51] : memref<16x625x64xf32, #tpu.memory_space<hbm>> -> memref<1x625x64xf32, #tpu.memory_space<hbm>>
      %dma_start3A_53 = tpu.memref_squeeze %dma_start3A_52 : memref<1x625x64xf32, #tpu.memory_space<hbm>> -> memref<625x64xf32, #tpu.memory_space<hbm>>
      tpu.enqueue_dma source(%dma_start3A_53 : memref<625x64xf32, #tpu.memory_space<hbm>>) target(%dma_start3A_49 : memref<625x64xf32, #tpu.memory_space<vmem_shared>>) target_semaphore(%run_scoped3A_47 : memref<!tpu.dma_semaphore, #tpu.memory_space<semaphore_mem>>)
      %dma_wait3A_54 = arith.constant 0 : i32
      %dma_wait3A_55 = tpu.memref_slice %arg10[%mul3A_6, %dma_wait3A_54] : memref<10000x64xf32, #tpu.memory_space<vmem_shared>> -> memref<625x64xf32, #tpu.memory_space<vmem_shared>>
      %dma_wait3A_56 = arith.constant 0 : i32
      %dma_wait3A_57 = arith.constant 0 : i32
      %dma_wait3A_58 = tpu.memref_slice %arg2[%arg1, %dma_wait3A_56, %dma_wait3A_57] : memref<16x625x64xf32, #tpu.memory_space<hbm>> -> memref<1x625x64xf32, #tpu.memory_space<hbm>>
      %dma_wait3A_59 = tpu.memref_squeeze %dma_wait3A_58 : memref<1x625x64xf32, #tpu.memory_space<hbm>> -> memref<625x64xf32, #tpu.memory_space<hbm>>
      tpu.wait_dma2 semaphore(%run_scoped3A_47 : memref<!tpu.dma_semaphore, #tpu.memory_space<semaphore_mem>>) src(%dma_wait3A_59 : memref<625x64xf32, #tpu.memory_space<hbm>>) dst(%dma_wait3A_55 : memref<625x64xf32, #tpu.memory_space<vmem_shared>>)
      tpu.yield
    }) : () -> ()
    %mul3A_7 = arith.constant 625 : i32
    %mul3A_8 = arith.muli %arg1, %mul3A_7 : i32
    "tpu.region"() ({
      %run_scoped3A_47 = tpu.sem_alloc : memref<!tpu.dma_semaphore, #tpu.memory_space<semaphore_mem>>
      %dma_start3A_48 = arith.constant 0 : i32
      %dma_start3A_49 = tpu.memref_slice %arg11[%mul3A_8, %dma_start3A_48] : memref<10000x64xf32, #tpu.memory_space<vmem_shared>> -> memref<625x64xf32, #tpu.memory_space<vmem_shared>>
      tpu.enqueue_dma source(%arg5 : memref<625x64xf32, #tpu.memory_space<hbm>>) target(%dma_start3A_49 : memref<625x64xf32, #tpu.memory_space<vmem_shared>>) target_semaphore(%run_scoped3A_47 : memref<!tpu.dma_semaphore, #tpu.memory_space<semaphore_mem>>)
      %dma_wait3A_50 = arith.constant 0 : i32
      %dma_wait3A_51 = tpu.memref_slice %arg11[%mul3A_8, %dma_wait3A_50] : memref<10000x64xf32, #tpu.memory_space<vmem_shared>> -> memref<625x64xf32, #tpu.memory_space<vmem_shared>>
      tpu.wait_dma2 semaphore(%run_scoped3A_47 : memref<!tpu.dma_semaphore, #tpu.memory_space<semaphore_mem>>) src(%arg5 : memref<625x64xf32, #tpu.memory_space<hbm>>) dst(%dma_wait3A_51 : memref<625x64xf32, #tpu.memory_space<vmem_shared>>)
      tpu.yield
    }) : () -> ()
    %barrier3A = arith.constant 0 : index
    tpu.barrier barrier_id(%barrier3A)
    %dma_start3A = arith.constant 0 : i32
    %dma_start3A_9 = arith.constant 0 : i32
    %dma_start3A_10 = arith.constant 0 : i32
    %dma_start3A_11 = arith.constant 0 : i32
    %dma_start3A_12 = arith.constant 0 : i32
    %dma_start3A_13 = arith.constant 0 : i32
    %dma_start3A_14 = tpu.memref_slice %arg9[%dma_start3A_10, %dma_start3A_12, %dma_start3A_13] : memref<2x80x64xf32, #tpu.memory_space<vmem>> -> memref<1x80x64xf32, #tpu.memory_space<vmem>>
    %dma_start3A_15 = tpu.memref_squeeze %dma_start3A_14 : memref<1x80x64xf32, #tpu.memory_space<vmem>> -> memref<80x64xf32, #tpu.memory_space<vmem>>
    %dma_start3A_16 = arith.constant 0 : i32
    %dma_start3A_17 = tpu.memref_slice %arg7[%dma_start3A, %dma_start3A_9, %dma_start3A_16] : memref<125x1x80xi32, #tpu.memory_space<vmem>> -> memref<1x1x80xi32, #tpu.memory_space<vmem>>
    %dma_start3A_18 = tpu.memref_squeeze %dma_start3A_17 : memref<1x1x80xi32, #tpu.memory_space<vmem>> -> memref<80xi32, #tpu.memory_space<vmem>>
    %dma_start3A_19 = arith.constant 0 : i32
    %dma_start3A_20 = arith.constant 0 : i32
    %dma_start3A_21 = tpu.memref_slice %arg10[%dma_start3A_19, %dma_start3A_20] : memref<10000x64xf32, #tpu.memory_space<vmem_shared>> -> memref<10000x64xf32, #tpu.memory_space<vmem_shared>>
    %dma_start3A_22 = tpu.memref_slice %arg12[%dma_start3A_11] : memref<2x!tpu.dma_semaphore, #tpu.memory_space<semaphore_mem>> -> memref<1x!tpu.dma_semaphore, #tpu.memory_space<semaphore_mem>>
    %dma_start3A_23 = tpu.memref_squeeze %dma_start3A_22 : memref<1x!tpu.dma_semaphore, #tpu.memory_space<semaphore_mem>> -> memref<!tpu.dma_semaphore, #tpu.memory_space<semaphore_mem>>
    tpu.enqueue_indirect_dma source(%dma_start3A_21 : memref<10000x64xf32, #tpu.memory_space<vmem_shared>>) target(%dma_start3A_15 : memref<80x64xf32, #tpu.memory_space<vmem>>) offsets(%dma_start3A_18 : memref<80xi32, #tpu.memory_space<vmem>>) semaphore(%dma_start3A_23 : memref<!tpu.dma_semaphore, #tpu.memory_space<semaphore_mem>>)
    %scan3A = arith.constant 0 : i32
    %scan3A_24 = arith.constant 0 : i32
    %scan3A_25 = arith.constant 125 : i32
    %scan3A_26 = arith.addi %scan3A_24, %scan3A_25 : i32
    %scan3A_27 = arith.constant 1 : i32
    scf.for %scan3A_47 = %scan3A_24 to %scan3A_26 step %scan3A_27  : i32 {
      %rem3A = arith.constant 2 : i32
      %rem3A_48 = arith.remsi %scan3A_47, %rem3A : i32
      %add3A_49 = arith.constant 1 : i32
      %add3A_50 = arith.addi %scan3A_47, %add3A_49 : i32
      %rem3A_51 = arith.constant 2 : i32
      %rem3A_52 = arith.remsi %add3A_50, %rem3A_51 : i32
      %ge3A = arith.constant 1 : i32
      %ge3A_53 = arith.cmpi sge, %scan3A_47, %ge3A : i32
      %convert_element_type3A = arith.extui %ge3A_53 : i1 to i32
      %cond3A = arith.constant 0 : i32
      %cond3A_54 = arith.cmpi ne, %convert_element_type3A, %cond3A : i32
      scf.if %cond3A_54 {
        %sub3A = arith.constant 1 : i32
        %sub3A_87 = arith.subi %scan3A_47, %sub3A : i32
        %dma_wait3A_88 = arith.constant 0 : i32
        %dma_wait3A_89 = arith.constant 0 : i32
        %dma_wait3A_90 = arith.constant 0 : i32
        %dma_wait3A_91 = tpu.memref_slice %arg9[%rem3A_52, %dma_wait3A_89, %dma_wait3A_90] : memref<2x80x64xf32, #tpu.memory_space<vmem>> -> memref<1x80x64xf32, #tpu.memory_space<vmem>>
        %dma_wait3A_92 = tpu.memref_squeeze %dma_wait3A_91 : memref<1x80x64xf32, #tpu.memory_space<vmem>> -> memref<80x64xf32, #tpu.memory_space<vmem>>
        %dma_wait3A_93 = arith.constant 0 : i32
        %dma_wait3A_94 = tpu.memref_slice %arg8[%sub3A_87, %dma_wait3A_88, %dma_wait3A_93] : memref<125x1x80xi32, #tpu.memory_space<vmem>> -> memref<1x1x80xi32, #tpu.memory_space<vmem>>
        %dma_wait3A_95 = tpu.memref_squeeze %dma_wait3A_94 : memref<1x1x80xi32, #tpu.memory_space<vmem>> -> memref<80xi32, #tpu.memory_space<vmem>>
        %dma_wait3A_96 = arith.constant 0 : i32
        %dma_wait3A_97 = arith.constant 0 : i32
        %dma_wait3A_98 = tpu.memref_slice %arg11[%dma_wait3A_96, %dma_wait3A_97] : memref<10000x64xf32, #tpu.memory_space<vmem_shared>> -> memref<10000x64xf32, #tpu.memory_space<vmem_shared>>
        %dma_wait3A_99 = tpu.memref_slice %arg13[%rem3A_52] : memref<2x!tpu.dma_semaphore, #tpu.memory_space<semaphore_mem>> -> memref<1x!tpu.dma_semaphore, #tpu.memory_space<semaphore_mem>>
        %dma_wait3A_100 = tpu.memref_squeeze %dma_wait3A_99 : memref<1x!tpu.dma_semaphore, #tpu.memory_space<semaphore_mem>> -> memref<!tpu.dma_semaphore, #tpu.memory_space<semaphore_mem>>
        tpu.wait_indirect_dma semaphore(%dma_wait3A_100 : memref<!tpu.dma_semaphore, #tpu.memory_space<semaphore_mem>>) src(%dma_wait3A_92 : memref<80x64xf32, #tpu.memory_space<vmem>>) dst(%dma_wait3A_98 : memref<10000x64xf32, #tpu.memory_space<vmem_shared>>)
      } else {
      }
      %add3A_55 = arith.constant 1 : i32
      %add3A_56 = arith.addi %scan3A_47, %add3A_55 : i32
      %lt3A = arith.constant 125 : i32
      %lt3A_57 = arith.cmpi slt, %add3A_56, %lt3A : i32
      %convert_element_type3A_58 = arith.extui %lt3A_57 : i1 to i32
      %cond3A_59 = arith.constant 0 : i32
      %cond3A_60 = arith.cmpi ne, %convert_element_type3A_58, %cond3A_59 : i32
      scf.if %cond3A_60 {
        %add3A_87 = arith.constant 1 : i32
        %add3A_88 = arith.addi %scan3A_47, %add3A_87 : i32
        %dma_start3A_89 = arith.constant 0 : i32
        %dma_start3A_90 = arith.constant 0 : i32
        %dma_start3A_91 = arith.constant 0 : i32
        %dma_start3A_92 = tpu.memref_slice %arg9[%rem3A_52, %dma_start3A_90, %dma_start3A_91] : memref<2x80x64xf32, #tpu.memory_space<vmem>> -> memref<1x80x64xf32, #tpu.memory_space<vmem>>
        %dma_start3A_93 = tpu.memref_squeeze %dma_start3A_92 : memref<1x80x64xf32, #tpu.memory_space<vmem>> -> memref<80x64xf32, #tpu.memory_space<vmem>>
        %dma_start3A_94 = arith.constant 0 : i32
        %dma_start3A_95 = tpu.memref_slice %arg7[%add3A_88, %dma_start3A_89, %dma_start3A_94] : memref<125x1x80xi32, #tpu.memory_space<vmem>> -> memref<1x1x80xi32, #tpu.memory_space<vmem>>
        %dma_start3A_96 = tpu.memref_squeeze %dma_start3A_95 : memref<1x1x80xi32, #tpu.memory_space<vmem>> -> memref<80xi32, #tpu.memory_space<vmem>>
        %dma_start3A_97 = arith.constant 0 : i32
        %dma_start3A_98 = arith.constant 0 : i32
        %dma_start3A_99 = tpu.memref_slice %arg10[%dma_start3A_97, %dma_start3A_98] : memref<10000x64xf32, #tpu.memory_space<vmem_shared>> -> memref<10000x64xf32, #tpu.memory_space<vmem_shared>>
        %dma_start3A_100 = tpu.memref_slice %arg12[%rem3A_52] : memref<2x!tpu.dma_semaphore, #tpu.memory_space<semaphore_mem>> -> memref<1x!tpu.dma_semaphore, #tpu.memory_space<semaphore_mem>>
        %dma_start3A_101 = tpu.memref_squeeze %dma_start3A_100 : memref<1x!tpu.dma_semaphore, #tpu.memory_space<semaphore_mem>> -> memref<!tpu.dma_semaphore, #tpu.memory_space<semaphore_mem>>
        tpu.enqueue_indirect_dma source(%dma_start3A_99 : memref<10000x64xf32, #tpu.memory_space<vmem_shared>>) target(%dma_start3A_93 : memref<80x64xf32, #tpu.memory_space<vmem>>) offsets(%dma_start3A_96 : memref<80xi32, #tpu.memory_space<vmem>>) semaphore(%dma_start3A_101 : memref<!tpu.dma_semaphore, #tpu.memory_space<semaphore_mem>>)
      } else {
      }
      %dma_wait3A_61 = arith.constant 0 : i32
      %dma_wait3A_62 = arith.constant 0 : i32
      %dma_wait3A_63 = arith.constant 0 : i32
      %dma_wait3A_64 = tpu.memref_slice %arg9[%rem3A_48, %dma_wait3A_62, %dma_wait3A_63] : memref<2x80x64xf32, #tpu.memory_space<vmem>> -> memref<1x80x64xf32, #tpu.memory_space<vmem>>
      %dma_wait3A_65 = tpu.memref_squeeze %dma_wait3A_64 : memref<1x80x64xf32, #tpu.memory_space<vmem>> -> memref<80x64xf32, #tpu.memory_space<vmem>>
      %dma_wait3A_66 = arith.constant 0 : i32
      %dma_wait3A_67 = tpu.memref_slice %arg7[%scan3A_47, %dma_wait3A_61, %dma_wait3A_66] : memref<125x1x80xi32, #tpu.memory_space<vmem>> -> memref<1x1x80xi32, #tpu.memory_space<vmem>>
      %dma_wait3A_68 = tpu.memref_squeeze %dma_wait3A_67 : memref<1x1x80xi32, #tpu.memory_space<vmem>> -> memref<80xi32, #tpu.memory_space<vmem>>
      %dma_wait3A_69 = arith.constant 0 : i32
      %dma_wait3A_70 = arith.constant 0 : i32
      %dma_wait3A_71 = tpu.memref_slice %arg10[%dma_wait3A_69, %dma_wait3A_70] : memref<10000x64xf32, #tpu.memory_space<vmem_shared>> -> memref<10000x64xf32, #tpu.memory_space<vmem_shared>>
      %dma_wait3A_72 = tpu.memref_slice %arg12[%rem3A_48] : memref<2x!tpu.dma_semaphore, #tpu.memory_space<semaphore_mem>> -> memref<1x!tpu.dma_semaphore, #tpu.memory_space<semaphore_mem>>
      %dma_wait3A_73 = tpu.memref_squeeze %dma_wait3A_72 : memref<1x!tpu.dma_semaphore, #tpu.memory_space<semaphore_mem>> -> memref<!tpu.dma_semaphore, #tpu.memory_space<semaphore_mem>>
      tpu.wait_indirect_dma semaphore(%dma_wait3A_73 : memref<!tpu.dma_semaphore, #tpu.memory_space<semaphore_mem>>) src(%dma_wait3A_71 : memref<10000x64xf32, #tpu.memory_space<vmem_shared>>) dst(%dma_wait3A_65 : memref<80x64xf32, #tpu.memory_space<vmem>>)
      %dma_start3A_74 = arith.constant 0 : i32
      %dma_start3A_75 = arith.constant 0 : i32
      %dma_start3A_76 = arith.constant 0 : i32
      %dma_start3A_77 = tpu.memref_slice %arg9[%rem3A_48, %dma_start3A_75, %dma_start3A_76] : memref<2x80x64xf32, #tpu.memory_space<vmem>> -> memref<1x80x64xf32, #tpu.memory_space<vmem>>
      %dma_start3A_78 = tpu.memref_squeeze %dma_start3A_77 : memref<1x80x64xf32, #tpu.memory_space<vmem>> -> memref<80x64xf32, #tpu.memory_space<vmem>>
      %dma_start3A_79 = arith.constant 0 : i32
      %dma_start3A_80 = tpu.memref_slice %arg8[%scan3A_47, %dma_start3A_74, %dma_start3A_79] : memref<125x1x80xi32, #tpu.memory_space<vmem>> -> memref<1x1x80xi32, #tpu.memory_space<vmem>>
      %dma_start3A_81 = tpu.memref_squeeze %dma_start3A_80 : memref<1x1x80xi32, #tpu.memory_space<vmem>> -> memref<80xi32, #tpu.memory_space<vmem>>
      %dma_start3A_82 = arith.constant 0 : i32
      %dma_start3A_83 = arith.constant 0 : i32
      %dma_start3A_84 = tpu.memref_slice %arg11[%dma_start3A_82, %dma_start3A_83] : memref<10000x64xf32, #tpu.memory_space<vmem_shared>> -> memref<10000x64xf32, #tpu.memory_space<vmem_shared>>
      %dma_start3A_85 = tpu.memref_slice %arg13[%rem3A_48] : memref<2x!tpu.dma_semaphore, #tpu.memory_space<semaphore_mem>> -> memref<1x!tpu.dma_semaphore, #tpu.memory_space<semaphore_mem>>
      %dma_start3A_86 = tpu.memref_squeeze %dma_start3A_85 : memref<1x!tpu.dma_semaphore, #tpu.memory_space<semaphore_mem>> -> memref<!tpu.dma_semaphore, #tpu.memory_space<semaphore_mem>>
      tpu.enqueue_indirect_dma source(%dma_start3A_78 : memref<80x64xf32, #tpu.memory_space<vmem>>) target(%dma_start3A_84 : memref<10000x64xf32, #tpu.memory_space<vmem_shared>>) offsets(%dma_start3A_81 : memref<80xi32, #tpu.memory_space<vmem>>) semaphore(%dma_start3A_86 : memref<!tpu.dma_semaphore, #tpu.memory_space<semaphore_mem>>) {add = true}
    }
    %scan3A_28 = arith.constant 125 : i32
    %dma_wait3A = arith.constant 0 : i32
    %dma_wait3A_29 = arith.constant 124 : i32
    %dma_wait3A_30 = arith.constant 0 : i32
    %dma_wait3A_31 = arith.constant 0 : i32
    %dma_wait3A_32 = arith.constant 0 : i32
    %dma_wait3A_33 = arith.constant 0 : i32
    %dma_wait3A_34 = tpu.memref_slice %arg9[%dma_wait3A, %dma_wait3A_32, %dma_wait3A_33] : memref<2x80x64xf32, #tpu.memory_space<vmem>> -> memref<1x80x64xf32, #tpu.memory_space<vmem>>
    %dma_wait3A_35 = tpu.memref_squeeze %dma_wait3A_34 : memref<1x80x64xf32, #tpu.memory_space<vmem>> -> memref<80x64xf32, #tpu.memory_space<vmem>>
    %dma_wait3A_36 = arith.constant 0 : i32
    %dma_wait3A_37 = tpu.memref_slice %arg8[%dma_wait3A_29, %dma_wait3A_30, %dma_wait3A_36] : memref<125x1x80xi32, #tpu.memory_space<vmem>> -> memref<1x1x80xi32, #tpu.memory_space<vmem>>
    %dma_wait3A_38 = tpu.memref_squeeze %dma_wait3A_37 : memref<1x1x80xi32, #tpu.memory_space<vmem>> -> memref<80xi32, #tpu.memory_space<vmem>>
    %dma_wait3A_39 = arith.constant 0 : i32
    %dma_wait3A_40 = arith.constant 0 : i32
    %dma_wait3A_41 = tpu.memref_slice %arg11[%dma_wait3A_39, %dma_wait3A_40] : memref<10000x64xf32, #tpu.memory_space<vmem_shared>> -> memref<10000x64xf32, #tpu.memory_space<vmem_shared>>
    %dma_wait3A_42 = tpu.memref_slice %arg13[%dma_wait3A_31] : memref<2x!tpu.dma_semaphore, #tpu.memory_space<semaphore_mem>> -> memref<1x!tpu.dma_semaphore, #tpu.memory_space<semaphore_mem>>
    %dma_wait3A_43 = tpu.memref_squeeze %dma_wait3A_42 : memref<1x!tpu.dma_semaphore, #tpu.memory_space<semaphore_mem>> -> memref<!tpu.dma_semaphore, #tpu.memory_space<semaphore_mem>>
    tpu.wait_indirect_dma semaphore(%dma_wait3A_43 : memref<!tpu.dma_semaphore, #tpu.memory_space<semaphore_mem>>) src(%dma_wait3A_35 : memref<80x64xf32, #tpu.memory_space<vmem>>) dst(%dma_wait3A_41 : memref<10000x64xf32, #tpu.memory_space<vmem_shared>>)
    %barrier3A_44 = arith.constant 0 : index
    tpu.barrier barrier_id(%barrier3A_44)
    %mul3A_45 = arith.constant 625 : i32
    %mul3A_46 = arith.muli %arg1, %mul3A_45 : i32
    %run_scoped3A = arith.constant 0 : i32
    "tpu.region"() ({
      %run_scoped3A_47 = tpu.sem_alloc : memref<!tpu.dma_semaphore, #tpu.memory_space<semaphore_mem>>
      %dma_start3A_48 = arith.constant 0 : i32
      %dma_start3A_49 = arith.constant 0 : i32
      %dma_start3A_50 = tpu.memref_slice %arg6[%arg0, %run_scoped3A, %arg1, %dma_start3A_48, %dma_start3A_49] : memref<2x1x16x625x64xf32, #tpu.memory_space<hbm>> -> memref<1x1x1x625x64xf32, #tpu.memory_space<hbm>>
      %dma_start3A_51 = tpu.memref_squeeze %dma_start3A_50 : memref<1x1x1x625x64xf32, #tpu.memory_space<hbm>> -> memref<625x64xf32, #tpu.memory_space<hbm>>
      %dma_start3A_52 = arith.constant 0 : i32
      %dma_start3A_53 = tpu.memref_slice %arg11[%mul3A_46, %dma_start3A_52] : memref<10000x64xf32, #tpu.memory_space<vmem_shared>> -> memref<625x64xf32, #tpu.memory_space<vmem_shared>>
      tpu.enqueue_dma source(%dma_start3A_53 : memref<625x64xf32, #tpu.memory_space<vmem_shared>>) target(%dma_start3A_51 : memref<625x64xf32, #tpu.memory_space<hbm>>) target_semaphore(%run_scoped3A_47 : memref<!tpu.dma_semaphore, #tpu.memory_space<semaphore_mem>>)
      %dma_wait3A_54 = arith.constant 0 : i32
      %dma_wait3A_55 = arith.constant 0 : i32
      %dma_wait3A_56 = tpu.memref_slice %arg6[%arg0, %run_scoped3A, %arg1, %dma_wait3A_54, %dma_wait3A_55] : memref<2x1x16x625x64xf32, #tpu.memory_space<hbm>> -> memref<1x1x1x625x64xf32, #tpu.memory_space<hbm>>
      %dma_wait3A_57 = tpu.memref_squeeze %dma_wait3A_56 : memref<1x1x1x625x64xf32, #tpu.memory_space<hbm>> -> memref<625x64xf32, #tpu.memory_space<hbm>>
      %dma_wait3A_58 = arith.constant 0 : i32
      %dma_wait3A_59 = tpu.memref_slice %arg11[%mul3A_46, %dma_wait3A_58] : memref<10000x64xf32, #tpu.memory_space<vmem_shared>> -> memref<625x64xf32, #tpu.memory_space<vmem_shared>>
      tpu.wait_dma2 semaphore(%run_scoped3A_47 : memref<!tpu.dma_semaphore, #tpu.memory_space<semaphore_mem>>) src(%dma_wait3A_59 : memref<625x64xf32, #tpu.memory_space<vmem_shared>>) dst(%dma_wait3A_57 : memref<625x64xf32, #tpu.memory_space<hbm>>)
      tpu.yield
    }) : () -> ()
    return
  }
}

#map = affine_map<(d0, d1) -> (0, 0, 0)>
#map1 = affine_map<(d0, d1) -> (0, 0)>
#map2 = affine_map<(d0, d1) -> (0, 0, 0, 0)>
module attributes {stable_mosaic.version = 14 : i64} {
  func.func @k(%arg0: i32, %arg1: i32, %arg2: memref<4000x1x80xi32, #tpu.memory_space<hbm>>, %arg3: memref<625x16xf32, #tpu.memory_space<hbm>>, %arg4: memref<2x16x625x16xf32, #tpu.memory_space<hbm>>, %arg5: memref<125x1x80xi32, #tpu.memory_space<vmem>>, %arg6: memref<80x16xf32, #tpu.memory_space<vmem>>, %arg7: memref<10000x16xf32, #tpu.memory_space<vmem_shared>>, %arg8: memref<!tpu.dma_semaphore, #tpu.memory_space<semaphore_mem>>) attributes {dimension_semantics = [#tpu.dimension_semantics<core_parallel>, #tpu.dimension_semantics<subcore_parallel>], iteration_bounds = array<i64: 2, 16>, scalar_prefetch = 0 : i64, scratch_operands = 4 : i64, tpu.core_type = #tpu.core_type<sc_vector_subcore>, window_params = [{transform_indices = #map}, {transform_indices = #map1}, {transform_indices = #map2}]} {
    %mul3A = arith.constant 2 : i32
    %mul3A_0 = arith.muli %arg1, %mul3A : i32
    %add3A = arith.addi %mul3A_0, %arg0 : i32
    %scan3A = arith.constant 0 : i32
    %scan3A_1 = arith.constant 0 : i32
    %scan3A_2 = arith.constant 80 : i32
    %scan3A_3 = arith.addi %scan3A_1, %scan3A_2 : i32
    %scan3A_4 = arith.constant 1 : i32
    scf.for %scan3A_19 = %scan3A_1 to %scan3A_3 step %scan3A_4  : i32 {
      %broadcast_in_dim3A = arith.constant 1.000000e+00 : f32
      %broadcast_in_dim3A_20 = vector.broadcast %broadcast_in_dim3A : f32 to vector<16xf32>
      %swap3A = arith.index_cast %scan3A_19 : i32 to index
      %swap3A_21 = arith.constant 0 : index
      %swap3A_22 = tpu.vector_load %arg6[%swap3A, %swap3A_21] {strides = array<i32>} : memref<80x16xf32, #tpu.memory_space<vmem>>, vector<1x16xf32>,
      %swap3A_23 = vector.shape_cast %swap3A_22 : vector<1x16xf32> to vector<16xf32>
      %swap3A_24 = vector.shape_cast %broadcast_in_dim3A_20 : vector<16xf32> to vector<1x16xf32>
      tpu.vector_store %arg6[%swap3A, %swap3A_21], %swap3A_24 {strides = array<i32>} : memref<80x16xf32, #tpu.memory_space<vmem>>, vector<1x16xf32>,
    }
    %scan3A_5 = arith.constant 80 : i32
    %mul3A_6 = arith.constant 625 : i32
    %mul3A_7 = arith.muli %arg1, %mul3A_6 : i32
    "tpu.region"() ({
      %run_scoped3A = tpu.sem_alloc : memref<!tpu.dma_semaphore, #tpu.memory_space<semaphore_mem>>
      %dma_start3A = arith.constant 0 : i32
      %dma_start3A_19 = tpu.memref_slice %arg7[%mul3A_7, %dma_start3A] : memref<10000x16xf32, #tpu.memory_space<vmem_shared>> -> memref<625x16xf32, #tpu.memory_space<vmem_shared>>
      tpu.enqueue_dma source(%arg3 : memref<625x16xf32, #tpu.memory_space<hbm>>) target(%dma_start3A_19 : memref<625x16xf32, #tpu.memory_space<vmem_shared>>) target_semaphore(%run_scoped3A : memref<!tpu.dma_semaphore, #tpu.memory_space<semaphore_mem>>)
      %dma_wait3A = arith.constant 0 : i32
      %dma_wait3A_20 = tpu.memref_slice %arg7[%mul3A_7, %dma_wait3A] : memref<10000x16xf32, #tpu.memory_space<vmem_shared>> -> memref<625x16xf32, #tpu.memory_space<vmem_shared>>
      tpu.wait_dma2 semaphore(%run_scoped3A : memref<!tpu.dma_semaphore, #tpu.memory_space<semaphore_mem>>) src(%arg3 : memref<625x16xf32, #tpu.memory_space<hbm>>) dst(%dma_wait3A_20 : memref<625x16xf32, #tpu.memory_space<vmem_shared>>)
      tpu.yield
    }) : () -> ()
    %mul3A_8 = arith.constant 125 : i32
    %mul3A_9 = arith.muli %add3A, %mul3A_8 : i32
    "tpu.region"() ({
      %run_scoped3A = tpu.sem_alloc : memref<!tpu.dma_semaphore, #tpu.memory_space<semaphore_mem>>
      %dma_start3A = arith.constant 0 : i32
      %dma_start3A_19 = arith.constant 0 : i32
      %dma_start3A_20 = tpu.memref_slice %arg2[%mul3A_9, %dma_start3A, %dma_start3A_19] : memref<4000x1x80xi32, #tpu.memory_space<hbm>> -> memref<125x1x80xi32, #tpu.memory_space<hbm>>
      %dma_start3A_21 = arith.constant 0 : i32
      %dma_start3A_22 = arith.constant 0 : i32
      %dma_start3A_23 = tpu.memref_slice %arg2[%mul3A_9, %dma_start3A_21, %dma_start3A_22] : memref<4000x1x80xi32, #tpu.memory_space<hbm>> -> memref<125x1x80xi32, #tpu.memory_space<hbm>>
      tpu.enqueue_dma source(%dma_start3A_23 : memref<125x1x80xi32, #tpu.memory_space<hbm>>) target(%arg5 : memref<125x1x80xi32, #tpu.memory_space<vmem>>) target_semaphore(%run_scoped3A : memref<!tpu.dma_semaphore, #tpu.memory_space<semaphore_mem>>)
      %dma_wait3A = arith.constant 0 : i32
      %dma_wait3A_24 = arith.constant 0 : i32
      %dma_wait3A_25 = tpu.memref_slice %arg2[%mul3A_9, %dma_wait3A, %dma_wait3A_24] : memref<4000x1x80xi32, #tpu.memory_space<hbm>> -> memref<125x1x80xi32, #tpu.memory_space<hbm>>
      %dma_wait3A_26 = arith.constant 0 : i32
      %dma_wait3A_27 = arith.constant 0 : i32
      %dma_wait3A_28 = tpu.memref_slice %arg2[%mul3A_9, %dma_wait3A_26, %dma_wait3A_27] : memref<4000x1x80xi32, #tpu.memory_space<hbm>> -> memref<125x1x80xi32, #tpu.memory_space<hbm>>
      tpu.wait_dma2 semaphore(%run_scoped3A : memref<!tpu.dma_semaphore, #tpu.memory_space<semaphore_mem>>) src(%dma_wait3A_28 : memref<125x1x80xi32, #tpu.memory_space<hbm>>) dst(%arg5 : memref<125x1x80xi32, #tpu.memory_space<vmem>>)
      tpu.yield
    }) : () -> ()
    %barrier3A = arith.constant 0 : index
    tpu.barrier barrier_id(%barrier3A)
    %scan3A_10 = arith.constant 0 : i32
    %scan3A_11 = arith.constant 0 : i32
    %scan3A_12 = arith.constant 125 : i32
    %scan3A_13 = arith.addi %scan3A_11, %scan3A_12 : i32
    %scan3A_14 = arith.constant 1 : i32
    scf.for %scan3A_19 = %scan3A_11 to %scan3A_13 step %scan3A_14  : i32 {
      %run_scoped3A = arith.constant 0 : i32
      "tpu.region"() ({
        %run_scoped3A_20 = tpu.sem_alloc : memref<!tpu.dma_semaphore, #tpu.memory_space<semaphore_mem>>
        %dma_start3A = arith.constant 0 : i32
        %dma_start3A_21 = tpu.memref_slice %arg5[%scan3A_19, %run_scoped3A, %dma_start3A] : memref<125x1x80xi32, #tpu.memory_space<vmem>> -> memref<1x1x80xi32, #tpu.memory_space<vmem>>
        %dma_start3A_22 = tpu.memref_squeeze %dma_start3A_21 : memref<1x1x80xi32, #tpu.memory_space<vmem>> -> memref<80xi32, #tpu.memory_space<vmem>>
        %dma_start3A_23 = arith.constant 0 : i32
        %dma_start3A_24 = arith.constant 0 : i32
        %dma_start3A_25 = tpu.memref_slice %arg7[%dma_start3A_23, %dma_start3A_24] : memref<10000x16xf32, #tpu.memory_space<vmem_shared>> -> memref<10000x16xf32, #tpu.memory_space<vmem_shared>>
        tpu.enqueue_indirect_dma source(%arg6 : memref<80x16xf32, #tpu.memory_space<vmem>>) target(%dma_start3A_25 : memref<10000x16xf32, #tpu.memory_space<vmem_shared>>) offsets(%dma_start3A_22 : memref<80xi32, #tpu.memory_space<vmem>>) semaphore(%run_scoped3A_20 : memref<!tpu.dma_semaphore, #tpu.memory_space<semaphore_mem>>) {add = true}
        %dma_wait3A = arith.constant 0 : i32
        %dma_wait3A_26 = tpu.memref_slice %arg5[%scan3A_19, %run_scoped3A, %dma_wait3A] : memref<125x1x80xi32, #tpu.memory_space<vmem>> -> memref<1x1x80xi32, #tpu.memory_space<vmem>>
        %dma_wait3A_27 = tpu.memref_squeeze %dma_wait3A_26 : memref<1x1x80xi32, #tpu.memory_space<vmem>> -> memref<80xi32, #tpu.memory_space<vmem>>
        %dma_wait3A_28 = arith.constant 0 : i32
        %dma_wait3A_29 = arith.constant 0 : i32
        %dma_wait3A_30 = tpu.memref_slice %arg7[%dma_wait3A_28, %dma_wait3A_29] : memref<10000x16xf32, #tpu.memory_space<vmem_shared>> -> memref<10000x16xf32, #tpu.memory_space<vmem_shared>>
        tpu.wait_indirect_dma semaphore(%run_scoped3A_20 : memref<!tpu.dma_semaphore, #tpu.memory_space<semaphore_mem>>) src(%arg6 : memref<80x16xf32, #tpu.memory_space<vmem>>) dst(%dma_wait3A_30 : memref<10000x16xf32, #tpu.memory_space<vmem_shared>>)
        tpu.yield
      }) : () -> ()
    }
    %scan3A_15 = arith.constant 125 : i32
    %barrier3A_16 = arith.constant 0 : index
    tpu.barrier barrier_id(%barrier3A_16)
    %mul3A_17 = arith.constant 625 : i32
    %mul3A_18 = arith.muli %arg1, %mul3A_17 : i32
    "tpu.region"() ({
      %run_scoped3A = tpu.sem_alloc : memref<!tpu.dma_semaphore, #tpu.memory_space<semaphore_mem>>
      %dma_start3A = arith.constant 0 : i32
      %dma_start3A_19 = arith.constant 0 : i32
      %dma_start3A_20 = tpu.memref_slice %arg4[%arg0, %arg1, %dma_start3A, %dma_start3A_19] : memref<2x16x625x16xf32, #tpu.memory_space<hbm>> -> memref<1x1x625x16xf32, #tpu.memory_space<hbm>>
      %dma_start3A_21 = tpu.memref_squeeze %dma_start3A_20 : memref<1x1x625x16xf32, #tpu.memory_space<hbm>> -> memref<625x16xf32, #tpu.memory_space<hbm>>
      %dma_start3A_22 = arith.constant 0 : i32
      %dma_start3A_23 = tpu.memref_slice %arg7[%mul3A_18, %dma_start3A_22] : memref<10000x16xf32, #tpu.memory_space<vmem_shared>> -> memref<625x16xf32, #tpu.memory_space<vmem_shared>>
      tpu.enqueue_dma source(%dma_start3A_23 : memref<625x16xf32, #tpu.memory_space<vmem_shared>>) target(%dma_start3A_21 : memref<625x16xf32, #tpu.memory_space<hbm>>) target_semaphore(%run_scoped3A : memref<!tpu.dma_semaphore, #tpu.memory_space<semaphore_mem>>)
      %dma_wait3A = arith.constant 0 : i32
      %dma_wait3A_24 = arith.constant 0 : i32
      %dma_wait3A_25 = tpu.memref_slice %arg4[%arg0, %arg1, %dma_wait3A, %dma_wait3A_24] : memref<2x16x625x16xf32, #tpu.memory_space<hbm>> -> memref<1x1x625x16xf32, #tpu.memory_space<hbm>>
      %dma_wait3A_26 = tpu.memref_squeeze %dma_wait3A_25 : memref<1x1x625x16xf32, #tpu.memory_space<hbm>> -> memref<625x16xf32, #tpu.memory_space<hbm>>
      %dma_wait3A_27 = arith.constant 0 : i32
      %dma_wait3A_28 = tpu.memref_slice %arg7[%mul3A_18, %dma_wait3A_27] : memref<10000x16xf32, #tpu.memory_space<vmem_shared>> -> memref<625x16xf32, #tpu.memory_space<vmem_shared>>
      tpu.wait_dma2 semaphore(%run_scoped3A : memref<!tpu.dma_semaphore, #tpu.memory_space<semaphore_mem>>) src(%dma_wait3A_28 : memref<625x16xf32, #tpu.memory_space<vmem_shared>>) dst(%dma_wait3A_26 : memref<625x16xf32, #tpu.memory_space<hbm>>)
      tpu.yield
    }) : () -> ()
    return
  }
}

#map = affine_map<(d0, d1) -> (0, 0, 0)>
#map1 = affine_map<(d0, d1) -> (0, 0)>
#map2 = affine_map<(d0, d1) -> (0, 0, 0, 0, 0)>
module attributes {stable_mosaic.version = 14 : i64} {
  func.func @k(%arg0: i32, %arg1: i32, %arg2: memref<16x625x64xf32, #tpu.memory_space<hbm>>, %arg3: memref<16x625x64xf32, #tpu.memory_space<hbm>>, %arg4: memref<4000x1x80xi32, #tpu.memory_space<hbm>>, %arg5: memref<4000x1x80xi32, #tpu.memory_space<hbm>>, %arg6: memref<625x64xf32, #tpu.memory_space<hbm>>, %arg7: memref<2x2x16x625x64xf32, #tpu.memory_space<hbm>>, %arg8: memref<125x1x80xi32, #tpu.memory_space<vmem>>, %arg9: memref<125x1x80xi32, #tpu.memory_space<vmem>>, %arg10: memref<2x80x64xf32, #tpu.memory_space<vmem>>, %arg11: memref<10000x64xf32, #tpu.memory_space<vmem_shared>>, %arg12: memref<10000x64xf32, #tpu.memory_space<vmem_shared>>, %arg13: memref<2x!tpu.dma_semaphore, #tpu.memory_space<semaphore_mem>>, %arg14: memref<2x!tpu.dma_semaphore, #tpu.memory_space<semaphore_mem>>) attributes {dimension_semantics = [#tpu.dimension_semantics<core_parallel>, #tpu.dimension_semantics<subcore_parallel>], iteration_bounds = array<i64: 2, 16>, scalar_prefetch = 0 : i64, scratch_operands = 7 : i64, tpu.core_type = #tpu.core_type<sc_vector_subcore>, window_params = [{transform_indices = #map}, {transform_indices = #map}, {transform_indices = #map}, {transform_indices = #map}, {transform_indices = #map1}, {transform_indices = #map2}]} {
    %mul3A = arith.constant 2 : i32
    %mul3A_0 = arith.muli %arg1, %mul3A : i32
    %add3A = arith.addi %mul3A_0, %arg0 : i32
    %mul3A_1 = arith.constant 125 : i32
    %mul3A_2 = arith.muli %add3A, %mul3A_1 : i32
    "tpu.region"() ({
      %run_scoped3A_94 = tpu.sem_alloc : memref<!tpu.dma_semaphore, #tpu.memory_space<semaphore_mem>>
      %dma_start3A_95 = arith.constant 0 : i32
      %dma_start3A_96 = arith.constant 0 : i32
      %dma_start3A_97 = tpu.memref_slice %arg4[%mul3A_2, %dma_start3A_95, %dma_start3A_96] : memref<4000x1x80xi32, #tpu.memory_space<hbm>> -> memref<125x1x80xi32, #tpu.memory_space<hbm>>
      %dma_start3A_98 = arith.constant 0 : i32
      %dma_start3A_99 = arith.constant 0 : i32
      %dma_start3A_100 = tpu.memref_slice %arg4[%mul3A_2, %dma_start3A_98, %dma_start3A_99] : memref<4000x1x80xi32, #tpu.memory_space<hbm>> -> memref<125x1x80xi32, #tpu.memory_space<hbm>>
      tpu.enqueue_dma source(%dma_start3A_100 : memref<125x1x80xi32, #tpu.memory_space<hbm>>) target(%arg8 : memref<125x1x80xi32, #tpu.memory_space<vmem>>) target_semaphore(%run_scoped3A_94 : memref<!tpu.dma_semaphore, #tpu.memory_space<semaphore_mem>>)
      %dma_wait3A_101 = arith.constant 0 : i32
      %dma_wait3A_102 = arith.constant 0 : i32
      %dma_wait3A_103 = tpu.memref_slice %arg4[%mul3A_2, %dma_wait3A_101, %dma_wait3A_102] : memref<4000x1x80xi32, #tpu.memory_space<hbm>> -> memref<125x1x80xi32, #tpu.memory_space<hbm>>
      %dma_wait3A_104 = arith.constant 0 : i32
      %dma_wait3A_105 = arith.constant 0 : i32
      %dma_wait3A_106 = tpu.memref_slice %arg4[%mul3A_2, %dma_wait3A_104, %dma_wait3A_105] : memref<4000x1x80xi32, #tpu.memory_space<hbm>> -> memref<125x1x80xi32, #tpu.memory_space<hbm>>
      tpu.wait_dma2 semaphore(%run_scoped3A_94 : memref<!tpu.dma_semaphore, #tpu.memory_space<semaphore_mem>>) src(%dma_wait3A_106 : memref<125x1x80xi32, #tpu.memory_space<hbm>>) dst(%arg8 : memref<125x1x80xi32, #tpu.memory_space<vmem>>)
      tpu.yield
    }) : () -> ()
    %mul3A_3 = arith.constant 125 : i32
    %mul3A_4 = arith.muli %add3A, %mul3A_3 : i32
    "tpu.region"() ({
      %run_scoped3A_94 = tpu.sem_alloc : memref<!tpu.dma_semaphore, #tpu.memory_space<semaphore_mem>>
      %dma_start3A_95 = arith.constant 0 : i32
      %dma_start3A_96 = arith.constant 0 : i32
      %dma_start3A_97 = tpu.memref_slice %arg5[%mul3A_4, %dma_start3A_95, %dma_start3A_96] : memref<4000x1x80xi32, #tpu.memory_space<hbm>> -> memref<125x1x80xi32, #tpu.memory_space<hbm>>
      %dma_start3A_98 = arith.constant 0 : i32
      %dma_start3A_99 = arith.constant 0 : i32
      %dma_start3A_100 = tpu.memref_slice %arg5[%mul3A_4, %dma_start3A_98, %dma_start3A_99] : memref<4000x1x80xi32, #tpu.memory_space<hbm>> -> memref<125x1x80xi32, #tpu.memory_space<hbm>>
      tpu.enqueue_dma source(%dma_start3A_100 : memref<125x1x80xi32, #tpu.memory_space<hbm>>) target(%arg9 : memref<125x1x80xi32, #tpu.memory_space<vmem>>) target_semaphore(%run_scoped3A_94 : memref<!tpu.dma_semaphore, #tpu.memory_space<semaphore_mem>>)
      %dma_wait3A_101 = arith.constant 0 : i32
      %dma_wait3A_102 = arith.constant 0 : i32
      %dma_wait3A_103 = tpu.memref_slice %arg5[%mul3A_4, %dma_wait3A_101, %dma_wait3A_102] : memref<4000x1x80xi32, #tpu.memory_space<hbm>> -> memref<125x1x80xi32, #tpu.memory_space<hbm>>
      %dma_wait3A_104 = arith.constant 0 : i32
      %dma_wait3A_105 = arith.constant 0 : i32
      %dma_wait3A_106 = tpu.memref_slice %arg5[%mul3A_4, %dma_wait3A_104, %dma_wait3A_105] : memref<4000x1x80xi32, #tpu.memory_space<hbm>> -> memref<125x1x80xi32, #tpu.memory_space<hbm>>
      tpu.wait_dma2 semaphore(%run_scoped3A_94 : memref<!tpu.dma_semaphore, #tpu.memory_space<semaphore_mem>>) src(%dma_wait3A_106 : memref<125x1x80xi32, #tpu.memory_space<hbm>>) dst(%arg9 : memref<125x1x80xi32, #tpu.memory_space<vmem>>)
      tpu.yield
    }) : () -> ()
    %mul3A_5 = arith.constant 625 : i32
    %mul3A_6 = arith.muli %arg1, %mul3A_5 : i32
    "tpu.region"() ({
      %run_scoped3A_94 = tpu.sem_alloc : memref<!tpu.dma_semaphore, #tpu.memory_space<semaphore_mem>>
      %dma_start3A_95 = arith.constant 0 : i32
      %dma_start3A_96 = tpu.memref_slice %arg11[%mul3A_6, %dma_start3A_95] : memref<10000x64xf32, #tpu.memory_space<vmem_shared>> -> memref<625x64xf32, #tpu.memory_space<vmem_shared>>
      %dma_start3A_97 = arith.constant 0 : i32
      %dma_start3A_98 = arith.constant 0 : i32
      %dma_start3A_99 = tpu.memref_slice %arg2[%arg1, %dma_start3A_97, %dma_start3A_98] : memref<16x625x64xf32, #tpu.memory_space<hbm>> -> memref<1x625x64xf32, #tpu.memory_space<hbm>>
      %dma_start3A_100 = tpu.memref_squeeze %dma_start3A_99 : memref<1x625x64xf32, #tpu.memory_space<hbm>> -> memref<625x64xf32, #tpu.memory_space<hbm>>
      tpu.enqueue_dma source(%dma_start3A_100 : memref<625x64xf32, #tpu.memory_space<hbm>>) target(%dma_start3A_96 : memref<625x64xf32, #tpu.memory_space<vmem_shared>>) target_semaphore(%run_scoped3A_94 : memref<!tpu.dma_semaphore, #tpu.memory_space<semaphore_mem>>)
      %dma_wait3A_101 = arith.constant 0 : i32
      %dma_wait3A_102 = tpu.memref_slice %arg11[%mul3A_6, %dma_wait3A_101] : memref<10000x64xf32, #tpu.memory_space<vmem_shared>> -> memref<625x64xf32, #tpu.memory_space<vmem_shared>>
      %dma_wait3A_103 = arith.constant 0 : i32
      %dma_wait3A_104 = arith.constant 0 : i32
      %dma_wait3A_105 = tpu.memref_slice %arg2[%arg1, %dma_wait3A_103, %dma_wait3A_104] : memref<16x625x64xf32, #tpu.memory_space<hbm>> -> memref<1x625x64xf32, #tpu.memory_space<hbm>>
      %dma_wait3A_106 = tpu.memref_squeeze %dma_wait3A_105 : memref<1x625x64xf32, #tpu.memory_space<hbm>> -> memref<625x64xf32, #tpu.memory_space<hbm>>
      tpu.wait_dma2 semaphore(%run_scoped3A_94 : memref<!tpu.dma_semaphore, #tpu.memory_space<semaphore_mem>>) src(%dma_wait3A_106 : memref<625x64xf32, #tpu.memory_space<hbm>>) dst(%dma_wait3A_102 : memref<625x64xf32, #tpu.memory_space<vmem_shared>>)
      tpu.yield
    }) : () -> ()
    %mul3A_7 = arith.constant 625 : i32
    %mul3A_8 = arith.muli %arg1, %mul3A_7 : i32
    "tpu.region"() ({
      %run_scoped3A_94 = tpu.sem_alloc : memref<!tpu.dma_semaphore, #tpu.memory_space<semaphore_mem>>
      %dma_start3A_95 = arith.constant 0 : i32
      %dma_start3A_96 = tpu.memref_slice %arg12[%mul3A_8, %dma_start3A_95] : memref<10000x64xf32, #tpu.memory_space<vmem_shared>> -> memref<625x64xf32, #tpu.memory_space<vmem_shared>>
      tpu.enqueue_dma source(%arg6 : memref<625x64xf32, #tpu.memory_space<hbm>>) target(%dma_start3A_96 : memref<625x64xf32, #tpu.memory_space<vmem_shared>>) target_semaphore(%run_scoped3A_94 : memref<!tpu.dma_semaphore, #tpu.memory_space<semaphore_mem>>)
      %dma_wait3A_97 = arith.constant 0 : i32
      %dma_wait3A_98 = tpu.memref_slice %arg12[%mul3A_8, %dma_wait3A_97] : memref<10000x64xf32, #tpu.memory_space<vmem_shared>> -> memref<625x64xf32, #tpu.memory_space<vmem_shared>>
      tpu.wait_dma2 semaphore(%run_scoped3A_94 : memref<!tpu.dma_semaphore, #tpu.memory_space<semaphore_mem>>) src(%arg6 : memref<625x64xf32, #tpu.memory_space<hbm>>) dst(%dma_wait3A_98 : memref<625x64xf32, #tpu.memory_space<vmem_shared>>)
      tpu.yield
    }) : () -> ()
    %barrier3A = arith.constant 0 : index
    tpu.barrier barrier_id(%barrier3A)
    %dma_start3A = arith.constant 0 : i32
    %dma_start3A_9 = arith.constant 0 : i32
    %dma_start3A_10 = arith.constant 0 : i32
    %dma_start3A_11 = arith.constant 0 : i32
    %dma_start3A_12 = arith.constant 0 : i32
    %dma_start3A_13 = arith.constant 0 : i32
    %dma_start3A_14 = tpu.memref_slice %arg10[%dma_start3A_10, %dma_start3A_12, %dma_start3A_13] : memref<2x80x64xf32, #tpu.memory_space<vmem>> -> memref<1x80x64xf32, #tpu.memory_space<vmem>>
    %dma_start3A_15 = tpu.memref_squeeze %dma_start3A_14 : memref<1x80x64xf32, #tpu.memory_space<vmem>> -> memref<80x64xf32, #tpu.memory_space<vmem>>
    %dma_start3A_16 = arith.constant 0 : i32
    %dma_start3A_17 = tpu.memref_slice %arg8[%dma_start3A, %dma_start3A_9, %dma_start3A_16] : memref<125x1x80xi32, #tpu.memory_space<vmem>> -> memref<1x1x80xi32, #tpu.memory_space<vmem>>
    %dma_start3A_18 = tpu.memref_squeeze %dma_start3A_17 : memref<1x1x80xi32, #tpu.memory_space<vmem>> -> memref<80xi32, #tpu.memory_space<vmem>>
    %dma_start3A_19 = arith.constant 0 : i32
    %dma_start3A_20 = arith.constant 0 : i32
    %dma_start3A_21 = tpu.memref_slice %arg11[%dma_start3A_19, %dma_start3A_20] : memref<10000x64xf32, #tpu.memory_space<vmem_shared>> -> memref<10000x64xf32, #tpu.memory_space<vmem_shared>>
    %dma_start3A_22 = tpu.memref_slice %arg13[%dma_start3A_11] : memref<2x!tpu.dma_semaphore, #tpu.memory_space<semaphore_mem>> -> memref<1x!tpu.dma_semaphore, #tpu.memory_space<semaphore_mem>>
    %dma_start3A_23 = tpu.memref_squeeze %dma_start3A_22 : memref<1x!tpu.dma_semaphore, #tpu.memory_space<semaphore_mem>> -> memref<!tpu.dma_semaphore, #tpu.memory_space<semaphore_mem>>
    tpu.enqueue_indirect_dma source(%dma_start3A_21 : memref<10000x64xf32, #tpu.memory_space<vmem_shared>>) target(%dma_start3A_15 : memref<80x64xf32, #tpu.memory_space<vmem>>) offsets(%dma_start3A_18 : memref<80xi32, #tpu.memory_space<vmem>>) semaphore(%dma_start3A_23 : memref<!tpu.dma_semaphore, #tpu.memory_space<semaphore_mem>>)
    %scan3A = arith.constant 0 : i32
    %scan3A_24 = arith.constant 0 : i32
    %scan3A_25 = arith.constant 125 : i32
    %scan3A_26 = arith.addi %scan3A_24, %scan3A_25 : i32
    %scan3A_27 = arith.constant 1 : i32
    scf.for %scan3A_94 = %scan3A_24 to %scan3A_26 step %scan3A_27  : i32 {
      %rem3A = arith.constant 2 : i32
      %rem3A_95 = arith.remsi %scan3A_94, %rem3A : i32
      %add3A_96 = arith.constant 1 : i32
      %add3A_97 = arith.addi %scan3A_94, %add3A_96 : i32
      %rem3A_98 = arith.constant 2 : i32
      %rem3A_99 = arith.remsi %add3A_97, %rem3A_98 : i32
      %ge3A = arith.constant 1 : i32
      %ge3A_100 = arith.cmpi sge, %scan3A_94, %ge3A : i32
      %convert_element_type3A = arith.extui %ge3A_100 : i1 to i32
      %cond3A = arith.constant 0 : i32
      %cond3A_101 = arith.cmpi ne, %convert_element_type3A, %cond3A : i32
      scf.if %cond3A_101 {
        %sub3A = arith.constant 1 : i32
        %sub3A_134 = arith.subi %scan3A_94, %sub3A : i32
        %dma_wait3A_135 = arith.constant 0 : i32
        %dma_wait3A_136 = arith.constant 0 : i32
        %dma_wait3A_137 = arith.constant 0 : i32
        %dma_wait3A_138 = tpu.memref_slice %arg10[%rem3A_99, %dma_wait3A_136, %dma_wait3A_137] : memref<2x80x64xf32, #tpu.memory_space<vmem>> -> memref<1x80x64xf32, #tpu.memory_space<vmem>>
        %dma_wait3A_139 = tpu.memref_squeeze %dma_wait3A_138 : memref<1x80x64xf32, #tpu.memory_space<vmem>> -> memref<80x64xf32, #tpu.memory_space<vmem>>
        %dma_wait3A_140 = arith.constant 0 : i32
        %dma_wait3A_141 = tpu.memref_slice %arg9[%sub3A_134, %dma_wait3A_135, %dma_wait3A_140] : memref<125x1x80xi32, #tpu.memory_space<vmem>> -> memref<1x1x80xi32, #tpu.memory_space<vmem>>
        %dma_wait3A_142 = tpu.memref_squeeze %dma_wait3A_141 : memref<1x1x80xi32, #tpu.memory_space<vmem>> -> memref<80xi32, #tpu.memory_space<vmem>>
        %dma_wait3A_143 = arith.constant 0 : i32
        %dma_wait3A_144 = arith.constant 0 : i32
        %dma_wait3A_145 = tpu.memref_slice %arg12[%dma_wait3A_143, %dma_wait3A_144] : memref<10000x64xf32, #tpu.memory_space<vmem_shared>> -> memref<10000x64xf32, #tpu.memory_space<vmem_shared>>
        %dma_wait3A_146 = tpu.memref_slice %arg14[%rem3A_99] : memref<2x!tpu.dma_semaphore, #tpu.memory_space<semaphore_mem>> -> memref<1x!tpu.dma_semaphore, #tpu.memory_space<semaphore_mem>>
        %dma_wait3A_147 = tpu.memref_squeeze %dma_wait3A_146 : memref<1x!tpu.dma_semaphore, #tpu.memory_space<semaphore_mem>> -> memref<!tpu.dma_semaphore, #tpu.memory_space<semaphore_mem>>
        tpu.wait_indirect_dma semaphore(%dma_wait3A_147 : memref<!tpu.dma_semaphore, #tpu.memory_space<semaphore_mem>>) src(%dma_wait3A_139 : memref<80x64xf32, #tpu.memory_space<vmem>>) dst(%dma_wait3A_145 : memref<10000x64xf32, #tpu.memory_space<vmem_shared>>)
      } else {
      }
      %add3A_102 = arith.constant 1 : i32
      %add3A_103 = arith.addi %scan3A_94, %add3A_102 : i32
      %lt3A = arith.constant 125 : i32
      %lt3A_104 = arith.cmpi slt, %add3A_103, %lt3A : i32
      %convert_element_type3A_105 = arith.extui %lt3A_104 : i1 to i32
      %cond3A_106 = arith.constant 0 : i32
      %cond3A_107 = arith.cmpi ne, %convert_element_type3A_105, %cond3A_106 : i32
      scf.if %cond3A_107 {
        %add3A_134 = arith.constant 1 : i32
        %add3A_135 = arith.addi %scan3A_94, %add3A_134 : i32
        %dma_start3A_136 = arith.constant 0 : i32
        %dma_start3A_137 = arith.constant 0 : i32
        %dma_start3A_138 = arith.constant 0 : i32
        %dma_start3A_139 = tpu.memref_slice %arg10[%rem3A_99, %dma_start3A_137, %dma_start3A_138] : memref<2x80x64xf32, #tpu.memory_space<vmem>> -> memref<1x80x64xf32, #tpu.memory_space<vmem>>
        %dma_start3A_140 = tpu.memref_squeeze %dma_start3A_139 : memref<1x80x64xf32, #tpu.memory_space<vmem>> -> memref<80x64xf32, #tpu.memory_space<vmem>>
        %dma_start3A_141 = arith.constant 0 : i32
        %dma_start3A_142 = tpu.memref_slice %arg8[%add3A_135, %dma_start3A_136, %dma_start3A_141] : memref<125x1x80xi32, #tpu.memory_space<vmem>> -> memref<1x1x80xi32, #tpu.memory_space<vmem>>
        %dma_start3A_143 = tpu.memref_squeeze %dma_start3A_142 : memref<1x1x80xi32, #tpu.memory_space<vmem>> -> memref<80xi32, #tpu.memory_space<vmem>>
        %dma_start3A_144 = arith.constant 0 : i32
        %dma_start3A_145 = arith.constant 0 : i32
        %dma_start3A_146 = tpu.memref_slice %arg11[%dma_start3A_144, %dma_start3A_145] : memref<10000x64xf32, #tpu.memory_space<vmem_shared>> -> memref<10000x64xf32, #tpu.memory_space<vmem_shared>>
        %dma_start3A_147 = tpu.memref_slice %arg13[%rem3A_99] : memref<2x!tpu.dma_semaphore, #tpu.memory_space<semaphore_mem>> -> memref<1x!tpu.dma_semaphore, #tpu.memory_space<semaphore_mem>>
        %dma_start3A_148 = tpu.memref_squeeze %dma_start3A_147 : memref<1x!tpu.dma_semaphore, #tpu.memory_space<semaphore_mem>> -> memref<!tpu.dma_semaphore, #tpu.memory_space<semaphore_mem>>
        tpu.enqueue_indirect_dma source(%dma_start3A_146 : memref<10000x64xf32, #tpu.memory_space<vmem_shared>>) target(%dma_start3A_140 : memref<80x64xf32, #tpu.memory_space<vmem>>) offsets(%dma_start3A_143 : memref<80xi32, #tpu.memory_space<vmem>>) semaphore(%dma_start3A_148 : memref<!tpu.dma_semaphore, #tpu.memory_space<semaphore_mem>>)
      } else {
      }
      %dma_wait3A_108 = arith.constant 0 : i32
      %dma_wait3A_109 = arith.constant 0 : i32
      %dma_wait3A_110 = arith.constant 0 : i32
      %dma_wait3A_111 = tpu.memref_slice %arg10[%rem3A_95, %dma_wait3A_109, %dma_wait3A_110] : memref<2x80x64xf32, #tpu.memory_space<vmem>> -> memref<1x80x64xf32, #tpu.memory_space<vmem>>
      %dma_wait3A_112 = tpu.memref_squeeze %dma_wait3A_111 : memref<1x80x64xf32, #tpu.memory_space<vmem>> -> memref<80x64xf32, #tpu.memory_space<vmem>>
      %dma_wait3A_113 = arith.constant 0 : i32
      %dma_wait3A_114 = tpu.memref_slice %arg8[%scan3A_94, %dma_wait3A_108, %dma_wait3A_113] : memref<125x1x80xi32, #tpu.memory_space<vmem>> -> memref<1x1x80xi32, #tpu.memory_space<vmem>>
      %dma_wait3A_115 = tpu.memref_squeeze %dma_wait3A_114 : memref<1x1x80xi32, #tpu.memory_space<vmem>> -> memref<80xi32, #tpu.memory_space<vmem>>
      %dma_wait3A_116 = arith.constant 0 : i32
      %dma_wait3A_117 = arith.constant 0 : i32
      %dma_wait3A_118 = tpu.memref_slice %arg11[%dma_wait3A_116, %dma_wait3A_117] : memref<10000x64xf32, #tpu.memory_space<vmem_shared>> -> memref<10000x64xf32, #tpu.memory_space<vmem_shared>>
      %dma_wait3A_119 = tpu.memref_slice %arg13[%rem3A_95] : memref<2x!tpu.dma_semaphore, #tpu.memory_space<semaphore_mem>> -> memref<1x!tpu.dma_semaphore, #tpu.memory_space<semaphore_mem>>
      %dma_wait3A_120 = tpu.memref_squeeze %dma_wait3A_119 : memref<1x!tpu.dma_semaphore, #tpu.memory_space<semaphore_mem>> -> memref<!tpu.dma_semaphore, #tpu.memory_space<semaphore_mem>>
      tpu.wait_indirect_dma semaphore(%dma_wait3A_120 : memref<!tpu.dma_semaphore, #tpu.memory_space<semaphore_mem>>) src(%dma_wait3A_118 : memref<10000x64xf32, #tpu.memory_space<vmem_shared>>) dst(%dma_wait3A_112 : memref<80x64xf32, #tpu.memory_space<vmem>>)
      %dma_start3A_121 = arith.constant 0 : i32
      %dma_start3A_122 = arith.constant 0 : i32
      %dma_start3A_123 = arith.constant 0 : i32
      %dma_start3A_124 = tpu.memref_slice %arg10[%rem3A_95, %dma_start3A_122, %dma_start3A_123] : memref<2x80x64xf32, #tpu.memory_space<vmem>> -> memref<1x80x64xf32, #tpu.memory_space<vmem>>
      %dma_start3A_125 = tpu.memref_squeeze %dma_start3A_124 : memref<1x80x64xf32, #tpu.memory_space<vmem>> -> memref<80x64xf32, #tpu.memory_space<vmem>>
      %dma_start3A_126 = arith.constant 0 : i32
      %dma_start3A_127 = tpu.memref_slice %arg9[%scan3A_94, %dma_start3A_121, %dma_start3A_126] : memref<125x1x80xi32, #tpu.memory_space<vmem>> -> memref<1x1x80xi32, #tpu.memory_space<vmem>>
      %dma_start3A_128 = tpu.memref_squeeze %dma_start3A_127 : memref<1x1x80xi32, #tpu.memory_space<vmem>> -> memref<80xi32, #tpu.memory_space<vmem>>
      %dma_start3A_129 = arith.constant 0 : i32
      %dma_start3A_130 = arith.constant 0 : i32
      %dma_start3A_131 = tpu.memref_slice %arg12[%dma_start3A_129, %dma_start3A_130] : memref<10000x64xf32, #tpu.memory_space<vmem_shared>> -> memref<10000x64xf32, #tpu.memory_space<vmem_shared>>
      %dma_start3A_132 = tpu.memref_slice %arg14[%rem3A_95] : memref<2x!tpu.dma_semaphore, #tpu.memory_space<semaphore_mem>> -> memref<1x!tpu.dma_semaphore, #tpu.memory_space<semaphore_mem>>
      %dma_start3A_133 = tpu.memref_squeeze %dma_start3A_132 : memref<1x!tpu.dma_semaphore, #tpu.memory_space<semaphore_mem>> -> memref<!tpu.dma_semaphore, #tpu.memory_space<semaphore_mem>>
      tpu.enqueue_indirect_dma source(%dma_start3A_125 : memref<80x64xf32, #tpu.memory_space<vmem>>) target(%dma_start3A_131 : memref<10000x64xf32, #tpu.memory_space<vmem_shared>>) offsets(%dma_start3A_128 : memref<80xi32, #tpu.memory_space<vmem>>) semaphore(%dma_start3A_133 : memref<!tpu.dma_semaphore, #tpu.memory_space<semaphore_mem>>) {add = true}
    }
    %scan3A_28 = arith.constant 125 : i32
    %dma_wait3A = arith.constant 0 : i32
    %dma_wait3A_29 = arith.constant 124 : i32
    %dma_wait3A_30 = arith.constant 0 : i32
    %dma_wait3A_31 = arith.constant 0 : i32
    %dma_wait3A_32 = arith.constant 0 : i32
    %dma_wait3A_33 = arith.constant 0 : i32
    %dma_wait3A_34 = tpu.memref_slice %arg10[%dma_wait3A, %dma_wait3A_32, %dma_wait3A_33] : memref<2x80x64xf32, #tpu.memory_space<vmem>> -> memref<1x80x64xf32, #tpu.memory_space<vmem>>
    %dma_wait3A_35 = tpu.memref_squeeze %dma_wait3A_34 : memref<1x80x64xf32, #tpu.memory_space<vmem>> -> memref<80x64xf32, #tpu.memory_space<vmem>>
    %dma_wait3A_36 = arith.constant 0 : i32
    %dma_wait3A_37 = tpu.memref_slice %arg9[%dma_wait3A_29, %dma_wait3A_30, %dma_wait3A_36] : memref<125x1x80xi32, #tpu.memory_space<vmem>> -> memref<1x1x80xi32, #tpu.memory_space<vmem>>
    %dma_wait3A_38 = tpu.memref_squeeze %dma_wait3A_37 : memref<1x1x80xi32, #tpu.memory_space<vmem>> -> memref<80xi32, #tpu.memory_space<vmem>>
    %dma_wait3A_39 = arith.constant 0 : i32
    %dma_wait3A_40 = arith.constant 0 : i32
    %dma_wait3A_41 = tpu.memref_slice %arg12[%dma_wait3A_39, %dma_wait3A_40] : memref<10000x64xf32, #tpu.memory_space<vmem_shared>> -> memref<10000x64xf32, #tpu.memory_space<vmem_shared>>
    %dma_wait3A_42 = tpu.memref_slice %arg14[%dma_wait3A_31] : memref<2x!tpu.dma_semaphore, #tpu.memory_space<semaphore_mem>> -> memref<1x!tpu.dma_semaphore, #tpu.memory_space<semaphore_mem>>
    %dma_wait3A_43 = tpu.memref_squeeze %dma_wait3A_42 : memref<1x!tpu.dma_semaphore, #tpu.memory_space<semaphore_mem>> -> memref<!tpu.dma_semaphore, #tpu.memory_space<semaphore_mem>>
    tpu.wait_indirect_dma semaphore(%dma_wait3A_43 : memref<!tpu.dma_semaphore, #tpu.memory_space<semaphore_mem>>) src(%dma_wait3A_35 : memref<80x64xf32, #tpu.memory_space<vmem>>) dst(%dma_wait3A_41 : memref<10000x64xf32, #tpu.memory_space<vmem_shared>>)
    %barrier3A_44 = arith.constant 0 : index
    tpu.barrier barrier_id(%barrier3A_44)
    %mul3A_45 = arith.constant 625 : i32
    %mul3A_46 = arith.muli %arg1, %mul3A_45 : i32
    %run_scoped3A = arith.constant 0 : i32
    "tpu.region"() ({
      %run_scoped3A_94 = tpu.sem_alloc : memref<!tpu.dma_semaphore, #tpu.memory_space<semaphore_mem>>
      %dma_start3A_95 = arith.constant 0 : i32
      %dma_start3A_96 = arith.constant 0 : i32
      %dma_start3A_97 = tpu.memref_slice %arg7[%arg0, %run_scoped3A, %arg1, %dma_start3A_95, %dma_start3A_96] : memref<2x2x16x625x64xf32, #tpu.memory_space<hbm>> -> memref<1x1x1x625x64xf32, #tpu.memory_space<hbm>>
      %dma_start3A_98 = tpu.memref_squeeze %dma_start3A_97 : memref<1x1x1x625x64xf32, #tpu.memory_space<hbm>> -> memref<625x64xf32, #tpu.memory_space<hbm>>
      %dma_start3A_99 = arith.constant 0 : i32
      %dma_start3A_100 = tpu.memref_slice %arg12[%mul3A_46, %dma_start3A_99] : memref<10000x64xf32, #tpu.memory_space<vmem_shared>> -> memref<625x64xf32, #tpu.memory_space<vmem_shared>>
      tpu.enqueue_dma source(%dma_start3A_100 : memref<625x64xf32, #tpu.memory_space<vmem_shared>>) target(%dma_start3A_98 : memref<625x64xf32, #tpu.memory_space<hbm>>) target_semaphore(%run_scoped3A_94 : memref<!tpu.dma_semaphore, #tpu.memory_space<semaphore_mem>>)
      %dma_wait3A_101 = arith.constant 0 : i32
      %dma_wait3A_102 = arith.constant 0 : i32
      %dma_wait3A_103 = tpu.memref_slice %arg7[%arg0, %run_scoped3A, %arg1, %dma_wait3A_101, %dma_wait3A_102] : memref<2x2x16x625x64xf32, #tpu.memory_space<hbm>> -> memref<1x1x1x625x64xf32, #tpu.memory_space<hbm>>
      %dma_wait3A_104 = tpu.memref_squeeze %dma_wait3A_103 : memref<1x1x1x625x64xf32, #tpu.memory_space<hbm>> -> memref<625x64xf32, #tpu.memory_space<hbm>>
      %dma_wait3A_105 = arith.constant 0 : i32
      %dma_wait3A_106 = tpu.memref_slice %arg12[%mul3A_46, %dma_wait3A_105] : memref<10000x64xf32, #tpu.memory_space<vmem_shared>> -> memref<625x64xf32, #tpu.memory_space<vmem_shared>>
      tpu.wait_dma2 semaphore(%run_scoped3A_94 : memref<!tpu.dma_semaphore, #tpu.memory_space<semaphore_mem>>) src(%dma_wait3A_106 : memref<625x64xf32, #tpu.memory_space<vmem_shared>>) dst(%dma_wait3A_104 : memref<625x64xf32, #tpu.memory_space<hbm>>)
      tpu.yield
    }) : () -> ()
    %mul3A_47 = arith.constant 625 : i32
    %mul3A_48 = arith.muli %arg1, %mul3A_47 : i32
    "tpu.region"() ({
      %run_scoped3A_94 = tpu.sem_alloc : memref<!tpu.dma_semaphore, #tpu.memory_space<semaphore_mem>>
      %dma_start3A_95 = arith.constant 0 : i32
      %dma_start3A_96 = tpu.memref_slice %arg11[%mul3A_48, %dma_start3A_95] : memref<10000x64xf32, #tpu.memory_space<vmem_shared>> -> memref<625x64xf32, #tpu.memory_space<vmem_shared>>
      %dma_start3A_97 = arith.constant 0 : i32
      %dma_start3A_98 = arith.constant 0 : i32
      %dma_start3A_99 = tpu.memref_slice %arg3[%arg1, %dma_start3A_97, %dma_start3A_98] : memref<16x625x64xf32, #tpu.memory_space<hbm>> -> memref<1x625x64xf32, #tpu.memory_space<hbm>>
      %dma_start3A_100 = tpu.memref_squeeze %dma_start3A_99 : memref<1x625x64xf32, #tpu.memory_space<hbm>> -> memref<625x64xf32, #tpu.memory_space<hbm>>
      tpu.enqueue_dma source(%dma_start3A_100 : memref<625x64xf32, #tpu.memory_space<hbm>>) target(%dma_start3A_96 : memref<625x64xf32, #tpu.memory_space<vmem_shared>>) target_semaphore(%run_scoped3A_94 : memref<!tpu.dma_semaphore, #tpu.memory_space<semaphore_mem>>)
      %dma_wait3A_101 = arith.constant 0 : i32
      %dma_wait3A_102 = tpu.memref_slice %arg11[%mul3A_48, %dma_wait3A_101] : memref<10000x64xf32, #tpu.memory_space<vmem_shared>> -> memref<625x64xf32, #tpu.memory_space<vmem_shared>>
      %dma_wait3A_103 = arith.constant 0 : i32
      %dma_wait3A_104 = arith.constant 0 : i32
      %dma_wait3A_105 = tpu.memref_slice %arg3[%arg1, %dma_wait3A_103, %dma_wait3A_104] : memref<16x625x64xf32, #tpu.memory_space<hbm>> -> memref<1x625x64xf32, #tpu.memory_space<hbm>>
      %dma_wait3A_106 = tpu.memref_squeeze %dma_wait3A_105 : memref<1x625x64xf32, #tpu.memory_space<hbm>> -> memref<625x64xf32, #tpu.memory_space<hbm>>
      tpu.wait_dma2 semaphore(%run_scoped3A_94 : memref<!tpu.dma_semaphore, #tpu.memory_space<semaphore_mem>>) src(%dma_wait3A_106 : memref<625x64xf32, #tpu.memory_space<hbm>>) dst(%dma_wait3A_102 : memref<625x64xf32, #tpu.memory_space<vmem_shared>>)
      tpu.yield
    }) : () -> ()
    %mul3A_49 = arith.constant 625 : i32
    %mul3A_50 = arith.muli %arg1, %mul3A_49 : i32
    "tpu.region"() ({
      %run_scoped3A_94 = tpu.sem_alloc : memref<!tpu.dma_semaphore, #tpu.memory_space<semaphore_mem>>
      %dma_start3A_95 = arith.constant 0 : i32
      %dma_start3A_96 = tpu.memref_slice %arg12[%mul3A_50, %dma_start3A_95] : memref<10000x64xf32, #tpu.memory_space<vmem_shared>> -> memref<625x64xf32, #tpu.memory_space<vmem_shared>>
      tpu.enqueue_dma source(%arg6 : memref<625x64xf32, #tpu.memory_space<hbm>>) target(%dma_start3A_96 : memref<625x64xf32, #tpu.memory_space<vmem_shared>>) target_semaphore(%run_scoped3A_94 : memref<!tpu.dma_semaphore, #tpu.memory_space<semaphore_mem>>)
      %dma_wait3A_97 = arith.constant 0 : i32
      %dma_wait3A_98 = tpu.memref_slice %arg12[%mul3A_50, %dma_wait3A_97] : memref<10000x64xf32, #tpu.memory_space<vmem_shared>> -> memref<625x64xf32, #tpu.memory_space<vmem_shared>>
      tpu.wait_dma2 semaphore(%run_scoped3A_94 : memref<!tpu.dma_semaphore, #tpu.memory_space<semaphore_mem>>) src(%arg6 : memref<625x64xf32, #tpu.memory_space<hbm>>) dst(%dma_wait3A_98 : memref<625x64xf32, #tpu.memory_space<vmem_shared>>)
      tpu.yield
    }) : () -> ()
    %barrier3A_51 = arith.constant 0 : index
    tpu.barrier barrier_id(%barrier3A_51)
    %dma_start3A_52 = arith.constant 0 : i32
    %dma_start3A_53 = arith.constant 0 : i32
    %dma_start3A_54 = arith.constant 0 : i32
    %dma_start3A_55 = arith.constant 0 : i32
    %dma_start3A_56 = arith.constant 0 : i32
    %dma_start3A_57 = arith.constant 0 : i32
    %dma_start3A_58 = tpu.memref_slice %arg10[%dma_start3A_54, %dma_start3A_56, %dma_start3A_57] : memref<2x80x64xf32, #tpu.memory_space<vmem>> -> memref<1x80x64xf32, #tpu.memory_space<vmem>>
    %dma_start3A_59 = tpu.memref_squeeze %dma_start3A_58 : memref<1x80x64xf32, #tpu.memory_space<vmem>> -> memref<80x64xf32, #tpu.memory_space<vmem>>
    %dma_start3A_60 = arith.constant 0 : i32
    %dma_start3A_61 = tpu.memref_slice %arg8[%dma_start3A_52, %dma_start3A_53, %dma_start3A_60] : memref<125x1x80xi32, #tpu.memory_space<vmem>> -> memref<1x1x80xi32, #tpu.memory_space<vmem>>
    %dma_start3A_62 = tpu.memref_squeeze %dma_start3A_61 : memref<1x1x80xi32, #tpu.memory_space<vmem>> -> memref<80xi32, #tpu.memory_space<vmem>>
    %dma_start3A_63 = arith.constant 0 : i32
    %dma_start3A_64 = arith.constant 0 : i32
    %dma_start3A_65 = tpu.memref_slice %arg11[%dma_start3A_63, %dma_start3A_64] : memref<10000x64xf32, #tpu.memory_space<vmem_shared>> -> memref<10000x64xf32, #tpu.memory_space<vmem_shared>>
    %dma_start3A_66 = tpu.memref_slice %arg13[%dma_start3A_55] : memref<2x!tpu.dma_semaphore, #tpu.memory_space<semaphore_mem>> -> memref<1x!tpu.dma_semaphore, #tpu.memory_space<semaphore_mem>>
    %dma_start3A_67 = tpu.memref_squeeze %dma_start3A_66 : memref<1x!tpu.dma_semaphore, #tpu.memory_space<semaphore_mem>> -> memref<!tpu.dma_semaphore, #tpu.memory_space<semaphore_mem>>
    tpu.enqueue_indirect_dma source(%dma_start3A_65 : memref<10000x64xf32, #tpu.memory_space<vmem_shared>>) target(%dma_start3A_59 : memref<80x64xf32, #tpu.memory_space<vmem>>) offsets(%dma_start3A_62 : memref<80xi32, #tpu.memory_space<vmem>>) semaphore(%dma_start3A_67 : memref<!tpu.dma_semaphore, #tpu.memory_space<semaphore_mem>>)
    %scan3A_68 = arith.constant 0 : i32
    %scan3A_69 = arith.constant 0 : i32
    %scan3A_70 = arith.constant 125 : i32
    %scan3A_71 = arith.addi %scan3A_69, %scan3A_70 : i32
    %scan3A_72 = arith.constant 1 : i32
    scf.for %scan3A_94 = %scan3A_69 to %scan3A_71 step %scan3A_72  : i32 {
      %rem3A = arith.constant 2 : i32
      %rem3A_95 = arith.remsi %scan3A_94, %rem3A : i32
      %add3A_96 = arith.constant 1 : i32
      %add3A_97 = arith.addi %scan3A_94, %add3A_96 : i32
      %rem3A_98 = arith.constant 2 : i32
      %rem3A_99 = arith.remsi %add3A_97, %rem3A_98 : i32
      %ge3A = arith.constant 1 : i32
      %ge3A_100 = arith.cmpi sge, %scan3A_94, %ge3A : i32
      %convert_element_type3A = arith.extui %ge3A_100 : i1 to i32
      %cond3A = arith.constant 0 : i32
      %cond3A_101 = arith.cmpi ne, %convert_element_type3A, %cond3A : i32
      scf.if %cond3A_101 {
        %sub3A = arith.constant 1 : i32
        %sub3A_134 = arith.subi %scan3A_94, %sub3A : i32
        %dma_wait3A_135 = arith.constant 0 : i32
        %dma_wait3A_136 = arith.constant 0 : i32
        %dma_wait3A_137 = arith.constant 0 : i32
        %dma_wait3A_138 = tpu.memref_slice %arg10[%rem3A_99, %dma_wait3A_136, %dma_wait3A_137] : memref<2x80x64xf32, #tpu.memory_space<vmem>> -> memref<1x80x64xf32, #tpu.memory_space<vmem>>
        %dma_wait3A_139 = tpu.memref_squeeze %dma_wait3A_138 : memref<1x80x64xf32, #tpu.memory_space<vmem>> -> memref<80x64xf32, #tpu.memory_space<vmem>>
        %dma_wait3A_140 = arith.constant 0 : i32
        %dma_wait3A_141 = tpu.memref_slice %arg9[%sub3A_134, %dma_wait3A_135, %dma_wait3A_140] : memref<125x1x80xi32, #tpu.memory_space<vmem>> -> memref<1x1x80xi32, #tpu.memory_space<vmem>>
        %dma_wait3A_142 = tpu.memref_squeeze %dma_wait3A_141 : memref<1x1x80xi32, #tpu.memory_space<vmem>> -> memref<80xi32, #tpu.memory_space<vmem>>
        %dma_wait3A_143 = arith.constant 0 : i32
        %dma_wait3A_144 = arith.constant 0 : i32
        %dma_wait3A_145 = tpu.memref_slice %arg12[%dma_wait3A_143, %dma_wait3A_144] : memref<10000x64xf32, #tpu.memory_space<vmem_shared>> -> memref<10000x64xf32, #tpu.memory_space<vmem_shared>>
        %dma_wait3A_146 = tpu.memref_slice %arg14[%rem3A_99] : memref<2x!tpu.dma_semaphore, #tpu.memory_space<semaphore_mem>> -> memref<1x!tpu.dma_semaphore, #tpu.memory_space<semaphore_mem>>
        %dma_wait3A_147 = tpu.memref_squeeze %dma_wait3A_146 : memref<1x!tpu.dma_semaphore, #tpu.memory_space<semaphore_mem>> -> memref<!tpu.dma_semaphore, #tpu.memory_space<semaphore_mem>>
        tpu.wait_indirect_dma semaphore(%dma_wait3A_147 : memref<!tpu.dma_semaphore, #tpu.memory_space<semaphore_mem>>) src(%dma_wait3A_139 : memref<80x64xf32, #tpu.memory_space<vmem>>) dst(%dma_wait3A_145 : memref<10000x64xf32, #tpu.memory_space<vmem_shared>>)
      } else {
      }
      %add3A_102 = arith.constant 1 : i32
      %add3A_103 = arith.addi %scan3A_94, %add3A_102 : i32
      %lt3A = arith.constant 125 : i32
      %lt3A_104 = arith.cmpi slt, %add3A_103, %lt3A : i32
      %convert_element_type3A_105 = arith.extui %lt3A_104 : i1 to i32
      %cond3A_106 = arith.constant 0 : i32
      %cond3A_107 = arith.cmpi ne, %convert_element_type3A_105, %cond3A_106 : i32
      scf.if %cond3A_107 {
        %add3A_134 = arith.constant 1 : i32
        %add3A_135 = arith.addi %scan3A_94, %add3A_134 : i32
        %dma_start3A_136 = arith.constant 0 : i32
        %dma_start3A_137 = arith.constant 0 : i32
        %dma_start3A_138 = arith.constant 0 : i32
        %dma_start3A_139 = tpu.memref_slice %arg10[%rem3A_99, %dma_start3A_137, %dma_start3A_138] : memref<2x80x64xf32, #tpu.memory_space<vmem>> -> memref<1x80x64xf32, #tpu.memory_space<vmem>>
        %dma_start3A_140 = tpu.memref_squeeze %dma_start3A_139 : memref<1x80x64xf32, #tpu.memory_space<vmem>> -> memref<80x64xf32, #tpu.memory_space<vmem>>
        %dma_start3A_141 = arith.constant 0 : i32
        %dma_start3A_142 = tpu.memref_slice %arg8[%add3A_135, %dma_start3A_136, %dma_start3A_141] : memref<125x1x80xi32, #tpu.memory_space<vmem>> -> memref<1x1x80xi32, #tpu.memory_space<vmem>>
        %dma_start3A_143 = tpu.memref_squeeze %dma_start3A_142 : memref<1x1x80xi32, #tpu.memory_space<vmem>> -> memref<80xi32, #tpu.memory_space<vmem>>
        %dma_start3A_144 = arith.constant 0 : i32
        %dma_start3A_145 = arith.constant 0 : i32
        %dma_start3A_146 = tpu.memref_slice %arg11[%dma_start3A_144, %dma_start3A_145] : memref<10000x64xf32, #tpu.memory_space<vmem_shared>> -> memref<10000x64xf32, #tpu.memory_space<vmem_shared>>
        %dma_start3A_147 = tpu.memref_slice %arg13[%rem3A_99] : memref<2x!tpu.dma_semaphore, #tpu.memory_space<semaphore_mem>> -> memref<1x!tpu.dma_semaphore, #tpu.memory_space<semaphore_mem>>
        %dma_start3A_148 = tpu.memref_squeeze %dma_start3A_147 : memref<1x!tpu.dma_semaphore, #tpu.memory_space<semaphore_mem>> -> memref<!tpu.dma_semaphore, #tpu.memory_space<semaphore_mem>>
        tpu.enqueue_indirect_dma source(%dma_start3A_146 : memref<10000x64xf32, #tpu.memory_space<vmem_shared>>) target(%dma_start3A_140 : memref<80x64xf32, #tpu.memory_space<vmem>>) offsets(%dma_start3A_143 : memref<80xi32, #tpu.memory_space<vmem>>) semaphore(%dma_start3A_148 : memref<!tpu.dma_semaphore, #tpu.memory_space<semaphore_mem>>)
      } else {
      }
      %dma_wait3A_108 = arith.constant 0 : i32
      %dma_wait3A_109 = arith.constant 0 : i32
      %dma_wait3A_110 = arith.constant 0 : i32
      %dma_wait3A_111 = tpu.memref_slice %arg10[%rem3A_95, %dma_wait3A_109, %dma_wait3A_110] : memref<2x80x64xf32, #tpu.memory_space<vmem>> -> memref<1x80x64xf32, #tpu.memory_space<vmem>>
      %dma_wait3A_112 = tpu.memref_squeeze %dma_wait3A_111 : memref<1x80x64xf32, #tpu.memory_space<vmem>> -> memref<80x64xf32, #tpu.memory_space<vmem>>
      %dma_wait3A_113 = arith.constant 0 : i32
      %dma_wait3A_114 = tpu.memref_slice %arg8[%scan3A_94, %dma_wait3A_108, %dma_wait3A_113] : memref<125x1x80xi32, #tpu.memory_space<vmem>> -> memref<1x1x80xi32, #tpu.memory_space<vmem>>
      %dma_wait3A_115 = tpu.memref_squeeze %dma_wait3A_114 : memref<1x1x80xi32, #tpu.memory_space<vmem>> -> memref<80xi32, #tpu.memory_space<vmem>>
      %dma_wait3A_116 = arith.constant 0 : i32
      %dma_wait3A_117 = arith.constant 0 : i32
      %dma_wait3A_118 = tpu.memref_slice %arg11[%dma_wait3A_116, %dma_wait3A_117] : memref<10000x64xf32, #tpu.memory_space<vmem_shared>> -> memref<10000x64xf32, #tpu.memory_space<vmem_shared>>
      %dma_wait3A_119 = tpu.memref_slice %arg13[%rem3A_95] : memref<2x!tpu.dma_semaphore, #tpu.memory_space<semaphore_mem>> -> memref<1x!tpu.dma_semaphore, #tpu.memory_space<semaphore_mem>>
      %dma_wait3A_120 = tpu.memref_squeeze %dma_wait3A_119 : memref<1x!tpu.dma_semaphore, #tpu.memory_space<semaphore_mem>> -> memref<!tpu.dma_semaphore, #tpu.memory_space<semaphore_mem>>
      tpu.wait_indirect_dma semaphore(%dma_wait3A_120 : memref<!tpu.dma_semaphore, #tpu.memory_space<semaphore_mem>>) src(%dma_wait3A_118 : memref<10000x64xf32, #tpu.memory_space<vmem_shared>>) dst(%dma_wait3A_112 : memref<80x64xf32, #tpu.memory_space<vmem>>)
      %dma_start3A_121 = arith.constant 0 : i32
      %dma_start3A_122 = arith.constant 0 : i32
      %dma_start3A_123 = arith.constant 0 : i32
      %dma_start3A_124 = tpu.memref_slice %arg10[%rem3A_95, %dma_start3A_122, %dma_start3A_123] : memref<2x80x64xf32, #tpu.memory_space<vmem>> -> memref<1x80x64xf32, #tpu.memory_space<vmem>>
      %dma_start3A_125 = tpu.memref_squeeze %dma_start3A_124 : memref<1x80x64xf32, #tpu.memory_space<vmem>> -> memref<80x64xf32, #tpu.memory_space<vmem>>
      %dma_start3A_126 = arith.constant 0 : i32
      %dma_start3A_127 = tpu.memref_slice %arg9[%scan3A_94, %dma_start3A_121, %dma_start3A_126] : memref<125x1x80xi32, #tpu.memory_space<vmem>> -> memref<1x1x80xi32, #tpu.memory_space<vmem>>
      %dma_start3A_128 = tpu.memref_squeeze %dma_start3A_127 : memref<1x1x80xi32, #tpu.memory_space<vmem>> -> memref<80xi32, #tpu.memory_space<vmem>>
      %dma_start3A_129 = arith.constant 0 : i32
      %dma_start3A_130 = arith.constant 0 : i32
      %dma_start3A_131 = tpu.memref_slice %arg12[%dma_start3A_129, %dma_start3A_130] : memref<10000x64xf32, #tpu.memory_space<vmem_shared>> -> memref<10000x64xf32, #tpu.memory_space<vmem_shared>>
      %dma_start3A_132 = tpu.memref_slice %arg14[%rem3A_95] : memref<2x!tpu.dma_semaphore, #tpu.memory_space<semaphore_mem>> -> memref<1x!tpu.dma_semaphore, #tpu.memory_space<semaphore_mem>>
      %dma_start3A_133 = tpu.memref_squeeze %dma_start3A_132 : memref<1x!tpu.dma_semaphore, #tpu.memory_space<semaphore_mem>> -> memref<!tpu.dma_semaphore, #tpu.memory_space<semaphore_mem>>
      tpu.enqueue_indirect_dma source(%dma_start3A_125 : memref<80x64xf32, #tpu.memory_space<vmem>>) target(%dma_start3A_131 : memref<10000x64xf32, #tpu.memory_space<vmem_shared>>) offsets(%dma_start3A_128 : memref<80xi32, #tpu.memory_space<vmem>>) semaphore(%dma_start3A_133 : memref<!tpu.dma_semaphore, #tpu.memory_space<semaphore_mem>>) {add = true}
    }
    %scan3A_73 = arith.constant 125 : i32
    %dma_wait3A_74 = arith.constant 0 : i32
    %dma_wait3A_75 = arith.constant 124 : i32
    %dma_wait3A_76 = arith.constant 0 : i32
    %dma_wait3A_77 = arith.constant 0 : i32
    %dma_wait3A_78 = arith.constant 0 : i32
    %dma_wait3A_79 = arith.constant 0 : i32
    %dma_wait3A_80 = tpu.memref_slice %arg10[%dma_wait3A_74, %dma_wait3A_78, %dma_wait3A_79] : memref<2x80x64xf32, #tpu.memory_space<vmem>> -> memref<1x80x64xf32, #tpu.memory_space<vmem>>
    %dma_wait3A_81 = tpu.memref_squeeze %dma_wait3A_80 : memref<1x80x64xf32, #tpu.memory_space<vmem>> -> memref<80x64xf32, #tpu.memory_space<vmem>>
    %dma_wait3A_82 = arith.constant 0 : i32
    %dma_wait3A_83 = tpu.memref_slice %arg9[%dma_wait3A_75, %dma_wait3A_76, %dma_wait3A_82] : memref<125x1x80xi32, #tpu.memory_space<vmem>> -> memref<1x1x80xi32, #tpu.memory_space<vmem>>
    %dma_wait3A_84 = tpu.memref_squeeze %dma_wait3A_83 : memref<1x1x80xi32, #tpu.memory_space<vmem>> -> memref<80xi32, #tpu.memory_space<vmem>>
    %dma_wait3A_85 = arith.constant 0 : i32
    %dma_wait3A_86 = arith.constant 0 : i32
    %dma_wait3A_87 = tpu.memref_slice %arg12[%dma_wait3A_85, %dma_wait3A_86] : memref<10000x64xf32, #tpu.memory_space<vmem_shared>> -> memref<10000x64xf32, #tpu.memory_space<vmem_shared>>
    %dma_wait3A_88 = tpu.memref_slice %arg14[%dma_wait3A_77] : memref<2x!tpu.dma_semaphore, #tpu.memory_space<semaphore_mem>> -> memref<1x!tpu.dma_semaphore, #tpu.memory_space<semaphore_mem>>
    %dma_wait3A_89 = tpu.memref_squeeze %dma_wait3A_88 : memref<1x!tpu.dma_semaphore, #tpu.memory_space<semaphore_mem>> -> memref<!tpu.dma_semaphore, #tpu.memory_space<semaphore_mem>>
    tpu.wait_indirect_dma semaphore(%dma_wait3A_89 : memref<!tpu.dma_semaphore, #tpu.memory_space<semaphore_mem>>) src(%dma_wait3A_81 : memref<80x64xf32, #tpu.memory_space<vmem>>) dst(%dma_wait3A_87 : memref<10000x64xf32, #tpu.memory_space<vmem_shared>>)
    %barrier3A_90 = arith.constant 0 : index
    tpu.barrier barrier_id(%barrier3A_90)
    %mul3A_91 = arith.constant 625 : i32
    %mul3A_92 = arith.muli %arg1, %mul3A_91 : i32
    %run_scoped3A_93 = arith.constant 1 : i32
    "tpu.region"() ({
      %run_scoped3A_94 = tpu.sem_alloc : memref<!tpu.dma_semaphore, #tpu.memory_space<semaphore_mem>>
      %dma_start3A_95 = arith.constant 0 : i32
      %dma_start3A_96 = arith.constant 0 : i32
      %dma_start3A_97 = tpu.memref_slice %arg7[%arg0, %run_scoped3A_93, %arg1, %dma_start3A_95, %dma_start3A_96] : memref<2x2x16x625x64xf32, #tpu.memory_space<hbm>> -> memref<1x1x1x625x64xf32, #tpu.memory_space<hbm>>
      %dma_start3A_98 = tpu.memref_squeeze %dma_start3A_97 : memref<1x1x1x625x64xf32, #tpu.memory_space<hbm>> -> memref<625x64xf32, #tpu.memory_space<hbm>>
      %dma_start3A_99 = arith.constant 0 : i32
      %dma_start3A_100 = tpu.memref_slice %arg12[%mul3A_92, %dma_start3A_99] : memref<10000x64xf32, #tpu.memory_space<vmem_shared>> -> memref<625x64xf32, #tpu.memory_space<vmem_shared>>
      tpu.enqueue_dma source(%dma_start3A_100 : memref<625x64xf32, #tpu.memory_space<vmem_shared>>) target(%dma_start3A_98 : memref<625x64xf32, #tpu.memory_space<hbm>>) target_semaphore(%run_scoped3A_94 : memref<!tpu.dma_semaphore, #tpu.memory_space<semaphore_mem>>)
      %dma_wait3A_101 = arith.constant 0 : i32
      %dma_wait3A_102 = arith.constant 0 : i32
      %dma_wait3A_103 = tpu.memref_slice %arg7[%arg0, %run_scoped3A_93, %arg1, %dma_wait3A_101, %dma_wait3A_102] : memref<2x2x16x625x64xf32, #tpu.memory_space<hbm>> -> memref<1x1x1x625x64xf32, #tpu.memory_space<hbm>>
      %dma_wait3A_104 = tpu.memref_squeeze %dma_wait3A_103 : memref<1x1x1x625x64xf32, #tpu.memory_space<hbm>> -> memref<625x64xf32, #tpu.memory_space<hbm>>
      %dma_wait3A_105 = arith.constant 0 : i32
      %dma_wait3A_106 = tpu.memref_slice %arg12[%mul3A_92, %dma_wait3A_105] : memref<10000x64xf32, #tpu.memory_space<vmem_shared>> -> memref<625x64xf32, #tpu.memory_space<vmem_shared>>
      tpu.wait_dma2 semaphore(%run_scoped3A_94 : memref<!tpu.dma_semaphore, #tpu.memory_space<semaphore_mem>>) src(%dma_wait3A_106 : memref<625x64xf32, #tpu.memory_space<vmem_shared>>) dst(%dma_wait3A_104 : memref<625x64xf32, #tpu.memory_space<hbm>>)
      tpu.yield
    }) : () -> ()
    return
  }
}

#map = affine_map<(d0, d1) -> (0, 0, 0)>
module attributes {stable_mosaic.version = 14 : i64} {
  func.func @k(%arg0: i32, %arg1: i32, %arg2: memref<16x625x64xf32, #tpu.memory_space<hbm>>, %arg3: memref<16x625x64xf32, #tpu.memory_space<hbm>>, %arg4: memref<4000x1x80xi32, #tpu.memory_space<hbm>>, %arg5: memref<4000x1x80xi32, #tpu.memory_space<hbm>>, %arg6: memref<4000x80x64xf32, #tpu.memory_space<hbm>>, %arg7: memref<4000x80x64xf32, #tpu.memory_space<hbm>>, %arg8: memref<125x1x80xi32, #tpu.memory_space<vmem>>, %arg9: memref<125x1x80xi32, #tpu.memory_space<vmem>>, %arg10: memref<2x80x64xf32, #tpu.memory_space<vmem>>, %arg11: memref<2x80x64xf32, #tpu.memory_space<vmem>>, %arg12: memref<10000x64xf32, #tpu.memory_space<vmem_shared>>, %arg13: memref<10000x64xf32, #tpu.memory_space<vmem_shared>>, %arg14: memref<2x!tpu.dma_semaphore, #tpu.memory_space<semaphore_mem>>, %arg15: memref<2x!tpu.dma_semaphore, #tpu.memory_space<semaphore_mem>>, %arg16: memref<2x!tpu.dma_semaphore, #tpu.memory_space<semaphore_mem>>, %arg17: memref<2x!tpu.dma_semaphore, #tpu.memory_space<semaphore_mem>>) attributes {dimension_semantics = [#tpu.dimension_semantics<core_parallel>, #tpu.dimension_semantics<subcore_parallel>], iteration_bounds = array<i64: 2, 16>, scalar_prefetch = 0 : i64, scratch_operands = 10 : i64, tpu.core_type = #tpu.core_type<sc_vector_subcore>, window_params = [{transform_indices = #map}, {transform_indices = #map}, {transform_indices = #map}, {transform_indices = #map}, {transform_indices = #map}, {transform_indices = #map}]} {
    %mul3A = arith.constant 2 : i32
    %mul3A_0 = arith.muli %arg1, %mul3A : i32
    %add3A = arith.addi %mul3A_0, %arg0 : i32
    %mul3A_1 = arith.constant 125 : i32
    %mul3A_2 = arith.muli %add3A, %mul3A_1 : i32
    "tpu.region"() ({
      %run_scoped3A = tpu.sem_alloc : memref<!tpu.dma_semaphore, #tpu.memory_space<semaphore_mem>>
      %dma_start3A_89 = arith.constant 0 : i32
      %dma_start3A_90 = arith.constant 0 : i32
      %dma_start3A_91 = tpu.memref_slice %arg4[%mul3A_2, %dma_start3A_89, %dma_start3A_90] : memref<4000x1x80xi32, #tpu.memory_space<hbm>> -> memref<125x1x80xi32, #tpu.memory_space<hbm>>
      %dma_start3A_92 = arith.constant 0 : i32
      %dma_start3A_93 = arith.constant 0 : i32
      %dma_start3A_94 = tpu.memref_slice %arg4[%mul3A_2, %dma_start3A_92, %dma_start3A_93] : memref<4000x1x80xi32, #tpu.memory_space<hbm>> -> memref<125x1x80xi32, #tpu.memory_space<hbm>>
      tpu.enqueue_dma source(%dma_start3A_94 : memref<125x1x80xi32, #tpu.memory_space<hbm>>) target(%arg8 : memref<125x1x80xi32, #tpu.memory_space<vmem>>) target_semaphore(%run_scoped3A : memref<!tpu.dma_semaphore, #tpu.memory_space<semaphore_mem>>)
      %dma_wait3A_95 = arith.constant 0 : i32
      %dma_wait3A_96 = arith.constant 0 : i32
      %dma_wait3A_97 = tpu.memref_slice %arg4[%mul3A_2, %dma_wait3A_95, %dma_wait3A_96] : memref<4000x1x80xi32, #tpu.memory_space<hbm>> -> memref<125x1x80xi32, #tpu.memory_space<hbm>>
      %dma_wait3A_98 = arith.constant 0 : i32
      %dma_wait3A_99 = arith.constant 0 : i32
      %dma_wait3A_100 = tpu.memref_slice %arg4[%mul3A_2, %dma_wait3A_98, %dma_wait3A_99] : memref<4000x1x80xi32, #tpu.memory_space<hbm>> -> memref<125x1x80xi32, #tpu.memory_space<hbm>>
      tpu.wait_dma2 semaphore(%run_scoped3A : memref<!tpu.dma_semaphore, #tpu.memory_space<semaphore_mem>>) src(%dma_wait3A_100 : memref<125x1x80xi32, #tpu.memory_space<hbm>>) dst(%arg8 : memref<125x1x80xi32, #tpu.memory_space<vmem>>)
      tpu.yield
    }) : () -> ()
    "tpu.region"() ({
      %run_scoped3A = tpu.sem_alloc : memref<!tpu.dma_semaphore, #tpu.memory_space<semaphore_mem>>
      %dma_start3A_89 = arith.constant 0 : i32
      %dma_start3A_90 = arith.constant 0 : i32
      %dma_start3A_91 = tpu.memref_slice %arg5[%mul3A_2, %dma_start3A_89, %dma_start3A_90] : memref<4000x1x80xi32, #tpu.memory_space<hbm>> -> memref<125x1x80xi32, #tpu.memory_space<hbm>>
      %dma_start3A_92 = arith.constant 0 : i32
      %dma_start3A_93 = arith.constant 0 : i32
      %dma_start3A_94 = tpu.memref_slice %arg5[%mul3A_2, %dma_start3A_92, %dma_start3A_93] : memref<4000x1x80xi32, #tpu.memory_space<hbm>> -> memref<125x1x80xi32, #tpu.memory_space<hbm>>
      tpu.enqueue_dma source(%dma_start3A_94 : memref<125x1x80xi32, #tpu.memory_space<hbm>>) target(%arg9 : memref<125x1x80xi32, #tpu.memory_space<vmem>>) target_semaphore(%run_scoped3A : memref<!tpu.dma_semaphore, #tpu.memory_space<semaphore_mem>>)
      %dma_wait3A_95 = arith.constant 0 : i32
      %dma_wait3A_96 = arith.constant 0 : i32
      %dma_wait3A_97 = tpu.memref_slice %arg5[%mul3A_2, %dma_wait3A_95, %dma_wait3A_96] : memref<4000x1x80xi32, #tpu.memory_space<hbm>> -> memref<125x1x80xi32, #tpu.memory_space<hbm>>
      %dma_wait3A_98 = arith.constant 0 : i32
      %dma_wait3A_99 = arith.constant 0 : i32
      %dma_wait3A_100 = tpu.memref_slice %arg5[%mul3A_2, %dma_wait3A_98, %dma_wait3A_99] : memref<4000x1x80xi32, #tpu.memory_space<hbm>> -> memref<125x1x80xi32, #tpu.memory_space<hbm>>
      tpu.wait_dma2 semaphore(%run_scoped3A : memref<!tpu.dma_semaphore, #tpu.memory_space<semaphore_mem>>) src(%dma_wait3A_100 : memref<125x1x80xi32, #tpu.memory_space<hbm>>) dst(%arg9 : memref<125x1x80xi32, #tpu.memory_space<vmem>>)
      tpu.yield
    }) : () -> ()
    %mul3A_3 = arith.constant 625 : i32
    %mul3A_4 = arith.muli %arg1, %mul3A_3 : i32
    "tpu.region"() ({
      %run_scoped3A = tpu.sem_alloc : memref<!tpu.dma_semaphore, #tpu.memory_space<semaphore_mem>>
      %dma_start3A_89 = arith.constant 0 : i32
      %dma_start3A_90 = tpu.memref_slice %arg12[%mul3A_4, %dma_start3A_89] : memref<10000x64xf32, #tpu.memory_space<vmem_shared>> -> memref<625x64xf32, #tpu.memory_space<vmem_shared>>
      %dma_start3A_91 = arith.constant 0 : i32
      %dma_start3A_92 = arith.constant 0 : i32
      %dma_start3A_93 = tpu.memref_slice %arg2[%arg1, %dma_start3A_91, %dma_start3A_92] : memref<16x625x64xf32, #tpu.memory_space<hbm>> -> memref<1x625x64xf32, #tpu.memory_space<hbm>>
      %dma_start3A_94 = tpu.memref_squeeze %dma_start3A_93 : memref<1x625x64xf32, #tpu.memory_space<hbm>> -> memref<625x64xf32, #tpu.memory_space<hbm>>
      tpu.enqueue_dma source(%dma_start3A_94 : memref<625x64xf32, #tpu.memory_space<hbm>>) target(%dma_start3A_90 : memref<625x64xf32, #tpu.memory_space<vmem_shared>>) target_semaphore(%run_scoped3A : memref<!tpu.dma_semaphore, #tpu.memory_space<semaphore_mem>>)
      %dma_wait3A_95 = arith.constant 0 : i32
      %dma_wait3A_96 = tpu.memref_slice %arg12[%mul3A_4, %dma_wait3A_95] : memref<10000x64xf32, #tpu.memory_space<vmem_shared>> -> memref<625x64xf32, #tpu.memory_space<vmem_shared>>
      %dma_wait3A_97 = arith.constant 0 : i32
      %dma_wait3A_98 = arith.constant 0 : i32
      %dma_wait3A_99 = tpu.memref_slice %arg2[%arg1, %dma_wait3A_97, %dma_wait3A_98] : memref<16x625x64xf32, #tpu.memory_space<hbm>> -> memref<1x625x64xf32, #tpu.memory_space<hbm>>
      %dma_wait3A_100 = tpu.memref_squeeze %dma_wait3A_99 : memref<1x625x64xf32, #tpu.memory_space<hbm>> -> memref<625x64xf32, #tpu.memory_space<hbm>>
      tpu.wait_dma2 semaphore(%run_scoped3A : memref<!tpu.dma_semaphore, #tpu.memory_space<semaphore_mem>>) src(%dma_wait3A_100 : memref<625x64xf32, #tpu.memory_space<hbm>>) dst(%dma_wait3A_96 : memref<625x64xf32, #tpu.memory_space<vmem_shared>>)
      tpu.yield
    }) : () -> ()
    %mul3A_5 = arith.constant 625 : i32
    %mul3A_6 = arith.muli %arg1, %mul3A_5 : i32
    "tpu.region"() ({
      %run_scoped3A = tpu.sem_alloc : memref<!tpu.dma_semaphore, #tpu.memory_space<semaphore_mem>>
      %dma_start3A_89 = arith.constant 0 : i32
      %dma_start3A_90 = tpu.memref_slice %arg13[%mul3A_6, %dma_start3A_89] : memref<10000x64xf32, #tpu.memory_space<vmem_shared>> -> memref<625x64xf32, #tpu.memory_space<vmem_shared>>
      %dma_start3A_91 = arith.constant 0 : i32
      %dma_start3A_92 = arith.constant 0 : i32
      %dma_start3A_93 = tpu.memref_slice %arg3[%arg1, %dma_start3A_91, %dma_start3A_92] : memref<16x625x64xf32, #tpu.memory_space<hbm>> -> memref<1x625x64xf32, #tpu.memory_space<hbm>>
      %dma_start3A_94 = tpu.memref_squeeze %dma_start3A_93 : memref<1x625x64xf32, #tpu.memory_space<hbm>> -> memref<625x64xf32, #tpu.memory_space<hbm>>
      tpu.enqueue_dma source(%dma_start3A_94 : memref<625x64xf32, #tpu.memory_space<hbm>>) target(%dma_start3A_90 : memref<625x64xf32, #tpu.memory_space<vmem_shared>>) target_semaphore(%run_scoped3A : memref<!tpu.dma_semaphore, #tpu.memory_space<semaphore_mem>>)
      %dma_wait3A_95 = arith.constant 0 : i32
      %dma_wait3A_96 = tpu.memref_slice %arg13[%mul3A_6, %dma_wait3A_95] : memref<10000x64xf32, #tpu.memory_space<vmem_shared>> -> memref<625x64xf32, #tpu.memory_space<vmem_shared>>
      %dma_wait3A_97 = arith.constant 0 : i32
      %dma_wait3A_98 = arith.constant 0 : i32
      %dma_wait3A_99 = tpu.memref_slice %arg3[%arg1, %dma_wait3A_97, %dma_wait3A_98] : memref<16x625x64xf32, #tpu.memory_space<hbm>> -> memref<1x625x64xf32, #tpu.memory_space<hbm>>
      %dma_wait3A_100 = tpu.memref_squeeze %dma_wait3A_99 : memref<1x625x64xf32, #tpu.memory_space<hbm>> -> memref<625x64xf32, #tpu.memory_space<hbm>>
      tpu.wait_dma2 semaphore(%run_scoped3A : memref<!tpu.dma_semaphore, #tpu.memory_space<semaphore_mem>>) src(%dma_wait3A_100 : memref<625x64xf32, #tpu.memory_space<hbm>>) dst(%dma_wait3A_96 : memref<625x64xf32, #tpu.memory_space<vmem_shared>>)
      tpu.yield
    }) : () -> ()
    %barrier3A = arith.constant 0 : index
    tpu.barrier barrier_id(%barrier3A)
    %dma_start3A = arith.constant 0 : i32
    %dma_start3A_7 = arith.constant 0 : i32
    %dma_start3A_8 = arith.constant 0 : i32
    %dma_start3A_9 = arith.constant 0 : i32
    %dma_start3A_10 = arith.constant 0 : i32
    %dma_start3A_11 = arith.constant 0 : i32
    %dma_start3A_12 = tpu.memref_slice %arg10[%dma_start3A_8, %dma_start3A_10, %dma_start3A_11] : memref<2x80x64xf32, #tpu.memory_space<vmem>> -> memref<1x80x64xf32, #tpu.memory_space<vmem>>
    %dma_start3A_13 = tpu.memref_squeeze %dma_start3A_12 : memref<1x80x64xf32, #tpu.memory_space<vmem>> -> memref<80x64xf32, #tpu.memory_space<vmem>>
    %dma_start3A_14 = arith.constant 0 : i32
    %dma_start3A_15 = tpu.memref_slice %arg8[%dma_start3A, %dma_start3A_7, %dma_start3A_14] : memref<125x1x80xi32, #tpu.memory_space<vmem>> -> memref<1x1x80xi32, #tpu.memory_space<vmem>>
    %dma_start3A_16 = tpu.memref_squeeze %dma_start3A_15 : memref<1x1x80xi32, #tpu.memory_space<vmem>> -> memref<80xi32, #tpu.memory_space<vmem>>
    %dma_start3A_17 = arith.constant 0 : i32
    %dma_start3A_18 = arith.constant 0 : i32
    %dma_start3A_19 = tpu.memref_slice %arg12[%dma_start3A_17, %dma_start3A_18] : memref<10000x64xf32, #tpu.memory_space<vmem_shared>> -> memref<10000x64xf32, #tpu.memory_space<vmem_shared>>
    %dma_start3A_20 = tpu.memref_slice %arg14[%dma_start3A_9] : memref<2x!tpu.dma_semaphore, #tpu.memory_space<semaphore_mem>> -> memref<1x!tpu.dma_semaphore, #tpu.memory_space<semaphore_mem>>
    %dma_start3A_21 = tpu.memref_squeeze %dma_start3A_20 : memref<1x!tpu.dma_semaphore, #tpu.memory_space<semaphore_mem>> -> memref<!tpu.dma_semaphore, #tpu.memory_space<semaphore_mem>>
    tpu.enqueue_indirect_dma source(%dma_start3A_19 : memref<10000x64xf32, #tpu.memory_space<vmem_shared>>) target(%dma_start3A_13 : memref<80x64xf32, #tpu.memory_space<vmem>>) offsets(%dma_start3A_16 : memref<80xi32, #tpu.memory_space<vmem>>) semaphore(%dma_start3A_21 : memref<!tpu.dma_semaphore, #tpu.memory_space<semaphore_mem>>)
    %dma_start3A_22 = arith.constant 0 : i32
    %dma_start3A_23 = arith.constant 0 : i32
    %dma_start3A_24 = arith.constant 0 : i32
    %dma_start3A_25 = arith.constant 0 : i32
    %dma_start3A_26 = arith.constant 0 : i32
    %dma_start3A_27 = arith.constant 0 : i32
    %dma_start3A_28 = tpu.memref_slice %arg11[%dma_start3A_24, %dma_start3A_26, %dma_start3A_27] : memref<2x80x64xf32, #tpu.memory_space<vmem>> -> memref<1x80x64xf32, #tpu.memory_space<vmem>>
    %dma_start3A_29 = tpu.memref_squeeze %dma_start3A_28 : memref<1x80x64xf32, #tpu.memory_space<vmem>> -> memref<80x64xf32, #tpu.memory_space<vmem>>
    %dma_start3A_30 = arith.constant 0 : i32
    %dma_start3A_31 = tpu.memref_slice %arg9[%dma_start3A_22, %dma_start3A_23, %dma_start3A_30] : memref<125x1x80xi32, #tpu.memory_space<vmem>> -> memref<1x1x80xi32, #tpu.memory_space<vmem>>
    %dma_start3A_32 = tpu.memref_squeeze %dma_start3A_31 : memref<1x1x80xi32, #tpu.memory_space<vmem>> -> memref<80xi32, #tpu.memory_space<vmem>>
    %dma_start3A_33 = arith.constant 0 : i32
    %dma_start3A_34 = arith.constant 0 : i32
    %dma_start3A_35 = tpu.memref_slice %arg13[%dma_start3A_33, %dma_start3A_34] : memref<10000x64xf32, #tpu.memory_space<vmem_shared>> -> memref<10000x64xf32, #tpu.memory_space<vmem_shared>>
    %dma_start3A_36 = tpu.memref_slice %arg15[%dma_start3A_25] : memref<2x!tpu.dma_semaphore, #tpu.memory_space<semaphore_mem>> -> memref<1x!tpu.dma_semaphore, #tpu.memory_space<semaphore_mem>>
    %dma_start3A_37 = tpu.memref_squeeze %dma_start3A_36 : memref<1x!tpu.dma_semaphore, #tpu.memory_space<semaphore_mem>> -> memref<!tpu.dma_semaphore, #tpu.memory_space<semaphore_mem>>
    tpu.enqueue_indirect_dma source(%dma_start3A_35 : memref<10000x64xf32, #tpu.memory_space<vmem_shared>>) target(%dma_start3A_29 : memref<80x64xf32, #tpu.memory_space<vmem>>) offsets(%dma_start3A_32 : memref<80xi32, #tpu.memory_space<vmem>>) semaphore(%dma_start3A_37 : memref<!tpu.dma_semaphore, #tpu.memory_space<semaphore_mem>>)
    %scan3A = arith.constant 0 : i32
    %scan3A_38 = arith.constant 0 : i32
    %scan3A_39 = arith.constant 125 : i32
    %scan3A_40 = arith.addi %scan3A_38, %scan3A_39 : i32
    %scan3A_41 = arith.constant 1 : i32
    scf.for %scan3A_89 = %scan3A_38 to %scan3A_40 step %scan3A_41  : i32 {
      %rem3A = arith.constant 2 : i32
      %rem3A_90 = arith.remsi %scan3A_89, %rem3A : i32
      %add3A_91 = arith.constant 1 : i32
      %add3A_92 = arith.addi %scan3A_89, %add3A_91 : i32
      %rem3A_93 = arith.constant 2 : i32
      %rem3A_94 = arith.remsi %add3A_92, %rem3A_93 : i32
      %ge3A = arith.constant 1 : i32
      %ge3A_95 = arith.cmpi sge, %scan3A_89, %ge3A : i32
      %convert_element_type3A = arith.extui %ge3A_95 : i1 to i32
      %cond3A = arith.constant 0 : i32
      %cond3A_96 = arith.cmpi ne, %convert_element_type3A, %cond3A : i32
      scf.if %cond3A_96 {
        %add3A_167 = arith.addi %mul3A_2, %scan3A_89 : i32
        %sub3A_168 = arith.constant 1 : i32
        %sub3A_169 = arith.subi %add3A_167, %sub3A_168 : i32
        %dma_wait3A_170 = arith.constant 0 : i32
        %dma_wait3A_171 = arith.constant 0 : i32
        %dma_wait3A_172 = tpu.memref_slice %arg10[%rem3A_94, %dma_wait3A_170, %dma_wait3A_171] : memref<2x80x64xf32, #tpu.memory_space<vmem>> -> memref<1x80x64xf32, #tpu.memory_space<vmem>>
        %dma_wait3A_173 = tpu.memref_squeeze %dma_wait3A_172 : memref<1x80x64xf32, #tpu.memory_space<vmem>> -> memref<80x64xf32, #tpu.memory_space<vmem>>
        %dma_wait3A_174 = arith.constant 0 : i32
        %dma_wait3A_175 = arith.constant 0 : i32
        %dma_wait3A_176 = tpu.memref_slice %arg6[%sub3A_169, %dma_wait3A_174, %dma_wait3A_175] : memref<4000x80x64xf32, #tpu.memory_space<hbm>> -> memref<1x80x64xf32, #tpu.memory_space<hbm>>
        %dma_wait3A_177 = tpu.memref_squeeze %dma_wait3A_176 : memref<1x80x64xf32, #tpu.memory_space<hbm>> -> memref<80x64xf32, #tpu.memory_space<hbm>>
        %dma_wait3A_178 = tpu.memref_slice %arg16[%rem3A_94] : memref<2x!tpu.dma_semaphore, #tpu.memory_space<semaphore_mem>> -> memref<1x!tpu.dma_semaphore, #tpu.memory_space<semaphore_mem>>
        %dma_wait3A_179 = tpu.memref_squeeze %dma_wait3A_178 : memref<1x!tpu.dma_semaphore, #tpu.memory_space<semaphore_mem>> -> memref<!tpu.dma_semaphore, #tpu.memory_space<semaphore_mem>>
        %dma_wait3A_180 = arith.constant 0 : i32
        %dma_wait3A_181 = arith.constant 0 : i32
        %dma_wait3A_182 = tpu.memref_slice %arg6[%sub3A_169, %dma_wait3A_180, %dma_wait3A_181] : memref<4000x80x64xf32, #tpu.memory_space<hbm>> -> memref<1x80x64xf32, #tpu.memory_space<hbm>>
        %dma_wait3A_183 = tpu.memref_squeeze %dma_wait3A_182 : memref<1x80x64xf32, #tpu.memory_space<hbm>> -> memref<80x64xf32, #tpu.memory_space<hbm>>
        %dma_wait3A_184 = arith.constant 0 : i32
        %dma_wait3A_185 = arith.constant 0 : i32
        %dma_wait3A_186 = tpu.memref_slice %arg10[%rem3A_94, %dma_wait3A_184, %dma_wait3A_185] : memref<2x80x64xf32, #tpu.memory_space<vmem>> -> memref<1x80x64xf32, #tpu.memory_space<vmem>>
        %dma_wait3A_187 = tpu.memref_squeeze %dma_wait3A_186 : memref<1x80x64xf32, #tpu.memory_space<vmem>> -> memref<80x64xf32, #tpu.memory_space<vmem>>
        tpu.wait_dma2 semaphore(%dma_wait3A_179 : memref<!tpu.dma_semaphore, #tpu.memory_space<semaphore_mem>>) src(%dma_wait3A_187 : memref<80x64xf32, #tpu.memory_space<vmem>>) dst(%dma_wait3A_183 : memref<80x64xf32, #tpu.memory_space<hbm>>)
        %add3A_188 = arith.addi %mul3A_2, %scan3A_89 : i32
        %sub3A_189 = arith.constant 1 : i32
        %sub3A_190 = arith.subi %add3A_188, %sub3A_189 : i32
        %dma_wait3A_191 = arith.constant 0 : i32
        %dma_wait3A_192 = arith.constant 0 : i32
        %dma_wait3A_193 = tpu.memref_slice %arg11[%rem3A_94, %dma_wait3A_191, %dma_wait3A_192] : memref<2x80x64xf32, #tpu.memory_space<vmem>> -> memref<1x80x64xf32, #tpu.memory_space<vmem>>
        %dma_wait3A_194 = tpu.memref_squeeze %dma_wait3A_193 : memref<1x80x64xf32, #tpu.memory_space<vmem>> -> memref<80x64xf32, #tpu.memory_space<vmem>>
        %dma_wait3A_195 = arith.constant 0 : i32
        %dma_wait3A_196 = arith.constant 0 : i32
        %dma_wait3A_197 = tpu.memref_slice %arg7[%sub3A_190, %dma_wait3A_195, %dma_wait3A_196] : memref<4000x80x64xf32, #tpu.memory_space<hbm>> -> memref<1x80x64xf32, #tpu.memory_space<hbm>>
        %dma_wait3A_198 = tpu.memref_squeeze %dma_wait3A_197 : memref<1x80x64xf32, #tpu.memory_space<hbm>> -> memref<80x64xf32, #tpu.memory_space<hbm>>
        %dma_wait3A_199 = tpu.memref_slice %arg17[%rem3A_94] : memref<2x!tpu.dma_semaphore, #tpu.memory_space<semaphore_mem>> -> memref<1x!tpu.dma_semaphore, #tpu.memory_space<semaphore_mem>>
        %dma_wait3A_200 = tpu.memref_squeeze %dma_wait3A_199 : memref<1x!tpu.dma_semaphore, #tpu.memory_space<semaphore_mem>> -> memref<!tpu.dma_semaphore, #tpu.memory_space<semaphore_mem>>
        %dma_wait3A_201 = arith.constant 0 : i32
        %dma_wait3A_202 = arith.constant 0 : i32
        %dma_wait3A_203 = tpu.memref_slice %arg7[%sub3A_190, %dma_wait3A_201, %dma_wait3A_202] : memref<4000x80x64xf32, #tpu.memory_space<hbm>> -> memref<1x80x64xf32, #tpu.memory_space<hbm>>
        %dma_wait3A_204 = tpu.memref_squeeze %dma_wait3A_203 : memref<1x80x64xf32, #tpu.memory_space<hbm>> -> memref<80x64xf32, #tpu.memory_space<hbm>>
        %dma_wait3A_205 = arith.constant 0 : i32
        %dma_wait3A_206 = arith.constant 0 : i32
        %dma_wait3A_207 = tpu.memref_slice %arg11[%rem3A_94, %dma_wait3A_205, %dma_wait3A_206] : memref<2x80x64xf32, #tpu.memory_space<vmem>> -> memref<1x80x64xf32, #tpu.memory_space<vmem>>
        %dma_wait3A_208 = tpu.memref_squeeze %dma_wait3A_207 : memref<1x80x64xf32, #tpu.memory_space<vmem>> -> memref<80x64xf32, #tpu.memory_space<vmem>>
        tpu.wait_dma2 semaphore(%dma_wait3A_200 : memref<!tpu.dma_semaphore, #tpu.memory_space<semaphore_mem>>) src(%dma_wait3A_208 : memref<80x64xf32, #tpu.memory_space<vmem>>) dst(%dma_wait3A_204 : memref<80x64xf32, #tpu.memory_space<hbm>>)
      } else {
      }
      %add3A_97 = arith.constant 1 : i32
      %add3A_98 = arith.addi %scan3A_89, %add3A_97 : i32
      %lt3A = arith.constant 125 : i32
      %lt3A_99 = arith.cmpi slt, %add3A_98, %lt3A : i32
      %convert_element_type3A_100 = arith.extui %lt3A_99 : i1 to i32
      %cond3A_101 = arith.constant 0 : i32
      %cond3A_102 = arith.cmpi ne, %convert_element_type3A_100, %cond3A_101 : i32
      scf.if %cond3A_102 {
        %add3A_167 = arith.constant 1 : i32
        %add3A_168 = arith.addi %scan3A_89, %add3A_167 : i32
        %dma_start3A_169 = arith.constant 0 : i32
        %dma_start3A_170 = arith.constant 0 : i32
        %dma_start3A_171 = arith.constant 0 : i32
        %dma_start3A_172 = tpu.memref_slice %arg10[%rem3A_94, %dma_start3A_170, %dma_start3A_171] : memref<2x80x64xf32, #tpu.memory_space<vmem>> -> memref<1x80x64xf32, #tpu.memory_space<vmem>>
        %dma_start3A_173 = tpu.memref_squeeze %dma_start3A_172 : memref<1x80x64xf32, #tpu.memory_space<vmem>> -> memref<80x64xf32, #tpu.memory_space<vmem>>
        %dma_start3A_174 = arith.constant 0 : i32
        %dma_start3A_175 = tpu.memref_slice %arg8[%add3A_168, %dma_start3A_169, %dma_start3A_174] : memref<125x1x80xi32, #tpu.memory_space<vmem>> -> memref<1x1x80xi32, #tpu.memory_space<vmem>>
        %dma_start3A_176 = tpu.memref_squeeze %dma_start3A_175 : memref<1x1x80xi32, #tpu.memory_space<vmem>> -> memref<80xi32, #tpu.memory_space<vmem>>
        %dma_start3A_177 = arith.constant 0 : i32
        %dma_start3A_178 = arith.constant 0 : i32
        %dma_start3A_179 = tpu.memref_slice %arg12[%dma_start3A_177, %dma_start3A_178] : memref<10000x64xf32, #tpu.memory_space<vmem_shared>> -> memref<10000x64xf32, #tpu.memory_space<vmem_shared>>
        %dma_start3A_180 = tpu.memref_slice %arg14[%rem3A_94] : memref<2x!tpu.dma_semaphore, #tpu.memory_space<semaphore_mem>> -> memref<1x!tpu.dma_semaphore, #tpu.memory_space<semaphore_mem>>
        %dma_start3A_181 = tpu.memref_squeeze %dma_start3A_180 : memref<1x!tpu.dma_semaphore, #tpu.memory_space<semaphore_mem>> -> memref<!tpu.dma_semaphore, #tpu.memory_space<semaphore_mem>>
        tpu.enqueue_indirect_dma source(%dma_start3A_179 : memref<10000x64xf32, #tpu.memory_space<vmem_shared>>) target(%dma_start3A_173 : memref<80x64xf32, #tpu.memory_space<vmem>>) offsets(%dma_start3A_176 : memref<80xi32, #tpu.memory_space<vmem>>) semaphore(%dma_start3A_181 : memref<!tpu.dma_semaphore, #tpu.memory_space<semaphore_mem>>)
        %add3A_182 = arith.constant 1 : i32
        %add3A_183 = arith.addi %scan3A_89, %add3A_182 : i32
        %dma_start3A_184 = arith.constant 0 : i32
        %dma_start3A_185 = arith.constant 0 : i32
        %dma_start3A_186 = arith.constant 0 : i32
        %dma_start3A_187 = tpu.memref_slice %arg11[%rem3A_94, %dma_start3A_185, %dma_start3A_186] : memref<2x80x64xf32, #tpu.memory_space<vmem>> -> memref<1x80x64xf32, #tpu.memory_space<vmem>>
        %dma_start3A_188 = tpu.memref_squeeze %dma_start3A_187 : memref<1x80x64xf32, #tpu.memory_space<vmem>> -> memref<80x64xf32, #tpu.memory_space<vmem>>
        %dma_start3A_189 = arith.constant 0 : i32
        %dma_start3A_190 = tpu.memref_slice %arg9[%add3A_183, %dma_start3A_184, %dma_start3A_189] : memref<125x1x80xi32, #tpu.memory_space<vmem>> -> memref<1x1x80xi32, #tpu.memory_space<vmem>>
        %dma_start3A_191 = tpu.memref_squeeze %dma_start3A_190 : memref<1x1x80xi32, #tpu.memory_space<vmem>> -> memref<80xi32, #tpu.memory_space<vmem>>
        %dma_start3A_192 = arith.constant 0 : i32
        %dma_start3A_193 = arith.constant 0 : i32
        %dma_start3A_194 = tpu.memref_slice %arg13[%dma_start3A_192, %dma_start3A_193] : memref<10000x64xf32, #tpu.memory_space<vmem_shared>> -> memref<10000x64xf32, #tpu.memory_space<vmem_shared>>
        %dma_start3A_195 = tpu.memref_slice %arg15[%rem3A_94] : memref<2x!tpu.dma_semaphore, #tpu.memory_space<semaphore_mem>> -> memref<1x!tpu.dma_semaphore, #tpu.memory_space<semaphore_mem>>
        %dma_start3A_196 = tpu.memref_squeeze %dma_start3A_195 : memref<1x!tpu.dma_semaphore, #tpu.memory_space<semaphore_mem>> -> memref<!tpu.dma_semaphore, #tpu.memory_space<semaphore_mem>>
        tpu.enqueue_indirect_dma source(%dma_start3A_194 : memref<10000x64xf32, #tpu.memory_space<vmem_shared>>) target(%dma_start3A_188 : memref<80x64xf32, #tpu.memory_space<vmem>>) offsets(%dma_start3A_191 : memref<80xi32, #tpu.memory_space<vmem>>) semaphore(%dma_start3A_196 : memref<!tpu.dma_semaphore, #tpu.memory_space<semaphore_mem>>)
      } else {
      }
      %dma_wait3A_103 = arith.constant 0 : i32
      %dma_wait3A_104 = arith.constant 0 : i32
      %dma_wait3A_105 = arith.constant 0 : i32
      %dma_wait3A_106 = tpu.memref_slice %arg10[%rem3A_90, %dma_wait3A_104, %dma_wait3A_105] : memref<2x80x64xf32, #tpu.memory_space<vmem>> -> memref<1x80x64xf32, #tpu.memory_space<vmem>>
      %dma_wait3A_107 = tpu.memref_squeeze %dma_wait3A_106 : memref<1x80x64xf32, #tpu.memory_space<vmem>> -> memref<80x64xf32, #tpu.memory_space<vmem>>
      %dma_wait3A_108 = arith.constant 0 : i32
      %dma_wait3A_109 = tpu.memref_slice %arg8[%scan3A_89, %dma_wait3A_103, %dma_wait3A_108] : memref<125x1x80xi32, #tpu.memory_space<vmem>> -> memref<1x1x80xi32, #tpu.memory_space<vmem>>
      %dma_wait3A_110 = tpu.memref_squeeze %dma_wait3A_109 : memref<1x1x80xi32, #tpu.memory_space<vmem>> -> memref<80xi32, #tpu.memory_space<vmem>>
      %dma_wait3A_111 = arith.constant 0 : i32
      %dma_wait3A_112 = arith.constant 0 : i32
      %dma_wait3A_113 = tpu.memref_slice %arg12[%dma_wait3A_111, %dma_wait3A_112] : memref<10000x64xf32, #tpu.memory_space<vmem_shared>> -> memref<10000x64xf32, #tpu.memory_space<vmem_shared>>
      %dma_wait3A_114 = tpu.memref_slice %arg14[%rem3A_90] : memref<2x!tpu.dma_semaphore, #tpu.memory_space<semaphore_mem>> -> memref<1x!tpu.dma_semaphore, #tpu.memory_space<semaphore_mem>>
      %dma_wait3A_115 = tpu.memref_squeeze %dma_wait3A_114 : memref<1x!tpu.dma_semaphore, #tpu.memory_space<semaphore_mem>> -> memref<!tpu.dma_semaphore, #tpu.memory_space<semaphore_mem>>
      tpu.wait_indirect_dma semaphore(%dma_wait3A_115 : memref<!tpu.dma_semaphore, #tpu.memory_space<semaphore_mem>>) src(%dma_wait3A_113 : memref<10000x64xf32, #tpu.memory_space<vmem_shared>>) dst(%dma_wait3A_107 : memref<80x64xf32, #tpu.memory_space<vmem>>)
      %dma_wait3A_116 = arith.constant 0 : i32
      %dma_wait3A_117 = arith.constant 0 : i32
      %dma_wait3A_118 = arith.constant 0 : i32
      %dma_wait3A_119 = tpu.memref_slice %arg11[%rem3A_90, %dma_wait3A_117, %dma_wait3A_118] : memref<2x80x64xf32, #tpu.memory_space<vmem>> -> memref<1x80x64xf32, #tpu.memory_space<vmem>>
      %dma_wait3A_120 = tpu.memref_squeeze %dma_wait3A_119 : memref<1x80x64xf32, #tpu.memory_space<vmem>> -> memref<80x64xf32, #tpu.memory_space<vmem>>
      %dma_wait3A_121 = arith.constant 0 : i32
      %dma_wait3A_122 = tpu.memref_slice %arg9[%scan3A_89, %dma_wait3A_116, %dma_wait3A_121] : memref<125x1x80xi32, #tpu.memory_space<vmem>> -> memref<1x1x80xi32, #tpu.memory_space<vmem>>
      %dma_wait3A_123 = tpu.memref_squeeze %dma_wait3A_122 : memref<1x1x80xi32, #tpu.memory_space<vmem>> -> memref<80xi32, #tpu.memory_space<vmem>>
      %dma_wait3A_124 = arith.constant 0 : i32
      %dma_wait3A_125 = arith.constant 0 : i32
      %dma_wait3A_126 = tpu.memref_slice %arg13[%dma_wait3A_124, %dma_wait3A_125] : memref<10000x64xf32, #tpu.memory_space<vmem_shared>> -> memref<10000x64xf32, #tpu.memory_space<vmem_shared>>
      %dma_wait3A_127 = tpu.memref_slice %arg15[%rem3A_90] : memref<2x!tpu.dma_semaphore, #tpu.memory_space<semaphore_mem>> -> memref<1x!tpu.dma_semaphore, #tpu.memory_space<semaphore_mem>>
      %dma_wait3A_128 = tpu.memref_squeeze %dma_wait3A_127 : memref<1x!tpu.dma_semaphore, #tpu.memory_space<semaphore_mem>> -> memref<!tpu.dma_semaphore, #tpu.memory_space<semaphore_mem>>
      tpu.wait_indirect_dma semaphore(%dma_wait3A_128 : memref<!tpu.dma_semaphore, #tpu.memory_space<semaphore_mem>>) src(%dma_wait3A_126 : memref<10000x64xf32, #tpu.memory_space<vmem_shared>>) dst(%dma_wait3A_120 : memref<80x64xf32, #tpu.memory_space<vmem>>)
      %add3A_129 = arith.addi %mul3A_2, %scan3A_89 : i32
      %dma_start3A_130 = arith.constant 0 : i32
      %dma_start3A_131 = arith.constant 0 : i32
      %dma_start3A_132 = tpu.memref_slice %arg10[%rem3A_90, %dma_start3A_130, %dma_start3A_131] : memref<2x80x64xf32, #tpu.memory_space<vmem>> -> memref<1x80x64xf32, #tpu.memory_space<vmem>>
      %dma_start3A_133 = tpu.memref_squeeze %dma_start3A_132 : memref<1x80x64xf32, #tpu.memory_space<vmem>> -> memref<80x64xf32, #tpu.memory_space<vmem>>
      %dma_start3A_134 = arith.constant 0 : i32
      %dma_start3A_135 = arith.constant 0 : i32
      %dma_start3A_136 = tpu.memref_slice %arg6[%add3A_129, %dma_start3A_134, %dma_start3A_135] : memref<4000x80x64xf32, #tpu.memory_space<hbm>> -> memref<1x80x64xf32, #tpu.memory_space<hbm>>
      %dma_start3A_137 = tpu.memref_squeeze %dma_start3A_136 : memref<1x80x64xf32, #tpu.memory_space<hbm>> -> memref<80x64xf32, #tpu.memory_space<hbm>>
      %dma_start3A_138 = tpu.memref_slice %arg16[%rem3A_90] : memref<2x!tpu.dma_semaphore, #tpu.memory_space<semaphore_mem>> -> memref<1x!tpu.dma_semaphore, #tpu.memory_space<semaphore_mem>>
      %dma_start3A_139 = tpu.memref_squeeze %dma_start3A_138 : memref<1x!tpu.dma_semaphore, #tpu.memory_space<semaphore_mem>> -> memref<!tpu.dma_semaphore, #tpu.memory_space<semaphore_mem>>
      %dma_start3A_140 = arith.constant 0 : i32
      %dma_start3A_141 = arith.constant 0 : i32
      %dma_start3A_142 = tpu.memref_slice %arg6[%add3A_129, %dma_start3A_140, %dma_start3A_141] : memref<4000x80x64xf32, #tpu.memory_space<hbm>> -> memref<1x80x64xf32, #tpu.memory_space<hbm>>
      %dma_start3A_143 = tpu.memref_squeeze %dma_start3A_142 : memref<1x80x64xf32, #tpu.memory_space<hbm>> -> memref<80x64xf32, #tpu.memory_space<hbm>>
      %dma_start3A_144 = arith.constant 0 : i32
      %dma_start3A_145 = arith.constant 0 : i32
      %dma_start3A_146 = tpu.memref_slice %arg10[%rem3A_90, %dma_start3A_144, %dma_start3A_145] : memref<2x80x64xf32, #tpu.memory_space<vmem>> -> memref<1x80x64xf32, #tpu.memory_space<vmem>>
      %dma_start3A_147 = tpu.memref_squeeze %dma_start3A_146 : memref<1x80x64xf32, #tpu.memory_space<vmem>> -> memref<80x64xf32, #tpu.memory_space<vmem>>
      tpu.enqueue_dma source(%dma_start3A_147 : memref<80x64xf32, #tpu.memory_space<vmem>>) target(%dma_start3A_143 : memref<80x64xf32, #tpu.memory_space<hbm>>) target_semaphore(%dma_start3A_139 : memref<!tpu.dma_semaphore, #tpu.memory_space<semaphore_mem>>)
      %add3A_148 = arith.addi %mul3A_2, %scan3A_89 : i32
      %dma_start3A_149 = arith.constant 0 : i32
      %dma_start3A_150 = arith.constant 0 : i32
      %dma_start3A_151 = tpu.memref_slice %arg11[%rem3A_90, %dma_start3A_149, %dma_start3A_150] : memref<2x80x64xf32, #tpu.memory_space<vmem>> -> memref<1x80x64xf32, #tpu.memory_space<vmem>>
      %dma_start3A_152 = tpu.memref_squeeze %dma_start3A_151 : memref<1x80x64xf32, #tpu.memory_space<vmem>> -> memref<80x64xf32, #tpu.memory_space<vmem>>
      %dma_start3A_153 = arith.constant 0 : i32
      %dma_start3A_154 = arith.constant 0 : i32
      %dma_start3A_155 = tpu.memref_slice %arg7[%add3A_148, %dma_start3A_153, %dma_start3A_154] : memref<4000x80x64xf32, #tpu.memory_space<hbm>> -> memref<1x80x64xf32, #tpu.memory_space<hbm>>
      %dma_start3A_156 = tpu.memref_squeeze %dma_start3A_155 : memref<1x80x64xf32, #tpu.memory_space<hbm>> -> memref<80x64xf32, #tpu.memory_space<hbm>>
      %dma_start3A_157 = tpu.memref_slice %arg17[%rem3A_90] : memref<2x!tpu.dma_semaphore, #tpu.memory_space<semaphore_mem>> -> memref<1x!tpu.dma_semaphore, #tpu.memory_space<semaphore_mem>>
      %dma_start3A_158 = tpu.memref_squeeze %dma_start3A_157 : memref<1x!tpu.dma_semaphore, #tpu.memory_space<semaphore_mem>> -> memref<!tpu.dma_semaphore, #tpu.memory_space<semaphore_mem>>
      %dma_start3A_159 = arith.constant 0 : i32
      %dma_start3A_160 = arith.constant 0 : i32
      %dma_start3A_161 = tpu.memref_slice %arg7[%add3A_148, %dma_start3A_159, %dma_start3A_160] : memref<4000x80x64xf32, #tpu.memory_space<hbm>> -> memref<1x80x64xf32, #tpu.memory_space<hbm>>
      %dma_start3A_162 = tpu.memref_squeeze %dma_start3A_161 : memref<1x80x64xf32, #tpu.memory_space<hbm>> -> memref<80x64xf32, #tpu.memory_space<hbm>>
      %dma_start3A_163 = arith.constant 0 : i32
      %dma_start3A_164 = arith.constant 0 : i32
      %dma_start3A_165 = tpu.memref_slice %arg11[%rem3A_90, %dma_start3A_163, %dma_start3A_164] : memref<2x80x64xf32, #tpu.memory_space<vmem>> -> memref<1x80x64xf32, #tpu.memory_space<vmem>>
      %dma_start3A_166 = tpu.memref_squeeze %dma_start3A_165 : memref<1x80x64xf32, #tpu.memory_space<vmem>> -> memref<80x64xf32, #tpu.memory_space<vmem>>
      tpu.enqueue_dma source(%dma_start3A_166 : memref<80x64xf32, #tpu.memory_space<vmem>>) target(%dma_start3A_162 : memref<80x64xf32, #tpu.memory_space<hbm>>) target_semaphore(%dma_start3A_158 : memref<!tpu.dma_semaphore, #tpu.memory_space<semaphore_mem>>)
    }
    %scan3A_42 = arith.constant 125 : i32
    %add3A_43 = arith.constant 125 : i32
    %add3A_44 = arith.addi %mul3A_2, %add3A_43 : i32
    %sub3A = arith.constant 1 : i32
    %sub3A_45 = arith.subi %add3A_44, %sub3A : i32
    %dma_wait3A = arith.constant 0 : i32
    %dma_wait3A_46 = arith.constant 0 : i32
    %dma_wait3A_47 = arith.constant 0 : i32
    %dma_wait3A_48 = arith.constant 0 : i32
    %dma_wait3A_49 = tpu.memref_slice %arg10[%dma_wait3A, %dma_wait3A_47, %dma_wait3A_48] : memref<2x80x64xf32, #tpu.memory_space<vmem>> -> memref<1x80x64xf32, #tpu.memory_space<vmem>>
    %dma_wait3A_50 = tpu.memref_squeeze %dma_wait3A_49 : memref<1x80x64xf32, #tpu.memory_space<vmem>> -> memref<80x64xf32, #tpu.memory_space<vmem>>
    %dma_wait3A_51 = arith.constant 0 : i32
    %dma_wait3A_52 = arith.constant 0 : i32
    %dma_wait3A_53 = tpu.memref_slice %arg6[%sub3A_45, %dma_wait3A_51, %dma_wait3A_52] : memref<4000x80x64xf32, #tpu.memory_space<hbm>> -> memref<1x80x64xf32, #tpu.memory_space<hbm>>
    %dma_wait3A_54 = tpu.memref_squeeze %dma_wait3A_53 : memref<1x80x64xf32, #tpu.memory_space<hbm>> -> memref<80x64xf32, #tpu.memory_space<hbm>>
    %dma_wait3A_55 = tpu.memref_slice %arg16[%dma_wait3A_46] : memref<2x!tpu.dma_semaphore, #tpu.memory_space<semaphore_mem>> -> memref<1x!tpu.dma_semaphore, #tpu.memory_space<semaphore_mem>>
    %dma_wait3A_56 = tpu.memref_squeeze %dma_wait3A_55 : memref<1x!tpu.dma_semaphore, #tpu.memory_space<semaphore_mem>> -> memref<!tpu.dma_semaphore, #tpu.memory_space<semaphore_mem>>
    %dma_wait3A_57 = arith.constant 0 : i32
    %dma_wait3A_58 = arith.constant 0 : i32
    %dma_wait3A_59 = tpu.memref_slice %arg6[%sub3A_45, %dma_wait3A_57, %dma_wait3A_58] : memref<4000x80x64xf32, #tpu.memory_space<hbm>> -> memref<1x80x64xf32, #tpu.memory_space<hbm>>
    %dma_wait3A_60 = tpu.memref_squeeze %dma_wait3A_59 : memref<1x80x64xf32, #tpu.memory_space<hbm>> -> memref<80x64xf32, #tpu.memory_space<hbm>>
    %dma_wait3A_61 = arith.constant 0 : i32
    %dma_wait3A_62 = arith.constant 0 : i32
    %dma_wait3A_63 = tpu.memref_slice %arg10[%dma_wait3A, %dma_wait3A_61, %dma_wait3A_62] : memref<2x80x64xf32, #tpu.memory_space<vmem>> -> memref<1x80x64xf32, #tpu.memory_space<vmem>>
    %dma_wait3A_64 = tpu.memref_squeeze %dma_wait3A_63 : memref<1x80x64xf32, #tpu.memory_space<vmem>> -> memref<80x64xf32, #tpu.memory_space<vmem>>
    tpu.wait_dma2 semaphore(%dma_wait3A_56 : memref<!tpu.dma_semaphore, #tpu.memory_space<semaphore_mem>>) src(%dma_wait3A_64 : memref<80x64xf32, #tpu.memory_space<vmem>>) dst(%dma_wait3A_60 : memref<80x64xf32, #tpu.memory_space<hbm>>)
    %add3A_65 = arith.constant 125 : i32
    %add3A_66 = arith.addi %mul3A_2, %add3A_65 : i32
    %sub3A_67 = arith.constant 1 : i32
    %sub3A_68 = arith.subi %add3A_66, %sub3A_67 : i32
    %dma_wait3A_69 = arith.constant 0 : i32
    %dma_wait3A_70 = arith.constant 0 : i32
    %dma_wait3A_71 = arith.constant 0 : i32
    %dma_wait3A_72 = arith.constant 0 : i32
    %dma_wait3A_73 = tpu.memref_slice %arg11[%dma_wait3A_69, %dma_wait3A_71, %dma_wait3A_72] : memref<2x80x64xf32, #tpu.memory_space<vmem>> -> memref<1x80x64xf32, #tpu.memory_space<vmem>>
    %dma_wait3A_74 = tpu.memref_squeeze %dma_wait3A_73 : memref<1x80x64xf32, #tpu.memory_space<vmem>> -> memref<80x64xf32, #tpu.memory_space<vmem>>
    %dma_wait3A_75 = arith.constant 0 : i32
    %dma_wait3A_76 = arith.constant 0 : i32
    %dma_wait3A_77 = tpu.memref_slice %arg7[%sub3A_68, %dma_wait3A_75, %dma_wait3A_76] : memref<4000x80x64xf32, #tpu.memory_space<hbm>> -> memref<1x80x64xf32, #tpu.memory_space<hbm>>
    %dma_wait3A_78 = tpu.memref_squeeze %dma_wait3A_77 : memref<1x80x64xf32, #tpu.memory_space<hbm>> -> memref<80x64xf32, #tpu.memory_space<hbm>>
    %dma_wait3A_79 = tpu.memref_slice %arg17[%dma_wait3A_70] : memref<2x!tpu.dma_semaphore, #tpu.memory_space<semaphore_mem>> -> memref<1x!tpu.dma_semaphore, #tpu.memory_space<semaphore_mem>>
    %dma_wait3A_80 = tpu.memref_squeeze %dma_wait3A_79 : memref<1x!tpu.dma_semaphore, #tpu.memory_space<semaphore_mem>> -> memref<!tpu.dma_semaphore, #tpu.memory_space<semaphore_mem>>
    %dma_wait3A_81 = arith.constant 0 : i32
    %dma_wait3A_82 = arith.constant 0 : i32
    %dma_wait3A_83 = tpu.memref_slice %arg7[%sub3A_68, %dma_wait3A_81, %dma_wait3A_82] : memref<4000x80x64xf32, #tpu.memory_space<hbm>> -> memref<1x80x64xf32, #tpu.memory_space<hbm>>
    %dma_wait3A_84 = tpu.memref_squeeze %dma_wait3A_83 : memref<1x80x64xf32, #tpu.memory_space<hbm>> -> memref<80x64xf32, #tpu.memory_space<hbm>>
    %dma_wait3A_85 = arith.constant 0 : i32
    %dma_wait3A_86 = arith.constant 0 : i32
    %dma_wait3A_87 = tpu.memref_slice %arg11[%dma_wait3A_69, %dma_wait3A_85, %dma_wait3A_86] : memref<2x80x64xf32, #tpu.memory_space<vmem>> -> memref<1x80x64xf32, #tpu.memory_space<vmem>>
    %dma_wait3A_88 = tpu.memref_squeeze %dma_wait3A_87 : memref<1x80x64xf32, #tpu.memory_space<vmem>> -> memref<80x64xf32, #tpu.memory_space<vmem>>
    tpu.wait_dma2 semaphore(%dma_wait3A_80 : memref<!tpu.dma_semaphore, #tpu.memory_space<semaphore_mem>>) src(%dma_wait3A_88 : memref<80x64xf32, #tpu.memory_space<vmem>>) dst(%dma_wait3A_84 : memref<80x64xf32, #tpu.memory_space<hbm>>)
    return
  }
}

module attributes {stable_mosaic.version = 14 : i64} {
  func.func @body(%arg0: i32, %arg1: memref<2x2000x16xf32, #tpu.memory_space<vmem>>, %arg2: memref<2000x128xf32, #tpu.memory_space<vmem>>, %arg3: memref<128x128xf32, #tpu.memory_space<vmem>>, %arg4: memref<2000x1xf32, #tpu.memory_space<vmem>>, %arg5: memref<2000x64xf32, #tpu.memory_space<vmem>>, %arg6: memref<2000x64xf32, #tpu.memory_space<vmem>>) attributes {dimension_semantics = [#tpu.dimension_semantics<arbitrary>], iteration_bounds = array<i64: 5>, scalar_prefetch = 0 : i64, scratch_operands = 0 : i64, tpu.core_type = #tpu.core_type<tc>, window_params = [{transform_indices = @transform_0, window_bounds = array<i64: 2, 2000, 16>}, {transform_indices = @transform_1, window_bounds = array<i64: 2000, 128>}, {pipeline_mode = #tpu.pipeline_mode<synchronous>, transform_indices = @transform_2, window_bounds = array<i64: 128, 128>}, {transform_indices = @transform_3, window_bounds = array<i64: 2000, 1>}, {transform_indices = @transform_4, window_bounds = array<i64: 2000, 64>}, {transform_indices = @transform_5, window_bounds = array<i64: 2000, 64>}]} {
    %get3A = arith.constant 0 : index
    %get3A_0 = arith.constant 0 : index
    %get3A_1 = arith.constant 0 : index
    %get3A_2 = vector.load %arg1[%get3A, %get3A_0, %get3A_1] : memref<2x2000x16xf32, #tpu.memory_space<vmem>>, vector<1x2000x16xf32>
    %get3A_3 = vector.shape_cast %get3A_2 : vector<1x2000x16xf32> to vector<2000x16xf32>
    %get3A_4 = arith.constant 1 : index
    %get3A_5 = arith.constant 0 : index
    %get3A_6 = arith.constant 0 : index
    %get3A_7 = vector.load %arg1[%get3A_4, %get3A_5, %get3A_6] : memref<2x2000x16xf32, #tpu.memory_space<vmem>>, vector<1x2000x16xf32>
    %get3A_8 = vector.shape_cast %get3A_7 : vector<1x2000x16xf32> to vector<2000x16xf32>
    %add3A = arith.addf %get3A_3, %get3A_8 : vector<2000x16xf32>
    %slice3A = vector.extract_strided_slice %add3A {offsets = [0, 0], sizes = [2000, 1], strides = [1, 1]} : vector<2000x16xf32> to vector<2000x1xf32>
    %add3A_9 = arith.constant 1.000000e+00 : f32
    %add3A_10 = vector.broadcast %add3A_9 : f32 to vector<2000x1xf32>
    %add3A_11 = arith.addf %slice3A, %add3A_10 : vector<2000x1xf32>
    %rsqrt3A = math.rsqrt %add3A_11 : vector<2000x1xf32>
    %swap3A = arith.constant 0 : index
    %swap3A_12 = arith.constant 0 : index
    %swap3A_13 = vector.load %arg4[%swap3A, %swap3A_12] : memref<2000x1xf32, #tpu.memory_space<vmem>>, vector<2000x1xf32>
    tpu.vector_store %arg4[%swap3A, %swap3A_12], %rsqrt3A {strides = array<i32>} : memref<2000x1xf32, #tpu.memory_space<vmem>>, vector<2000x1xf32>,
    %get3A_14 = arith.constant 0 : index
    %get3A_15 = arith.constant 0 : index
    %get3A_16 = vector.load %arg2[%get3A_14, %get3A_15] : memref<2000x128xf32, #tpu.memory_space<vmem>>, vector<2000x128xf32>
    %get3A_17 = arith.constant 0 : index
    %get3A_18 = arith.constant 0 : index
    %get3A_19 = vector.load %arg3[%get3A_17, %get3A_18] : memref<128x128xf32, #tpu.memory_space<vmem>>, vector<128x128xf32>
    %dot_general3A = arith.constant dense<0.000000e+00> : vector<2000x128xf32>
    %dot_general3A_20 = tpu.matmul %get3A_16, %get3A_19, %dot_general3A {dimension_numbers = #tpu.dot_dimension_numbers<[1], [0], [0], [1], [0, 0, 1, 1], [], []>, transpose_lhs_hint = false} : vector<2000x128xf32>, vector<128x128xf32>, vector<2000x128xf32> -> vector<2000x128xf32>
    %mul3A = vector.broadcast %rsqrt3A : vector<2000x1xf32> to vector<2000x128xf32>
    %mul3A_21 = arith.mulf %dot_general3A_20, %mul3A : vector<2000x128xf32>
    %slice3A_22 = vector.extract_strided_slice %mul3A_21 {offsets = [0, 0], sizes = [2000, 64], strides = [1, 1]} : vector<2000x128xf32> to vector<2000x64xf32>
    %swap3A_23 = arith.constant 0 : index
    %swap3A_24 = arith.constant 0 : index
    %swap3A_25 = vector.load %arg5[%swap3A_23, %swap3A_24] : memref<2000x64xf32, #tpu.memory_space<vmem>>, vector<2000x64xf32>
    tpu.vector_store %arg5[%swap3A_23, %swap3A_24], %slice3A_22 {strides = array<i32>} : memref<2000x64xf32, #tpu.memory_space<vmem>>, vector<2000x64xf32>,
    %slice3A_26 = vector.extract_strided_slice %mul3A_21 {offsets = [0, 64], sizes = [2000, 64], strides = [1, 1]} : vector<2000x128xf32> to vector<2000x64xf32>
    %swap3A_27 = arith.constant 0 : index
    %swap3A_28 = arith.constant 0 : index
    %swap3A_29 = vector.load %arg6[%swap3A_27, %swap3A_28] : memref<2000x64xf32, #tpu.memory_space<vmem>>, vector<2000x64xf32>
    tpu.vector_store %arg6[%swap3A_27, %swap3A_28], %slice3A_26 {strides = array<i32>} : memref<2000x64xf32, #tpu.memory_space<vmem>>, vector<2000x64xf32>,
    return
  }
  func.func @transform_0(%arg0: i32) -> (i32, i32, i32) {
    %c0_i32 = arith.constant 0 : i32
    %c0_i32_0 = arith.constant 0 : i32
    %c0_i32_1 = arith.constant 0 : i32
    return %c0_i32, %arg0, %c0_i32_0 : i32, i32, i32
  }
  func.func @transform_1(%arg0: i32) -> (i32, i32) {
    %c0_i32 = arith.constant 0 : i32
    %c0_i32_0 = arith.constant 0 : i32
    return %arg0, %c0_i32 : i32, i32
  }
  func.func @transform_2(%arg0: i32) -> (i32, i32) {
    %c0_i32 = arith.constant 0 : i32
    %c0_i32_0 = arith.constant 0 : i32
    %c0_i32_1 = arith.constant 0 : i32
    return %c0_i32, %c0_i32_0 : i32, i32
  }
  func.func @transform_3(%arg0: i32) -> (i32, i32) {
    %c0_i32 = arith.constant 0 : i32
    %c0_i32_0 = arith.constant 0 : i32
    return %arg0, %c0_i32 : i32, i32
  }
  func.func @transform_4(%arg0: i32) -> (i32, i32) {
    %c0_i32 = arith.constant 0 : i32
    %c0_i32_0 = arith.constant 0 : i32
    return %arg0, %c0_i32 : i32, i32
  }
  func.func @transform_5(%arg0: i32) -> (i32, i32) {
    %c0_i32 = arith.constant 0 : i32
    %c0_i32_0 = arith.constant 0 : i32
    return %arg0, %c0_i32 : i32, i32
  }
}

module attributes {stable_mosaic.version = 14 : i64} {
  func.func @body(%arg0: i32, %arg1: memref<2x2x2000x64xf32, #tpu.memory_space<vmem>>, %arg2: memref<2000x64xf32, #tpu.memory_space<vmem>>, %arg3: memref<2000x64xf32, #tpu.memory_space<vmem>>, %arg4: memref<2000x1xf32, #tpu.memory_space<vmem>>, %arg5: memref<1x128xf32, #tpu.memory_space<vmem>>, %arg6: memref<128x64xf32, #tpu.memory_space<vmem>>, %arg7: memref<2000x64xf32, #tpu.memory_space<vmem>>) attributes {dimension_semantics = [#tpu.dimension_semantics<arbitrary>], iteration_bounds = array<i64: 5>, scalar_prefetch = 0 : i64, scratch_operands = 0 : i64, tpu.core_type = #tpu.core_type<tc>, window_params = [{transform_indices = @transform_0, window_bounds = array<i64: 2, 2, 2000, 64>}, {transform_indices = @transform_1, window_bounds = array<i64: 2000, 64>}, {transform_indices = @transform_2, window_bounds = array<i64: 2000, 64>}, {transform_indices = @transform_3, window_bounds = array<i64: 2000, 1>}, {pipeline_mode = #tpu.pipeline_mode<synchronous>, transform_indices = @transform_4, window_bounds = array<i64: 1, 128>}, {pipeline_mode = #tpu.pipeline_mode<synchronous>, transform_indices = @transform_5, window_bounds = array<i64: 128, 64>}, {transform_indices = @transform_6, window_bounds = array<i64: 2000, 64>}]} {
    %get3A = arith.constant 0 : index
    %get3A_0 = arith.constant 0 : index
    %get3A_1 = vector.load %arg4[%get3A, %get3A_0] : memref<2000x1xf32, #tpu.memory_space<vmem>>, vector<2000x1xf32>
    %get3A_2 = arith.constant 0 : index
    %get3A_3 = arith.constant 0 : index
    %get3A_4 = vector.load %arg5[%get3A_2, %get3A_3] : memref<1x128xf32, #tpu.memory_space<vmem>>, vector<1x128xf32>
    %get3A_5 = arith.constant 0 : index
    %get3A_6 = arith.constant 0 : index
    %get3A_7 = arith.constant 0 : index
    %get3A_8 = arith.constant 0 : index
    %get3A_9 = vector.load %arg1[%get3A_5, %get3A_6, %get3A_7, %get3A_8] : memref<2x2x2000x64xf32, #tpu.memory_space<vmem>>, vector<1x1x2000x64xf32>
    %get3A_10 = vector.shape_cast %get3A_9 : vector<1x1x2000x64xf32> to vector<2000x64xf32>
    %get3A_11 = arith.constant 1 : index
    %get3A_12 = arith.constant 0 : index
    %get3A_13 = arith.constant 0 : index
    %get3A_14 = arith.constant 0 : index
    %get3A_15 = vector.load %arg1[%get3A_11, %get3A_12, %get3A_13, %get3A_14] : memref<2x2x2000x64xf32, #tpu.memory_space<vmem>>, vector<1x1x2000x64xf32>
    %get3A_16 = vector.shape_cast %get3A_15 : vector<1x1x2000x64xf32> to vector<2000x64xf32>
    %add3A = arith.addf %get3A_10, %get3A_16 : vector<2000x64xf32>
    %get3A_17 = arith.constant 0 : index
    %get3A_18 = arith.constant 0 : index
    %get3A_19 = vector.load %arg2[%get3A_17, %get3A_18] : memref<2000x64xf32, #tpu.memory_space<vmem>>, vector<2000x64xf32>
    %add3A_20 = arith.addf %add3A, %get3A_19 : vector<2000x64xf32>
    %mul3A = vector.broadcast %get3A_1 : vector<2000x1xf32> to vector<2000x64xf32>
    %mul3A_21 = arith.mulf %add3A_20, %mul3A : vector<2000x64xf32>
    %slice3A = vector.extract_strided_slice %get3A_4 {offsets = [0, 0], sizes = [1, 64], strides = [1, 1]} : vector<1x128xf32> to vector<1x64xf32>
    %add3A_22 = vector.broadcast %slice3A : vector<1x64xf32> to vector<2000x64xf32>
    %add3A_23 = arith.addf %mul3A_21, %add3A_22 : vector<2000x64xf32>
    %get3A_24 = arith.constant 0 : index
    %get3A_25 = arith.constant 1 : index
    %get3A_26 = arith.constant 0 : index
    %get3A_27 = arith.constant 0 : index
    %get3A_28 = vector.load %arg1[%get3A_24, %get3A_25, %get3A_26, %get3A_27] : memref<2x2x2000x64xf32, #tpu.memory_space<vmem>>, vector<1x1x2000x64xf32>
    %get3A_29 = vector.shape_cast %get3A_28 : vector<1x1x2000x64xf32> to vector<2000x64xf32>
    %get3A_30 = arith.constant 1 : index
    %get3A_31 = arith.constant 1 : index
    %get3A_32 = arith.constant 0 : index
    %get3A_33 = arith.constant 0 : index
    %get3A_34 = vector.load %arg1[%get3A_30, %get3A_31, %get3A_32, %get3A_33] : memref<2x2x2000x64xf32, #tpu.memory_space<vmem>>, vector<1x1x2000x64xf32>
    %get3A_35 = vector.shape_cast %get3A_34 : vector<1x1x2000x64xf32> to vector<2000x64xf32>
    %add3A_36 = arith.addf %get3A_29, %get3A_35 : vector<2000x64xf32>
    %get3A_37 = arith.constant 0 : index
    %get3A_38 = arith.constant 0 : index
    %get3A_39 = vector.load %arg3[%get3A_37, %get3A_38] : memref<2000x64xf32, #tpu.memory_space<vmem>>, vector<2000x64xf32>
    %add3A_40 = arith.addf %add3A_36, %get3A_39 : vector<2000x64xf32>
    %mul3A_41 = vector.broadcast %get3A_1 : vector<2000x1xf32> to vector<2000x64xf32>
    %mul3A_42 = arith.mulf %add3A_40, %mul3A_41 : vector<2000x64xf32>
    %slice3A_43 = vector.extract_strided_slice %get3A_4 {offsets = [0, 64], sizes = [1, 64], strides = [1, 1]} : vector<1x128xf32> to vector<1x64xf32>
    %add3A_44 = vector.broadcast %slice3A_43 : vector<1x64xf32> to vector<2000x64xf32>
    %add3A_45 = arith.addf %mul3A_42, %add3A_44 : vector<2000x64xf32>
    %concatenate3A = tpu.concatenate %add3A_23, %add3A_45 in 1 : vector<2000x64xf32>, vector<2000x64xf32> -> vector<2000x128xf32>
    %max3A = arith.constant 0.000000e+00 : f32
    %max3A_46 = vector.broadcast %max3A : f32 to vector<2000x128xf32>
    %max3A_47 = arith.maximumf %concatenate3A, %max3A_46 : vector<2000x128xf32>
    %get3A_48 = arith.constant 0 : index
    %get3A_49 = arith.constant 0 : index
    %get3A_50 = vector.load %arg6[%get3A_48, %get3A_49] : memref<128x64xf32, #tpu.memory_space<vmem>>, vector<128x64xf32>
    %dot_general3A = arith.constant dense<0.000000e+00> : vector<2000x64xf32>
    %dot_general3A_51 = tpu.matmul %max3A_47, %get3A_50, %dot_general3A {dimension_numbers = #tpu.dot_dimension_numbers<[1], [0], [0], [1], [0, 0, 1, 1], [], []>, transpose_lhs_hint = false} : vector<2000x128xf32>, vector<128x64xf32>, vector<2000x64xf32> -> vector<2000x64xf32>
    %mul3A_52 = vector.broadcast %get3A_1 : vector<2000x1xf32> to vector<2000x64xf32>
    %mul3A_53 = arith.mulf %dot_general3A_51, %mul3A_52 : vector<2000x64xf32>
    %swap3A = arith.constant 0 : index
    %swap3A_54 = arith.constant 0 : index
    %swap3A_55 = vector.load %arg7[%swap3A, %swap3A_54] : memref<2000x64xf32, #tpu.memory_space<vmem>>, vector<2000x64xf32>
    tpu.vector_store %arg7[%swap3A, %swap3A_54], %mul3A_53 {strides = array<i32>} : memref<2000x64xf32, #tpu.memory_space<vmem>>, vector<2000x64xf32>,
    return
  }
  func.func @transform_0(%arg0: i32) -> (i32, i32, i32, i32) {
    %c0_i32 = arith.constant 0 : i32
    %c0_i32_0 = arith.constant 0 : i32
    %c0_i32_1 = arith.constant 0 : i32
    %c0_i32_2 = arith.constant 0 : i32
    return %c0_i32, %c0_i32_0, %arg0, %c0_i32_1 : i32, i32, i32, i32
  }
  func.func @transform_1(%arg0: i32) -> (i32, i32) {
    %c0_i32 = arith.constant 0 : i32
    %c0_i32_0 = arith.constant 0 : i32
    return %arg0, %c0_i32 : i32, i32
  }
  func.func @transform_2(%arg0: i32) -> (i32, i32) {
    %c0_i32 = arith.constant 0 : i32
    %c0_i32_0 = arith.constant 0 : i32
    return %arg0, %c0_i32 : i32, i32
  }
  func.func @transform_3(%arg0: i32) -> (i32, i32) {
    %c0_i32 = arith.constant 0 : i32
    %c0_i32_0 = arith.constant 0 : i32
    return %arg0, %c0_i32 : i32, i32
  }
  func.func @transform_4(%arg0: i32) -> (i32, i32) {
    %c0_i32 = arith.constant 0 : i32
    %c0_i32_0 = arith.constant 0 : i32
    %c0_i32_1 = arith.constant 0 : i32
    return %c0_i32, %c0_i32_0 : i32, i32
  }
  func.func @transform_5(%arg0: i32) -> (i32, i32) {
    %c0_i32 = arith.constant 0 : i32
    %c0_i32_0 = arith.constant 0 : i32
    %c0_i32_1 = arith.constant 0 : i32
    return %c0_i32, %c0_i32_0 : i32, i32
  }
  func.func @transform_6(%arg0: i32) -> (i32, i32) {
    %c0_i32 = arith.constant 0 : i32
    %c0_i32_0 = arith.constant 0 : i32
    return %arg0, %c0_i32 : i32, i32
  }
}

module attributes {stable_mosaic.version = 14 : i64} {
  func.func @body(%arg0: i32, %arg1: memref<2x2000x64xf32, #tpu.memory_space<vmem>>, %arg2: memref<2000x64xf32, #tpu.memory_space<vmem>>, %arg3: memref<2000x1xf32, #tpu.memory_space<vmem>>, %arg4: memref<1x64xf32, #tpu.memory_space<vmem>>, %arg5: memref<128x64xf32, #tpu.memory_space<vmem>>, %arg6: memref<1x64xf32, #tpu.memory_space<vmem>>, %arg7: memref<2000x64xf32, #tpu.memory_space<vmem>>, %arg8: memref<2000x64xf32, #tpu.memory_space<vmem>>) attributes {dimension_semantics = [#tpu.dimension_semantics<arbitrary>], iteration_bounds = array<i64: 5>, scalar_prefetch = 0 : i64, scratch_operands = 0 : i64, tpu.core_type = #tpu.core_type<tc>, window_params = [{transform_indices = @transform_0, window_bounds = array<i64: 2, 2000, 64>}, {transform_indices = @transform_1, window_bounds = array<i64: 2000, 64>}, {transform_indices = @transform_2, window_bounds = array<i64: 2000, 1>}, {pipeline_mode = #tpu.pipeline_mode<synchronous>, transform_indices = @transform_3, window_bounds = array<i64: 1, 64>}, {pipeline_mode = #tpu.pipeline_mode<synchronous>, transform_indices = @transform_4, window_bounds = array<i64: 128, 64>}, {pipeline_mode = #tpu.pipeline_mode<synchronous>, transform_indices = @transform_5, window_bounds = array<i64: 1, 64>}, {transform_indices = @transform_6, window_bounds = array<i64: 2000, 64>}, {transform_indices = @transform_7, window_bounds = array<i64: 2000, 64>}]} {
    %get3A = arith.constant 0 : index
    %get3A_0 = arith.constant 0 : index
    %get3A_1 = arith.constant 0 : index
    %get3A_2 = vector.load %arg1[%get3A, %get3A_0, %get3A_1] : memref<2x2000x64xf32, #tpu.memory_space<vmem>>, vector<1x2000x64xf32>
    %get3A_3 = vector.shape_cast %get3A_2 : vector<1x2000x64xf32> to vector<2000x64xf32>
    %get3A_4 = arith.constant 1 : index
    %get3A_5 = arith.constant 0 : index
    %get3A_6 = arith.constant 0 : index
    %get3A_7 = vector.load %arg1[%get3A_4, %get3A_5, %get3A_6] : memref<2x2000x64xf32, #tpu.memory_space<vmem>>, vector<1x2000x64xf32>
    %get3A_8 = vector.shape_cast %get3A_7 : vector<1x2000x64xf32> to vector<2000x64xf32>
    %add3A = arith.addf %get3A_3, %get3A_8 : vector<2000x64xf32>
    %get3A_9 = arith.constant 0 : index
    %get3A_10 = arith.constant 0 : index
    %get3A_11 = vector.load %arg2[%get3A_9, %get3A_10] : memref<2000x64xf32, #tpu.memory_space<vmem>>, vector<2000x64xf32>
    %add3A_12 = arith.addf %add3A, %get3A_11 : vector<2000x64xf32>
    %get3A_13 = arith.constant 0 : index
    %get3A_14 = arith.constant 0 : index
    %get3A_15 = vector.load %arg3[%get3A_13, %get3A_14] : memref<2000x1xf32, #tpu.memory_space<vmem>>, vector<2000x1xf32>
    %mul3A = vector.broadcast %get3A_15 : vector<2000x1xf32> to vector<2000x64xf32>
    %mul3A_16 = arith.mulf %add3A_12, %mul3A : vector<2000x64xf32>
    %get3A_17 = arith.constant 0 : index
    %get3A_18 = arith.constant 0 : index
    %get3A_19 = vector.load %arg4[%get3A_17, %get3A_18] : memref<1x64xf32, #tpu.memory_space<vmem>>, vector<1x64xf32>
    %add3A_20 = vector.broadcast %get3A_19 : vector<1x64xf32> to vector<2000x64xf32>
    %add3A_21 = arith.addf %mul3A_16, %add3A_20 : vector<2000x64xf32>
    %get3A_22 = arith.constant 0 : index
    %get3A_23 = arith.constant 0 : index
    %get3A_24 = vector.load %arg5[%get3A_22, %get3A_23] : memref<128x64xf32, #tpu.memory_space<vmem>>, vector<128x64xf32>
    %slice3A = vector.extract_strided_slice %get3A_24 {offsets = [0, 0], sizes = [64, 64], strides = [1, 1]} : vector<128x64xf32> to vector<64x64xf32>
    %dot_general3A = arith.constant dense<0.000000e+00> : vector<2000x64xf32>
    %dot_general3A_25 = tpu.matmul %add3A_21, %slice3A, %dot_general3A {dimension_numbers = #tpu.dot_dimension_numbers<[1], [0], [0], [1], [0, 0, 1, 1], [], []>, transpose_lhs_hint = false} : vector<2000x64xf32>, vector<64x64xf32>, vector<2000x64xf32> -> vector<2000x64xf32>
    %swap3A = arith.constant 0 : index
    %swap3A_26 = arith.constant 0 : index
    %swap3A_27 = vector.load %arg7[%swap3A, %swap3A_26] : memref<2000x64xf32, #tpu.memory_space<vmem>>, vector<2000x64xf32>
    tpu.vector_store %arg7[%swap3A, %swap3A_26], %dot_general3A_25 {strides = array<i32>} : memref<2000x64xf32, #tpu.memory_space<vmem>>, vector<2000x64xf32>,
    %slice3A_28 = vector.extract_strided_slice %get3A_24 {offsets = [64, 0], sizes = [64, 64], strides = [1, 1]} : vector<128x64xf32> to vector<64x64xf32>
    %dot_general3A_29 = arith.constant dense<0.000000e+00> : vector<2000x64xf32>
    %dot_general3A_30 = tpu.matmul %add3A_21, %slice3A_28, %dot_general3A_29 {dimension_numbers = #tpu.dot_dimension_numbers<[1], [0], [0], [1], [0, 0, 1, 1], [], []>, transpose_lhs_hint = false} : vector<2000x64xf32>, vector<64x64xf32>, vector<2000x64xf32> -> vector<2000x64xf32>
    %get3A_31 = arith.constant 0 : index
    %get3A_32 = arith.constant 0 : index
    %get3A_33 = vector.load %arg6[%get3A_31, %get3A_32] : memref<1x64xf32, #tpu.memory_space<vmem>>, vector<1x64xf32>
    %add3A_34 = vector.broadcast %get3A_33 : vector<1x64xf32> to vector<2000x64xf32>
    %add3A_35 = arith.addf %dot_general3A_30, %add3A_34 : vector<2000x64xf32>
    %swap3A_36 = arith.constant 0 : index
    %swap3A_37 = arith.constant 0 : index
    %swap3A_38 = vector.load %arg8[%swap3A_36, %swap3A_37] : memref<2000x64xf32, #tpu.memory_space<vmem>>, vector<2000x64xf32>
    tpu.vector_store %arg8[%swap3A_36, %swap3A_37], %add3A_35 {strides = array<i32>} : memref<2000x64xf32, #tpu.memory_space<vmem>>, vector<2000x64xf32>,
    return
  }
  func.func @transform_0(%arg0: i32) -> (i32, i32, i32) {
    %c0_i32 = arith.constant 0 : i32
    %c0_i32_0 = arith.constant 0 : i32
    %c0_i32_1 = arith.constant 0 : i32
    return %c0_i32, %arg0, %c0_i32_0 : i32, i32, i32
  }
  func.func @transform_1(%arg0: i32) -> (i32, i32) {
    %c0_i32 = arith.constant 0 : i32
    %c0_i32_0 = arith.constant 0 : i32
    return %arg0, %c0_i32 : i32, i32
  }
  func.func @transform_2(%arg0: i32) -> (i32, i32) {
    %c0_i32 = arith.constant 0 : i32
    %c0_i32_0 = arith.constant 0 : i32
    return %arg0, %c0_i32 : i32, i32
  }
  func.func @transform_3(%arg0: i32) -> (i32, i32) {
    %c0_i32 = arith.constant 0 : i32
    %c0_i32_0 = arith.constant 0 : i32
    %c0_i32_1 = arith.constant 0 : i32
    return %c0_i32, %c0_i32_0 : i32, i32
  }
  func.func @transform_4(%arg0: i32) -> (i32, i32) {
    %c0_i32 = arith.constant 0 : i32
    %c0_i32_0 = arith.constant 0 : i32
    %c0_i32_1 = arith.constant 0 : i32
    return %c0_i32, %c0_i32_0 : i32, i32
  }
  func.func @transform_5(%arg0: i32) -> (i32, i32) {
    %c0_i32 = arith.constant 0 : i32
    %c0_i32_0 = arith.constant 0 : i32
    %c0_i32_1 = arith.constant 0 : i32
    return %c0_i32, %c0_i32_0 : i32, i32
  }
  func.func @transform_6(%arg0: i32) -> (i32, i32) {
    %c0_i32 = arith.constant 0 : i32
    %c0_i32_0 = arith.constant 0 : i32
    return %arg0, %c0_i32 : i32, i32
  }
  func.func @transform_7(%arg0: i32) -> (i32, i32) {
    %c0_i32 = arith.constant 0 : i32
    %c0_i32_0 = arith.constant 0 : i32
    return %arg0, %c0_i32 : i32, i32
  }
}

module attributes {stable_mosaic.version = 14 : i64} {
  func.func @body(%arg0: i32, %arg1: memref<8000x128xf32, #tpu.memory_space<vmem>>, %arg2: memref<8000x128xf32, #tpu.memory_space<vmem>>, %arg3: memref<128x64xf32, #tpu.memory_space<vmem>>, %arg4: memref<1x64xf32, #tpu.memory_space<vmem>>, %arg5: memref<64x32xf32, #tpu.memory_space<vmem>>, %arg6: memref<1x32xf32, #tpu.memory_space<vmem>>, %arg7: memref<32x2xf32, #tpu.memory_space<vmem>>, %arg8: memref<1x2xf32, #tpu.memory_space<vmem>>, %arg9: memref<8000x2xf32, #tpu.memory_space<vmem>>) attributes {dimension_semantics = [#tpu.dimension_semantics<arbitrary>], iteration_bounds = array<i64: 20>, scalar_prefetch = 0 : i64, scratch_operands = 0 : i64, tpu.core_type = #tpu.core_type<tc>, window_params = [{transform_indices = @transform_0, window_bounds = array<i64: 8000, 128>}, {transform_indices = @transform_1, window_bounds = array<i64: 8000, 128>}, {pipeline_mode = #tpu.pipeline_mode<synchronous>, transform_indices = @transform_2, window_bounds = array<i64: 128, 64>}, {pipeline_mode = #tpu.pipeline_mode<synchronous>, transform_indices = @transform_3, window_bounds = array<i64: 1, 64>}, {pipeline_mode = #tpu.pipeline_mode<synchronous>, transform_indices = @transform_4, window_bounds = array<i64: 64, 32>}, {pipeline_mode = #tpu.pipeline_mode<synchronous>, transform_indices = @transform_5, window_bounds = array<i64: 1, 32>}, {pipeline_mode = #tpu.pipeline_mode<synchronous>, transform_indices = @transform_6, window_bounds = array<i64: 32, 2>}, {pipeline_mode = #tpu.pipeline_mode<synchronous>, transform_indices = @transform_7, window_bounds = array<i64: 1, 2>}, {transform_indices = @transform_8, window_bounds = array<i64: 8000, 2>}]} {
    %get3A = arith.constant 0 : index
    %get3A_0 = arith.constant 0 : index
    %get3A_1 = vector.load %arg1[%get3A, %get3A_0] : memref<8000x128xf32, #tpu.memory_space<vmem>>, vector<8000x128xf32>
    %get3A_2 = arith.constant 0 : index
    %get3A_3 = arith.constant 0 : index
    %get3A_4 = vector.load %arg2[%get3A_2, %get3A_3] : memref<8000x128xf32, #tpu.memory_space<vmem>>, vector<8000x128xf32>
    %add3A = arith.addf %get3A_1, %get3A_4 : vector<8000x128xf32>
    %max3A = arith.constant 0.000000e+00 : f32
    %max3A_5 = vector.broadcast %max3A : f32 to vector<8000x128xf32>
    %max3A_6 = arith.maximumf %add3A, %max3A_5 : vector<8000x128xf32>
    %get3A_7 = arith.constant 0 : index
    %get3A_8 = arith.constant 0 : index
    %get3A_9 = vector.load %arg3[%get3A_7, %get3A_8] : memref<128x64xf32, #tpu.memory_space<vmem>>, vector<128x64xf32>
    %dot_general3A = arith.constant dense<0.000000e+00> : vector<8000x64xf32>
    %dot_general3A_10 = tpu.matmul %max3A_6, %get3A_9, %dot_general3A {dimension_numbers = #tpu.dot_dimension_numbers<[1], [0], [0], [1], [0, 0, 1, 1], [], []>, transpose_lhs_hint = false} : vector<8000x128xf32>, vector<128x64xf32>, vector<8000x64xf32> -> vector<8000x64xf32>
    %get3A_11 = arith.constant 0 : index
    %get3A_12 = arith.constant 0 : index
    %get3A_13 = vector.load %arg4[%get3A_11, %get3A_12] : memref<1x64xf32, #tpu.memory_space<vmem>>, vector<1x64xf32>
    %add3A_14 = vector.broadcast %get3A_13 : vector<1x64xf32> to vector<8000x64xf32>
    %add3A_15 = arith.addf %dot_general3A_10, %add3A_14 : vector<8000x64xf32>
    %max3A_16 = arith.constant 0.000000e+00 : f32
    %max3A_17 = vector.broadcast %max3A_16 : f32 to vector<8000x64xf32>
    %max3A_18 = arith.maximumf %add3A_15, %max3A_17 : vector<8000x64xf32>
    %get3A_19 = arith.constant 0 : index
    %get3A_20 = arith.constant 0 : index
    %get3A_21 = vector.load %arg5[%get3A_19, %get3A_20] : memref<64x32xf32, #tpu.memory_space<vmem>>, vector<64x32xf32>
    %dot_general3A_22 = arith.constant dense<0.000000e+00> : vector<8000x32xf32>
    %dot_general3A_23 = tpu.matmul %max3A_18, %get3A_21, %dot_general3A_22 {dimension_numbers = #tpu.dot_dimension_numbers<[1], [0], [0], [1], [0, 0, 1, 1], [], []>, transpose_lhs_hint = false} : vector<8000x64xf32>, vector<64x32xf32>, vector<8000x32xf32> -> vector<8000x32xf32>
    %get3A_24 = arith.constant 0 : index
    %get3A_25 = arith.constant 0 : index
    %get3A_26 = vector.load %arg6[%get3A_24, %get3A_25] : memref<1x32xf32, #tpu.memory_space<vmem>>, vector<1x32xf32>
    %add3A_27 = vector.broadcast %get3A_26 : vector<1x32xf32> to vector<8000x32xf32>
    %add3A_28 = arith.addf %dot_general3A_23, %add3A_27 : vector<8000x32xf32>
    %max3A_29 = arith.constant 0.000000e+00 : f32
    %max3A_30 = vector.broadcast %max3A_29 : f32 to vector<8000x32xf32>
    %max3A_31 = arith.maximumf %add3A_28, %max3A_30 : vector<8000x32xf32>
    %get3A_32 = arith.constant 0 : index
    %get3A_33 = arith.constant 0 : index
    %get3A_34 = vector.load %arg7[%get3A_32, %get3A_33] : memref<32x2xf32, #tpu.memory_space<vmem>>, vector<32x2xf32>
    %dot_general3A_35 = arith.constant dense<0.000000e+00> : vector<8000x2xf32>
    %dot_general3A_36 = tpu.matmul %max3A_31, %get3A_34, %dot_general3A_35 {dimension_numbers = #tpu.dot_dimension_numbers<[1], [0], [0], [1], [0, 0, 1, 1], [], []>, transpose_lhs_hint = false} : vector<8000x32xf32>, vector<32x2xf32>, vector<8000x2xf32> -> vector<8000x2xf32>
    %get3A_37 = arith.constant 0 : index
    %get3A_38 = arith.constant 0 : index
    %get3A_39 = vector.load %arg8[%get3A_37, %get3A_38] : memref<1x2xf32, #tpu.memory_space<vmem>>, vector<1x2xf32>
    %add3A_40 = vector.broadcast %get3A_39 : vector<1x2xf32> to vector<8000x2xf32>
    %add3A_41 = arith.addf %dot_general3A_36, %add3A_40 : vector<8000x2xf32>
    %swap3A = arith.constant 0 : index
    %swap3A_42 = arith.constant 0 : index
    %swap3A_43 = vector.load %arg9[%swap3A, %swap3A_42] : memref<8000x2xf32, #tpu.memory_space<vmem>>, vector<8000x2xf32>
    tpu.vector_store %arg9[%swap3A, %swap3A_42], %add3A_41 {strides = array<i32>} : memref<8000x2xf32, #tpu.memory_space<vmem>>, vector<8000x2xf32>,
    return
  }
  func.func @transform_0(%arg0: i32) -> (i32, i32) {
    %c0_i32 = arith.constant 0 : i32
    %c0_i32_0 = arith.constant 0 : i32
    return %arg0, %c0_i32 : i32, i32
  }
  func.func @transform_1(%arg0: i32) -> (i32, i32) {
    %c0_i32 = arith.constant 0 : i32
    %c0_i32_0 = arith.constant 0 : i32
    return %arg0, %c0_i32 : i32, i32
  }
  func.func @transform_2(%arg0: i32) -> (i32, i32) {
    %c0_i32 = arith.constant 0 : i32
    %c0_i32_0 = arith.constant 0 : i32
    %c0_i32_1 = arith.constant 0 : i32
    return %c0_i32, %c0_i32_0 : i32, i32
  }
  func.func @transform_3(%arg0: i32) -> (i32, i32) {
    %c0_i32 = arith.constant 0 : i32
    %c0_i32_0 = arith.constant 0 : i32
    %c0_i32_1 = arith.constant 0 : i32
    return %c0_i32, %c0_i32_0 : i32, i32
  }
  func.func @transform_4(%arg0: i32) -> (i32, i32) {
    %c0_i32 = arith.constant 0 : i32
    %c0_i32_0 = arith.constant 0 : i32
    %c0_i32_1 = arith.constant 0 : i32
    return %c0_i32, %c0_i32_0 : i32, i32
  }
  func.func @transform_5(%arg0: i32) -> (i32, i32) {
    %c0_i32 = arith.constant 0 : i32
    %c0_i32_0 = arith.constant 0 : i32
    %c0_i32_1 = arith.constant 0 : i32
    return %c0_i32, %c0_i32_0 : i32, i32
  }
  func.func @transform_6(%arg0: i32) -> (i32, i32) {
    %c0_i32 = arith.constant 0 : i32
    %c0_i32_0 = arith.constant 0 : i32
    %c0_i32_1 = arith.constant 0 : i32
    return %c0_i32, %c0_i32_0 : i32, i32
  }
  func.func @transform_7(%arg0: i32) -> (i32, i32) {
    %c0_i32 = arith.constant 0 : i32
    %c0_i32_0 = arith.constant 0 : i32
    %c0_i32_1 = arith.constant 0 : i32
    return %c0_i32, %c0_i32_0 : i32, i32
  }
  func.func @transform_8(%arg0: i32) -> (i32, i32) {
    %c0_i32 = arith.constant 0 : i32
    %c0_i32_0 = arith.constant 0 : i32
    return %arg0, %c0_i32 : i32, i32
  }
}

</mosaic_0001>

<sc_bundles>
// kernel: kernel.10.cloned.1.call-start
scs
__scs_entry_jumppad:
0x0: {  	(pc) =	sbr.rel $0x88, $3  }
0x1: {  	(tag) =	ssettag $0x0;
	lr =	simm.s32 $0x1  }
0x2: {  	[smem:$0x3F93] =	sst lr;
	_ =	strace $0xD0000000  }
0x3: {  	_ = 	snop  }
0x4: {  	_ = 	snop  }
0x5: {  	_ = 	snop  }
0x6: {  	_ = 	snop  }
0x7: {  	_ = 	snop  }
__scs_overlays_trampoline_lowered:
0x8: {  	[smem:$0x3FA2] =	sst s0  }
0x9: {  	[smem:$0x3FA3] =	sst s1  }
0xa: {  	[smem:$0x3FA4] =	sst s2  }
0xb: {  	[smem:$0x3FA5] =	sst s3  }
0xc: {  	[smem:$0x3FA6] =	sst s4  }
0xd: {  	[smem:$0x3FA7] =	sst s5  }
0xe: {  	[smem:$0x3FA8] =	sst s6  }
0xf: {  	[smem:$0x3FA9] =	sst s7  }
0x10: {  	[smem:$0x3FAA] =	sst s8  }
0x11: {  	[smem:$0x3FAB] =	sst s9;
	s0 =	simm.s32 @!p0 $0x0  }
0x12: {  	s1 =	sld [smem:$0x3F91];
	s0 =	simm.s32 @p0 $0x1  }
0x13: {  	[smem:$0x3FAC] =	sst s0;
	s0 =	simm.s32 @!p1 $0x0  }
0x14: {  	s2 =	sld [smem:$0x3F90];
	s0 =	simm.s32 @p1 $0x1  }
0x15: {  	[smem:$0x3FAD] =	sst s0;
	s0 =	simm.s32 @!p2 $0x0  }
0x16: {  	s3 =	sld [smem:$0x3FDB];
	s0 =	simm.s32 @p2 $0x1  }
0x17: {  	s4 =	simm.s32 $0x1BF5;
	[smem:$0x3FAF] =	sst s0  }
0x18: {  	s0 =	sld [smem:$0x3F92];
	_ =	swait.ge [sflag:s4], $0x0  }
0x19: {  	s7 =	sld [smem:$0x3F93]  }
0x1a: {  	s8 =	sadd.s32 $0xFFFFE003, lr  }
0x1b: {  	s9 =	sadd.s32 $0xFFFFFEF7, lr;
	s5 =	simm.s32 $0xFFFFFFFF;
	p2 =	slt.u32 s8, $0xFFFFF086  }
0x1c: {  	p1 =	slt.u32 s9, $0xF7A;
	s5 =	simm.s32 @!p2 $0x0  }
0x1d: {  	s5 =	simm.s32 @p1 $0x1;
	p0 =	seq.s32 s7, s2  }
0x1e: {  	s7 =	smul.u32 @!p0 $0xF7A, s2;
	p2 =	seq.s32 @!p0 s5, $0x0  }
0x1f: {  	s9 =	smul.u32 $0xF7A, s1;
	s8 =	simm.s32 @!p0 $0x1BF5;
	p2 =	por !p2, p0  }
0x20: {  	[sflag:s8] =	ssyncset.s32 @!p0 $0xFFFFF086;
	s6 =	sadd.s32 @!p0 s3, s7;
	s7 =	simm.s32 @!p0 $0x108  }
0x21: {  	s3 =	sadd.s32 s3, s9;
	s6 =	sadd.s32 @!p0 $0x88, s6;
	s7 =	simm.s32 @p2 $0x1082  }
0x22: {  	[simem:s7], [sflag:s8] =	dma.local @!p0 [hbm:s6], $0xF7A  }
0x23: {  	s9 =	sor.u32 $0xD0000000, s2;
	s6 =	simm.s32 $0x108;
	_ =	swait.ge @!p0 [sflag:s8], $0x0  }
0x24: {  	s3 =	sadd.s32 $0x88, s3;
	s6 =	simm.s32 @!p1 $0x1082;
	[sflag:s4] =	ssyncset.s32 $0xFFFFF086  }
0x25: {  	[simem:s6], [sflag:s4] =	dma.local [hbm:s3], $0xF7A  }
0x26: {  	[smem:$0x3F93] =	sst s1;
	(tag) =	ssettag s2;
	_ =	strace s9  }
0x27: {  	s1 =	sld [smem:$0x3FA3]  }
0x28: {  	s2 =	sld [smem:$0x3FA4]  }
0x29: {  	s4 =	sld [smem:$0x3FA6]  }
0x2a: {  	p0 =	seq.s32 s5, $0x0;
	s5 =	sld [smem:$0x3FA7]  }
0x2b: {  	s6 =	sld [smem:$0x3FA8]  }
0x2c: {  	s7 =	sld [smem:$0x3FA9]  }
0x2d: {  	s3 =	simm.s32 $0x108;
	s8 =	sld [smem:$0x3FAA]  }
0x2e: {  	s3 =	simm.s32 @!p0 $0x1082;
	s9 =	sld [smem:$0x3FAB]  }
0x2f: {  	lr =	sadd.s32 s0, s3;
	s0 =	sld [smem:$0x3FA2]  }
0x30: {  	s3 =	sld [smem:$0x3FA5]  }
0x31: {  	[smem:$0x3FAE] =	sst s10  }
0x32: {  	s10 =	sld [smem:$0x3FAC];
	_ =	sdelay $0x3  }
0x33: {  	p0 =	seq.s32 s10, $0x1;
	s10 =	sld [smem:$0x3FAE];
	_ =	sdelay $0x3  }
0x34: {  	[smem:$0x3FAE] =	sst s10  }
0x35: {  	s10 =	sld [smem:$0x3FAD];
	_ =	sdelay $0x3  }
0x36: {  	p1 =	seq.s32 s10, $0x1;
	s10 =	sld [smem:$0x3FAE];
	_ =	sdelay $0x3  }
0x37: {  	[smem:$0x3FAE] =	sst s10  }
0x38: {  	s10 =	sld [smem:$0x3FAF]  }
0x39: {  	_ = 	snop;
	(pc) =	sbr.ind lr, $3  }
0x3a: {  	_ = 	snop  }
0x3b: {  	_ = 	snop  }
0x3c: {  	p2 =	seq.s32 s10, $0x1;
	s10 =	sld [smem:$0x3FAE]  }
0x3d: {  	_ =	shalt  }
0x3e: {  	_ =	shalt  }
0x3f: {  	_ =	shalt  }
0x40: {  	_ =	shalt  }
0x41: {  	_ =	shalt  }
0x42: {  	_ =	shalt  }
0x43: {  	_ =	shalt  }
0x44: {  	_ =	shalt  }
0x45: {  	_ =	shalt  }
0x46: {  	_ =	shalt  }
0x47: {  	_ =	shalt  }
0x48: {  	_ =	shalt  }
0x49: {  	_ =	shalt  }
0x4a: {  	_ =	shalt  }
0x4b: {  	_ =	shalt  }
0x4c: {  	_ =	shalt  }
0x4d: {  	_ =	shalt  }
0x4e: {  	_ =	shalt  }
0x4f: {  	_ =	shalt  }
0x50: {  	_ =	shalt  }
0x51: {  	_ =	shalt  }
0x52: {  	_ =	shalt  }
0x53: {  	_ =	shalt  }
0x54: {  	_ =	shalt  }
0x55: {  	_ =	shalt  }
0x56: {  	_ =	shalt  }
0x57: {  	_ =	shalt  }
0x58: {  	_ =	shalt  }
0x59: {  	_ =	shalt  }
0x5a: {  	_ =	shalt  }
0x5b: {  	_ =	shalt  }
0x5c: {  	_ =	shalt  }
0x5d: {  	_ =	shalt  }
0x5e: {  	_ =	shalt  }
0x5f: {  	_ =	shalt  }
0x60: {  	_ =	shalt  }
0x61: {  	_ =	shalt  }
0x62: {  	_ =	shalt  }
0x63: {  	_ =	shalt  }
0x64: {  	_ =	shalt  }
0x65: {  	_ =	shalt  }
0x66: {  	_ =	shalt  }
0x67: {  	_ =	shalt  }
0x68: {  	_ =	shalt  }
0x69: {  	_ =	shalt  }
0x6a: {  	_ =	shalt  }
0x6b: {  	_ =	shalt  }
0x6c: {  	_ =	shalt  }
0x6d: {  	_ =	shalt  }
0x6e: {  	_ =	shalt  }
0x6f: {  	_ =	shalt  }
0x70: {  	_ =	shalt  }
0x71: {  	_ =	shalt  }
0x72: {  	_ =	shalt  }
0x73: {  	_ =	shalt  }
0x74: {  	_ =	shalt  }
0x75: {  	_ =	shalt  }
0x76: {  	_ =	shalt  }
0x77: {  	_ =	shalt  }
0x78: {  	_ =	shalt  }
0x79: {  	_ =	shalt  }
0x7a: {  	_ =	shalt  }
0x7b: {  	_ =	shalt  }
0x7c: {  	_ =	shalt  }
0x7d: {  	_ =	shalt  }
0x7e: {  	_ =	shalt  }
0x7f: {  	_ =	shalt  }
0x80: {  	_ =	shalt  }
0x81: {  	_ =	shalt  }
0x82: {  	_ =	shalt  }
0x83: {  	_ =	shalt  }
0x84: {  	_ =	shalt  }
0x85: {  	_ =	shalt  }
0x86: {  	_ =	shalt  }
0x87: {  	_ =	shalt  }
.Lfunc_end0:
.L_simem_size_0:
called_computation_lowered:
.L_overlay_start_0:
0x88: {  	s2 =	sld [smem:$0x3FD9]  }
0x89: {  	s3 =	sld [smem:$0x3FFE];
	_ =	sdelay $0x1  }
0x8a: {  	s1 =	srdreg.scid  }
0x8b: {  	s0 =	sand.u32 $0x1, s1  }
0x8c: {  	s17 =	sshll.u32 s0, $0xA;
	s2 =	sadd.s32 s3, s2  }
0x8d: {  	s2 =	sadd.s32 s2, s17  }
0x8e: {  	[smem:$0x3FBA] =	sst s2  }
0x8f: {  	_ = 	snop  }
0x90: {  	s2 =	sld [smem:$0x3FD0];
	(tm) =	ssettm $0x1  }
0x91: {  	s18 =	sld [smem:$0x3FFB];
	_ =	sdelay $0x3  }
0x92: {  	_ =	strace s18  }
0x93: {  	s3 =	sld [smem:$0x3FFC];
	_ =	sdelay $0x3  }
0x94: {  	_ =	strace s3  }
0x95: {  	s3 =	sld [smem:$0x3FFD];
	_ =	sdelay $0x3  }
0x96: {  	_ =	strace s3  }
0x97: {  	_ =	strace $0x8FFFFFFF  }
0x98: {  	s19 =	sld [smem:$0x3FDB];
	_ =	sdelay $0x1  }
0x99: {  	s4 =	simm.s32 $_scs_section_size  }
0x9a: {  	s5 =	simm.s32 $_size__tile_overlayer_lowered;
	s6 =	simm.s32 $_tile_overlayer_lowered  }
0x9b: {  	s22 =	simm.s32 $0x1BFF;
	s21 =	sshll.u32 s6, $0x1;
	s3 =	sadd.s32 s4, s19  }
0x9c: {  	s7 =	simm.s32 $0x0;
	s20 =	sshll.u32 s5, $0x1;
	s5 =	sadd.s32 s21, s3  }
0x9d: {  	[timem:s7], [sflag:s22] =	dma.local [hbm:s5], s20  }
0x9e: {  	_ =	swait.ge [sflag:s22], s20  }
0x9f: {  	s4 =	ssub.s32 $0x0, s20;
	[sflag:s22] =	ssyncset.done $0x0  }
0xa0: {  	[sflag:s22] =	ssyncadd.s32 s4;
	_ =	sdelay $0x1  }
0xa1: {  	s23 =	simm.s32 $0x1B8B  }
0xa2: {  	_ =	swait.ge [sflag:s23], $0x1  }
0xa3: {  	[sflag:s23] =	ssyncset.done $0x0  }
0xa4: {  	s25 =	simm.s32 $0x1B8E;
	s24 =	sld [smem:$0x3FFE];
	[sflag:s23] =	ssyncadd.s32 $0xFFFFFFFF  }
0xa5: {  	s26 =	simm.s32 $execute0_lowered;
	[smem:$0x3FD2] =	sst s25  }
0xa6: {  	s5 =	sshll.u32 s26, $0x1;
	_ =	strace $0x80000046;
	[dreg:$0x1] =	wrdreg $0xFFFFFFFF  }
0xa7: {  	s28 =	simm.s32 $_size_execute0_lowered;
	s3 =	sadd.s32 s3, s5;
	[dreg:$0x0] =	wrdreg $0x0  }
0xa8: {  	s5 =	sshll.u32 s28, $0x1;
	[dreg:$0x2] =	wrdreg s3  }
0xa9: {  	[dreg:$0x3] =	wrdreg s5  }
0xaa: {  	[dreg:$0x4] =	wrdreg $0xC0  }
0xab: {  	_ =	task [dreg:s7], $0x5FFFF  }
0xac: {  	[dreg:$0x1] =	wrdreg $0xFFFFFFFF  }
0xad: {  	[dreg:$0x0] =	wrdreg $0x60  }
0xae: {  	[dreg:$0x2] =	wrdreg s2  }
0xaf: {  	[dreg:$0x3] =	wrdreg s24  }
0xb0: {  	[dreg:$0x4] =	wrdreg $0x2C100  }
0xb1: {  	[dreg:$0x5] =	wrdreg $0x9  }
0xb2: {  	_ =	task.clear_ibuf [dreg:s7], $0x6FFFF;
	_ =	strace $0x90000046  }
0xb3: {  	s29 =	simm.s32 $0x9;
	_ =	strace $0x80000048  }
0xb4: {  	_ =	swait.ge [sflag:s29], $0x1  }
0xb5: {  	[sflag:s29] =	ssyncadd.s32 $0xFFFFFFFF  }
0xb6: {  	_ =	strace $0x90000048  }
0xb7: {  	_ =	sfence  }
0xb8: {  	s30 =	sld [smem:$0x0];
	_ =	sdelay $0x2  }
0xb9: {  	s31 =	sshll.u32 s1, $0xD;
	s1 =	sshrl.u32 s1, $0x2  }
0xba: {  	s3 =	sand.u32 $0x4000, s31;
	s1 =	sadd.s32 s1, s30  }
0xbb: {  	s0 =	sor.u32 s3, s0;
	s1 =	sshll.u32 s1, $0x11  }
0xbc: {  	s0 =	sor.u32 s1, s0  }
0xbd: {  	s0 =	sadd.s32 $0x8F2B, s0  }
0xbe: {  	[sflag:s0] =	ssyncadd.remote.s32 $0x1  }
0xbf: {  	_ =	sfence.sel $0xFFFF  }
0xc0: {  	[dreg:$0x0] =	wrdreg $0xFFFFFFFF;
	(pc) =	sbr.abs _section_cstart, $3  }
0xc1: {  	[dreg:$0x1] =	wrdreg $0xFFFFFFFF  }
0xc2: {  	_ =	task.clear_ibuf [dreg:s7], $0x2FFFF;
	_ =	strace $0x9FFFFFFF  }
0xc3: {  	(tm) =	ssettm $0x7FFFFFFF  }
tec
execute0_lowered:
.L_overlay_start_1:
0x0: {  	(tag) =	ssettag $0x1  }
0x1: {  	s6 =	rddreg [dreg:$0x0]  }
0x2: {  	s5 =	rddreg [dreg:$0x1]  }
0x3: {  	s0 =	srdreg.scid;
	s2 =	rddreg [dreg:$0x2]  }
0x4: {  	s1 =	stileid.u32;
	s3 =	simm.s32 $0x0;
	s12 =	simm.s32 $0x2710  }
0x5: {  	s7 =	sand.u32 $0x1, s0;
	s0 =	rddreg [dreg:$0x3];
	s8 =	smul.u32 $0x2710, s1  }
0x6: {  	[smem:$0x7FF] =	sst s3;
	s9 =	sshll.u32 s1, $0x1;
	s28 =	smul.u32 $0x9C40, s1  }
0x7: {  	s31 =	sshll.u32 s1, $0x6;
	s4 =	smul.u32 $0x27100, s7;
	s10 =	ssub.s32 $0x2, s7  }
0x8: {  	_ =	strace $0x80000047;
	s7 =	sor.u32 s7, s9;
	s29 =	sshrl.u32 s10, $0x1  }
0x9: {  	s7 =	smul.u32 $0x4E2, s7;
	s30 =	sshrl.u32 s28, $0x2;
	s8 =	sadd.s32 s8, s4  }
0xa: {  	s4 =	sadd.s32 $0x2E00, s5;
	s10 =	ssub.s32 s10, s29;
	s11 =	sadd.s32 s30, s2  }
0xb: {  	s8 =	sshrl.u32 s8, $0x3;
	s6 =	sadd.s32 s6, s7;
	s9 =	sshrl.u32 s11, $0x3  }
0xc: {  	s11 =	simm.s32 $0x50;
	s8 =	sadd.s32 s8, s5;
	s5 =	sor.u32 $0x1C01, s31  }
0xd: {  	v0 =	vimm.f32 $1.000000000e+00;
	s7 =	sadd.s32 $0x3400, s8;
	s8 =	smax.u32 s10, $0x1;
	s10 =	simm.s32 $0x1  }
.LBB2_1:
0xe: {  	s13 =	simm.s32 $0x40;
	s14 =	simm.s32 $0x0  }
.LBB2_2:
0xf: {  	p0 =	sne.s32 s13, $0x13C0;
	[tilespmem:s14+$0x2710] =	vst v0;
	s14 =	smov.u32 s13;
	s13 =	sadd.s32 $0x40, s13  }
.Ltmp0:
0x10: {  	(pc) =	sbr.rel @p0 .LBB2_2-.Ltmp0, $2  }
0x11: {  	_ =	sdelay $0x2  }
0x12: {  	s14 =	sshra.s32 s14, $0x2  }
0x13: {  	[tilespmem:s14+$0x2710] =	vst v0  }
0x14: {  	[spmem:s9], [sflag:s5] =	dma.local [hbm:s4], $0x4E2  }
0x15: {  	_ =	swait.ge [sflag:s10], $0x4E2  }
0x16: {  	[sflag:s10] =	ssyncset.done $0x0  }
0x17: {  	s13 =	simm.s32 $0x0;
	[sflag:s10] =	ssyncadd.s32 $0xFFFFFB1E  }
0x18: {  	[tilespmem:s13], [sflag:$0x1] =	stream.linear.gather [hbm4b:s6+s13], $0x2710, $0x38;
	[tilespmem:$0x5320] =	vst v63  }
0x19: {  	_ =	swait.ge [sflag:s10], $0x2710  }
0x1a: {  	[sflag:s10] =	ssyncset.done $0x0  }
0x1b: {  	[sflag:s10] =	ssyncadd.s32 $0xFFFFD8F0  }
0x1c: {  	s31 =	simm.s32 $0x0;
	[bflag:$0x0] =	sbarrier.arrive $0xFFFF  }
0x1d: {  	[spmem:s2] =	stream.indirect.scatter.add.f32 [tilespmem:s12], [sflag:$0x1], $0x10, s31, s11, $0xb8;
	[tilespmem:$0x5320] =	vst v63  }
0x1e: {  	_ =	swait.ge [sflag:s10], $0x500  }
0x1f: {  	s13 =	simm.s32 $0x140;
	[sflag:s10] =	ssyncset.done $0x0  }
.LBB2_4:
0x20: {  	s14 =	sshra.s32 s13, $0x2;
	[sflag:s10] =	ssyncadd.s32 $0xFFFFFB00;
	p0 =	sne.s32 s13, $0x9B00  }
0x21: {  	[spmem:s2] =	stream.indirect.scatter.add.f32 [tilespmem:s12], [sflag:$0x1], $0x10, s14, s11, $0xb8;
	[tilespmem:$0x5320] =	vst v63  }
.Ltmp1:
0x22: {  	_ = 	snop;
	(pc) =	sbr.rel @p0 .LBB2_4-.Ltmp1, $4  }
0x23: {  	_ = 	snop  }
0x24: {  	s13 =	sadd.s32 $0x140, s13  }
0x25: {  	_ =	swait.ge [sflag:s10], $0x500  }
0x26: {  	[sflag:s10] =	ssyncset.done $0x0  }
0x27: {  	s3 =	sadd.s32 $0x1, s3  }
0x28: {  	[sflag:s10] =	ssyncadd.s32 $0xFFFFFB00;
	p0 =	sne.s32 s3, s8  }
.Ltmp2:
0x29: {  	[bflag:$0x0] =	sbarrier.arrive $0xFFFF;
	(pc) =	sbr.rel @p0 .LBB2_1-.Ltmp2, $4  }
0x2a: {  	[hbm:s7], [sflag:s5] =	dma.local [spmem:s9], $0x4E2  }
0x2b: {  	_ =	swait.ge [sflag:s10], $0x4E2  }
0x2c: {  	[sflag:s10] =	ssyncset.done $0x0  }
0x2d: {  	[sflag:s10] =	ssyncadd.s32 $0xFFFFFB1E  }
0x2e: {  	_ =	sfence.sel $0x180000  }
0x2f: {  	[bflag:$0x0] =	sbarrier.arrive $0xFFFF  }
0x30: {  	p0 =	sne.s32 s1, $0x0;
	_ =	strace $0x90000047  }
0x31: {  	s0 =	sadd.s32 @!p0 $0x100000, s0;
	[bflag:$0x2] =	sbarrier.arrive $0xFFFF  }
0x32: {  	[sflag:s0] =	ssyncadd.tile.s32 @!p0 $0x1;
	_ =	shalt  }
.Lfunc_end2:
_tile_overlayer_lowered:
.L_overlay_start_2:
0x33: {  	(tag) =	ssettag $0x2  }
0x34: {  	s0 =	rddreg [dreg:$0x0];
	s2 =	stileid.u32  }
0x35: {  	s1 =	rddreg [dreg:$0x1];
	p0 =	sne.s32 s2, $0x0  }
0x36: {  	s3 =	rddreg [dreg:$0x2];
	[bflag:$0x3] =	sbarrier.arrive $0xFFFF;
	s2 =	simm.s32 @!p0 $0x1C01  }
0x37: {  	[timem:s3], [sflag:s2] =	dma.local @!p0 [hbm:s0], s1  }
0x38: {  	s0 =	simm.s32 @!p0 $0x1  }
0x39: {  	_ =	swait.ge @!p0 [sflag:s0], s1  }
0x3a: {  	s1 =	ssub.s32 @!p0 $0x0, s1;
	[sflag:s0] =	ssyncset.done @!p0 $0x0  }
0x3b: {  	[sflag:s0] =	ssyncadd.s32 @!p0 s1  }
0x3c: {  	[bflag:$0x3] =	sbarrier.arrive $0xFFFF  }
0x3d: {  	_ =	shalt  }

// kernel: kernel.13.cloned.1.call-start
scs
__scs_entry_jumppad:
0x0: {  	(pc) =	sbr.rel $0x88, $3  }
0x1: {  	(tag) =	ssettag $0x0;
	lr =	simm.s32 $0x1  }
0x2: {  	[smem:$0x3F93] =	sst lr;
	_ =	strace $0xD0000000  }
0x3: {  	_ = 	snop  }
0x4: {  	_ = 	snop  }
0x5: {  	_ = 	snop  }
0x6: {  	_ = 	snop  }
0x7: {  	_ = 	snop  }
__scs_overlays_trampoline_lowered:
0x8: {  	[smem:$0x3FA2] =	sst s0  }
0x9: {  	[smem:$0x3FA3] =	sst s1  }
0xa: {  	[smem:$0x3FA4] =	sst s2  }
0xb: {  	[smem:$0x3FA5] =	sst s3  }
0xc: {  	[smem:$0x3FA6] =	sst s4  }
0xd: {  	[smem:$0x3FA7] =	sst s5  }
0xe: {  	[smem:$0x3FA8] =	sst s6  }
0xf: {  	[smem:$0x3FA9] =	sst s7  }
0x10: {  	[smem:$0x3FAA] =	sst s8  }
0x11: {  	[smem:$0x3FAB] =	sst s9;
	s0 =	simm.s32 @!p0 $0x0  }
0x12: {  	s1 =	sld [smem:$0x3F91];
	s0 =	simm.s32 @p0 $0x1  }
0x13: {  	[smem:$0x3FAC] =	sst s0;
	s0 =	simm.s32 @!p1 $0x0  }
0x14: {  	s2 =	sld [smem:$0x3F90];
	s0 =	simm.s32 @p1 $0x1  }
0x15: {  	[smem:$0x3FAD] =	sst s0;
	s0 =	simm.s32 @!p2 $0x0  }
0x16: {  	s3 =	sld [smem:$0x3FDB];
	s0 =	simm.s32 @p2 $0x1  }
0x17: {  	s4 =	simm.s32 $0x1BF5;
	[smem:$0x3FAF] =	sst s0  }
0x18: {  	s0 =	sld [smem:$0x3F92];
	_ =	swait.ge [sflag:s4], $0x0  }
0x19: {  	s7 =	sld [smem:$0x3F93]  }
0x1a: {  	s8 =	sadd.s32 $0xFFFFE003, lr  }
0x1b: {  	s9 =	sadd.s32 $0xFFFFFEF7, lr;
	s5 =	simm.s32 $0xFFFFFFFF;
	p2 =	slt.u32 s8, $0xFFFFF086  }
0x1c: {  	p1 =	slt.u32 s9, $0xF7A;
	s5 =	simm.s32 @!p2 $0x0  }
0x1d: {  	s5 =	simm.s32 @p1 $0x1;
	p0 =	seq.s32 s7, s2  }
0x1e: {  	s7 =	smul.u32 @!p0 $0xF7A, s2;
	p2 =	seq.s32 @!p0 s5, $0x0  }
0x1f: {  	s9 =	smul.u32 $0xF7A, s1;
	s8 =	simm.s32 @!p0 $0x1BF5;
	p2 =	por !p2, p0  }
0x20: {  	[sflag:s8] =	ssyncset.s32 @!p0 $0xFFFFF086;
	s6 =	sadd.s32 @!p0 s3, s7;
	s7 =	simm.s32 @!p0 $0x108  }
0x21: {  	s3 =	sadd.s32 s3, s9;
	s6 =	sadd.s32 @!p0 $0x88, s6;
	s7 =	simm.s32 @p2 $0x1082  }
0x22: {  	[simem:s7], [sflag:s8] =	dma.local @!p0 [hbm:s6], $0xF7A  }
0x23: {  	s9 =	sor.u32 $0xD0000000, s2;
	s6 =	simm.s32 $0x108;
	_ =	swait.ge @!p0 [sflag:s8], $0x0  }
0x24: {  	s3 =	sadd.s32 $0x88, s3;
	s6 =	simm.s32 @!p1 $0x1082;
	[sflag:s4] =	ssyncset.s32 $0xFFFFF086  }
0x25: {  	[simem:s6], [sflag:s4] =	dma.local [hbm:s3], $0xF7A  }
0x26: {  	[smem:$0x3F93] =	sst s1;
	(tag) =	ssettag s2;
	_ =	strace s9  }
0x27: {  	s1 =	sld [smem:$0x3FA3]  }
0x28: {  	s2 =	sld [smem:$0x3FA4]  }
0x29: {  	s4 =	sld [smem:$0x3FA6]  }
0x2a: {  	p0 =	seq.s32 s5, $0x0;
	s5 =	sld [smem:$0x3FA7]  }
0x2b: {  	s6 =	sld [smem:$0x3FA8]  }
0x2c: {  	s7 =	sld [smem:$0x3FA9]  }
0x2d: {  	s3 =	simm.s32 $0x108;
	s8 =	sld [smem:$0x3FAA]  }
0x2e: {  	s3 =	simm.s32 @!p0 $0x1082;
	s9 =	sld [smem:$0x3FAB]  }
0x2f: {  	lr =	sadd.s32 s0, s3;
	s0 =	sld [smem:$0x3FA2]  }
0x30: {  	s3 =	sld [smem:$0x3FA5]  }
0x31: {  	[smem:$0x3FAE] =	sst s10  }
0x32: {  	s10 =	sld [smem:$0x3FAC];
	_ =	sdelay $0x3  }
0x33: {  	p0 =	seq.s32 s10, $0x1;
	s10 =	sld [smem:$0x3FAE];
	_ =	sdelay $0x3  }
0x34: {  	[smem:$0x3FAE] =	sst s10  }
0x35: {  	s10 =	sld [smem:$0x3FAD];
	_ =	sdelay $0x3  }
0x36: {  	p1 =	seq.s32 s10, $0x1;
	s10 =	sld [smem:$0x3FAE];
	_ =	sdelay $0x3  }
0x37: {  	[smem:$0x3FAE] =	sst s10  }
0x38: {  	s10 =	sld [smem:$0x3FAF]  }
0x39: {  	_ = 	snop;
	(pc) =	sbr.ind lr, $3  }
0x3a: {  	_ = 	snop  }
0x3b: {  	_ = 	snop  }
0x3c: {  	p2 =	seq.s32 s10, $0x1;
	s10 =	sld [smem:$0x3FAE]  }
0x3d: {  	_ =	shalt  }
0x3e: {  	_ =	shalt  }
0x3f: {  	_ =	shalt  }
0x40: {  	_ =	shalt  }
0x41: {  	_ =	shalt  }
0x42: {  	_ =	shalt  }
0x43: {  	_ =	shalt  }
0x44: {  	_ =	shalt  }
0x45: {  	_ =	shalt  }
0x46: {  	_ =	shalt  }
0x47: {  	_ =	shalt  }
0x48: {  	_ =	shalt  }
0x49: {  	_ =	shalt  }
0x4a: {  	_ =	shalt  }
0x4b: {  	_ =	shalt  }
0x4c: {  	_ =	shalt  }
0x4d: {  	_ =	shalt  }
0x4e: {  	_ =	shalt  }
0x4f: {  	_ =	shalt  }
0x50: {  	_ =	shalt  }
0x51: {  	_ =	shalt  }
0x52: {  	_ =	shalt  }
0x53: {  	_ =	shalt  }
0x54: {  	_ =	shalt  }
0x55: {  	_ =	shalt  }
0x56: {  	_ =	shalt  }
0x57: {  	_ =	shalt  }
0x58: {  	_ =	shalt  }
0x59: {  	_ =	shalt  }
0x5a: {  	_ =	shalt  }
0x5b: {  	_ =	shalt  }
0x5c: {  	_ =	shalt  }
0x5d: {  	_ =	shalt  }
0x5e: {  	_ =	shalt  }
0x5f: {  	_ =	shalt  }
0x60: {  	_ =	shalt  }
0x61: {  	_ =	shalt  }
0x62: {  	_ =	shalt  }
0x63: {  	_ =	shalt  }
0x64: {  	_ =	shalt  }
0x65: {  	_ =	shalt  }
0x66: {  	_ =	shalt  }
0x67: {  	_ =	shalt  }
0x68: {  	_ =	shalt  }
0x69: {  	_ =	shalt  }
0x6a: {  	_ =	shalt  }
0x6b: {  	_ =	shalt  }
0x6c: {  	_ =	shalt  }
0x6d: {  	_ =	shalt  }
0x6e: {  	_ =	shalt  }
0x6f: {  	_ =	shalt  }
0x70: {  	_ =	shalt  }
0x71: {  	_ =	shalt  }
0x72: {  	_ =	shalt  }
0x73: {  	_ =	shalt  }
0x74: {  	_ =	shalt  }
0x75: {  	_ =	shalt  }
0x76: {  	_ =	shalt  }
0x77: {  	_ =	shalt  }
0x78: {  	_ =	shalt  }
0x79: {  	_ =	shalt  }
0x7a: {  	_ =	shalt  }
0x7b: {  	_ =	shalt  }
0x7c: {  	_ =	shalt  }
0x7d: {  	_ =	shalt  }
0x7e: {  	_ =	shalt  }
0x7f: {  	_ =	shalt  }
0x80: {  	_ =	shalt  }
0x81: {  	_ =	shalt  }
0x82: {  	_ =	shalt  }
0x83: {  	_ =	shalt  }
0x84: {  	_ =	shalt  }
0x85: {  	_ =	shalt  }
0x86: {  	_ =	shalt  }
0x87: {  	_ =	shalt  }
.Lfunc_end0:
.L_simem_size_0:
called_computation.1_lowered:
.L_overlay_start_0:
0x88: {  	s2 =	sld [smem:$0x3FD9]  }
0x89: {  	s3 =	sld [smem:$0x3FFE];
	_ =	sdelay $0x1  }
0x8a: {  	s1 =	srdreg.scid  }
0x8b: {  	s0 =	sand.u32 $0x1, s1  }
0x8c: {  	s17 =	sshll.u32 s0, $0xA;
	s2 =	sadd.s32 s3, s2  }
0x8d: {  	s2 =	sadd.s32 s2, s17  }
0x8e: {  	[smem:$0x3FBA] =	sst s2  }
0x8f: {  	_ = 	snop  }
0x90: {  	s2 =	sld [smem:$0x3FD0];
	(tm) =	ssettm $0x1  }
0x91: {  	s18 =	sld [smem:$0x3FFB];
	_ =	sdelay $0x3  }
0x92: {  	_ =	strace s18  }
0x93: {  	s3 =	sld [smem:$0x3FFC];
	_ =	sdelay $0x3  }
0x94: {  	_ =	strace s3  }
0x95: {  	s3 =	sld [smem:$0x3FFD];
	_ =	sdelay $0x3  }
0x96: {  	_ =	strace s3  }
0x97: {  	_ =	strace $0x8FFFFFFF  }
0x98: {  	s19 =	sld [smem:$0x3FDB];
	_ =	sdelay $0x1  }
0x99: {  	s4 =	simm.s32 $_scs_section_size  }
0x9a: {  	s5 =	simm.s32 $_size__tile_overlayer_lowered;
	s6 =	simm.s32 $_tile_overlayer_lowered  }
0x9b: {  	s22 =	simm.s32 $0x1BFF;
	s21 =	sshll.u32 s6, $0x1;
	s3 =	sadd.s32 s4, s19  }
0x9c: {  	s7 =	simm.s32 $0x0;
	s20 =	sshll.u32 s5, $0x1;
	s5 =	sadd.s32 s21, s3  }
0x9d: {  	[timem:s7], [sflag:s22] =	dma.local [hbm:s5], s20  }
0x9e: {  	_ =	swait.ge [sflag:s22], s20  }
0x9f: {  	s4 =	ssub.s32 $0x0, s20;
	[sflag:s22] =	ssyncset.done $0x0  }
0xa0: {  	[sflag:s22] =	ssyncadd.s32 s4;
	_ =	sdelay $0x1  }
0xa1: {  	s23 =	simm.s32 $0x1B8B  }
0xa2: {  	_ =	swait.ge [sflag:s23], $0x1  }
0xa3: {  	[sflag:s23] =	ssyncset.done $0x0  }
0xa4: {  	s25 =	simm.s32 $0x1B8E;
	s24 =	sld [smem:$0x3FFE];
	[sflag:s23] =	ssyncadd.s32 $0xFFFFFFFF  }
0xa5: {  	s26 =	simm.s32 $execute0_lowered;
	[smem:$0x3FD2] =	sst s25  }
0xa6: {  	s5 =	sshll.u32 s26, $0x1;
	_ =	strace $0x80000049;
	[dreg:$0x1] =	wrdreg $0xFFFFFFFF  }
0xa7: {  	s28 =	simm.s32 $_size_execute0_lowered;
	s3 =	sadd.s32 s3, s5;
	[dreg:$0x0] =	wrdreg $0x0  }
0xa8: {  	s5 =	sshll.u32 s28, $0x1;
	[dreg:$0x2] =	wrdreg s3  }
0xa9: {  	[dreg:$0x3] =	wrdreg s5  }
0xaa: {  	[dreg:$0x4] =	wrdreg $0xC0  }
0xab: {  	_ =	task [dreg:s7], $0x5FFFF  }
0xac: {  	[dreg:$0x1] =	wrdreg $0xFFFFFFFF  }
0xad: {  	[dreg:$0x0] =	wrdreg $0x60  }
0xae: {  	[dreg:$0x2] =	wrdreg s24  }
0xaf: {  	[dreg:$0x3] =	wrdreg s2  }
0xb0: {  	[dreg:$0x4] =	wrdreg $0x76200  }
0xb1: {  	[dreg:$0x5] =	wrdreg $0x112600  }
0xb2: {  	[dreg:$0x6] =	wrdreg $0x9  }
0xb3: {  	_ =	task.clear_ibuf [dreg:s7], $0x7FFFF;
	_ =	strace $0x90000049  }
0xb4: {  	s29 =	simm.s32 $0x9;
	_ =	strace $0x8000004B  }
0xb5: {  	_ =	swait.ge [sflag:s29], $0x1  }
0xb6: {  	[sflag:s29] =	ssyncadd.s32 $0xFFFFFFFF  }
0xb7: {  	_ =	strace $0x9000004B  }
0xb8: {  	_ =	sfence  }
0xb9: {  	s30 =	sld [smem:$0x0];
	_ =	sdelay $0x2  }
0xba: {  	s31 =	sshll.u32 s1, $0xD;
	s1 =	sshrl.u32 s1, $0x2  }
0xbb: {  	s3 =	sand.u32 $0x4000, s31;
	s1 =	sadd.s32 s1, s30  }
0xbc: {  	s0 =	sor.u32 s3, s0;
	s1 =	sshll.u32 s1, $0x11  }
0xbd: {  	s0 =	sor.u32 s1, s0  }
0xbe: {  	s0 =	sadd.s32 $0x8F2B, s0  }
0xbf: {  	[sflag:s0] =	ssyncadd.remote.s32 $0x1  }
0xc0: {  	_ =	sfence.sel $0xFFFF  }
0xc1: {  	[dreg:$0x0] =	wrdreg $0xFFFFFFFF;
	(pc) =	sbr.abs _section_cstart, $3  }
0xc2: {  	[dreg:$0x1] =	wrdreg $0xFFFFFFFF  }
0xc3: {  	_ =	task.clear_ibuf [dreg:s7], $0x2FFFF;
	_ =	strace $0x9FFFFFFF  }
0xc4: {  	(tm) =	ssettm $0x7FFFFFFF  }
0xc5: {  	_ =	shalt  }
tec
execute0_lowered:
.L_overlay_start_1:
0x0: {  	(tag) =	ssettag $0x1  }
0x1: {  	s6 =	rddreg [dreg:$0x0]  }
0x2: {  	s7 =	rddreg [dreg:$0x1]  }
0x3: {  	s2 =	rddreg [dreg:$0x2]  }
0x4: {  	s3 =	rddreg [dreg:$0x3]  }
0x5: {  	s4 =	simm.s32 $0x0;
	s0 =	stileid.u32;
	s5 =	srdreg.scid  }
0x6: {  	s18 =	simm.s32 $0x50;
	s19 =	simm.s32 $0x4E20;
	s20 =	simm.s32 $0x6220  }
0x7: {  	s21 =	simm.s32 $0x1;
	s22 =	simm.s32 $0x3;
	s23 =	simm.s32 $0x0  }
0x8: {  	s9 =	smul.u32 $0x9C40, s0;
	s5 =	sand.u32 $0x1, s5;
	s8 =	sshll.u32 s0, $0x1  }
0x9: {  	[smem:$0x7FF] =	sst s4;
	s31 =	sshll.u32 s0, $0x6;
	s8 =	sor.u32 s5, s8  }
0xa: {  	s10 =	smul.u32 $0x138800, s5;
	_ =	strace $0x8000004A;
	s12 =	ssub.s32 $0x2, s5  }
0xb: {  	s5 =	sadd.s32 $0x2C00, s6;
	s11 =	sshrl.u32 s9, $0x3;
	s8 =	smul.u32 $0x4E2, s8  }
0xc: {  	s14 =	sshrl.u32 s12, $0x1;
	s16 =	sadd.s32 s9, s2;
	s17 =	sadd.s32 s9, s3  }
0xd: {  	s11 =	sadd.s32 s11, s6;
	s10 =	sadd.s32 s9, s10;
	s12 =	ssub.s32 s12, s14  }
0xe: {  	s14 =	simm.s32 $0x2710;
	s16 =	sshrl.u32 s16, $0x3;
	s17 =	sshrl.u32 s17, $0x3  }
0xf: {  	s13 =	sadd.s32 s8, s6;
	s10 =	sshrl.u32 s10, $0x3;
	s7 =	sadd.s32 s7, s8  }
0x10: {  	s8 =	sadd.s32 $0x3E200, s11;
	s12 =	smax.u32 s12, $0x1;
	s15 =	sadd.s32 s10, s6  }
0x11: {  	s6 =	sadd.s32 $0xD200, s13;
	s10 =	sadd.s32 $0x51C00, s11;
	s13 =	simm.s32 $0x5  }
0x12: {  	s9 =	sadd.s32 $0x65600, s15;
	s11 =	sadd.s32 $0x78E80, s15;
	s15 =	sor.u32 $0x1C05, s31  }
.LBB2_1:
0x13: {  	[tilespmem:s4], [sflag:$0x5] =	stream.linear.gather [hbm4b:s6+s4], $0x2710, $0x38;
	[tilespmem:$0x1AEA0] =	vst v63  }
0x14: {  	_ =	swait.ge [sflag:s13], $0x2710  }
0x15: {  	[sflag:s13] =	ssyncset.done $0x0  }
0x16: {  	[sflag:s13] =	ssyncadd.s32 $0xFFFFD8F0  }
0x17: {  	[tilespmem:s14], [sflag:$0x5] =	stream.linear.gather [hbm4b:s7+s4], $0x2710, $0x38;
	[tilespmem:$0x1AEA0] =	vst v63  }
0x18: {  	_ =	swait.ge [sflag:s13], $0x2710  }
0x19: {  	[sflag:s13] =	ssyncset.done $0x0  }
0x1a: {  	[sflag:s13] =	ssyncadd.s32 $0xFFFFD8F0  }
0x1b: {  	[spmem:s16], [sflag:s15] =	dma.local [hbm:s8], $0x1388  }
0x1c: {  	_ =	swait.ge [sflag:s13], $0x1388  }
0x1d: {  	[sflag:s13] =	ssyncset.done $0x0  }
0x1e: {  	[sflag:s13] =	ssyncadd.s32 $0xFFFFEC78  }
0x1f: {  	[spmem:s17], [sflag:s15] =	dma.local [hbm:s5], $0x1388  }
0x20: {  	_ =	swait.ge [sflag:s13], $0x1388  }
0x21: {  	[sflag:s13] =	ssyncset.done $0x0  }
0x22: {  	[sflag:s13] =	ssyncadd.s32 $0xFFFFEC78  }
0x23: {  	s24 =	simm.s32 $0x2;
	[bflag:$0x0] =	sbarrier.arrive $0xFFFF  }
0x24: {  	[tilespmem:s19], [sflag:$0x1] =	stream.indirect.gather [spmem:s2], $0x40, s4, s18, $0xb8;
	[tilespmem:$0x1AEA0] =	vst v63  }
0x25: {  	s25 =	sand.u32 $0x1, s24  }
0x26: {  	[tilespmem:s20], [sflag:$0x2] =	stream.indirect.gather [spmem:s2], $0x40, s18, s18, $0xb8;
	[tilespmem:$0x1AEA0] =	vst v63  }
0x27: {  	s29 =	simm.s32 $0x1;
	s28 =	smul.u32 $0x5000, s25;
	_ =	swait.ge [sflag:s21], $0x1400  }
0x28: {  	s24 =	simm.s32 $0xA0;
	s31 =	sand.u32 $0x1, s29;
	[sflag:s21] =	ssyncset.done $0x0  }
0x29: {  	s26 =	sadd.s32 $0x3, s25;
	s28 =	sshrl.u32 s28, $0x2;
	[sflag:s21] =	ssyncadd.s32 $0xFFFFEC00  }
0x2a: {  	[spmem:s3] =	stream.indirect.scatter.add.f32 [tilespmem:s19], [sflag:$0x3], $0x40, s14, s18, $0xb8;
	[tilespmem:$0x1AEA0] =	vst v63  }
0x2b: {  	s1 =	sadd.s32 $0x4E20, s28;
	s28 =	smul.u32 $0x5000, s31;
	_ =	swait.ge [sflag:s26], $0x1400  }
0x2c: {  	s25 =	sadd.s32 $0x1, s25;
	s29 =	sadd.s32 $0x1, s31;
	[sflag:s26] =	ssyncset.done $0x0  }
0x2d: {  	s31 =	sadd.s32 $0x3, s31;
	s28 =	sshrl.u32 s28, $0x2;
	[sflag:s26] =	ssyncadd.s32 $0xFFFFEC00  }
0x2e: {  	[tilespmem:s1], [sflag:s25] =	stream.indirect.gather [spmem:s2], $0x40, s24, s18, $0xb8;
	[tilespmem:$0x1AEA0] =	vst v63  }
0x2f: {  	s30 =	sadd.s32 $0x4E20, s28;
	s28 =	simm.s32 $0x2760;
	_ =	swait.ge [sflag:s29], $0x1400  }
0x30: {  	s26 =	simm.s32 $0x3;
	s25 =	simm.s32 $0x2760;
	[sflag:s29] =	ssyncset.done $0x0  }
.LBB2_2:
0x31: {  	[sflag:s29] =	ssyncadd.s32 $0xFFFFEC00  }
0x32: {  	s25 =	sadd.s32 $0x50, s25;
	s24 =	sadd.s32 $0x50, s24;
	s29 =	smov.u32 s26  }
0x33: {  	[spmem:s3] =	stream.indirect.scatter.add.f32 [tilespmem:s30], [sflag:s31], $0x40, s28, s18, $0xb8;
	[tilespmem:$0x1AEA0] =	vst v63  }
0x34: {  	p0 =	sne.s32 s26, $0x7C;
	s26 =	sadd.s32 $0x1, s26;
	s30 =	sand.u32 $0x1, s29  }
0x35: {  	s28 =	smov.u32 s25;
	s31 =	sadd.s32 $0x3, s30;
	s0 =	smul.u32 $0x5000, s30  }
0x36: {  	s29 =	sadd.s32 $0xFFFFFFFF, s29;
	_ =	swait.ge [sflag:s31], $0x1400  }
0x37: {  	s1 =	sand.u32 $0x1, s29;
	s0 =	sshrl.u32 s0, $0x2;
	[sflag:s31] =	ssyncset.done $0x0  }
.Ltmp0:
0x38: {  	s0 =	sadd.s32 $0x4E20, s0;
	[sflag:s31] =	ssyncadd.s32 $0xFFFFEC00;
	(pc) =	sbr.rel @p0 .LBB2_2-.Ltmp0, $4  }
0x39: {  	s30 =	sadd.s32 $0x1, s30;
	s29 =	sadd.s32 $0x1, s1;
	s31 =	smul.u32 $0x5000, s1  }
0x3a: {  	[tilespmem:s0], [sflag:s30] =	stream.indirect.gather [spmem:s2], $0x40, s24, s18, $0xb8;
	[tilespmem:$0x1AEA0] =	vst v63  }
0x3b: {  	s0 =	sshrl.u32 s31, $0x2;
	_ =	swait.ge [sflag:s29], $0x1400  }
0x3c: {  	s31 =	sadd.s32 $0x3, s1;
	s30 =	sadd.s32 $0x4E20, s0;
	[sflag:s29] =	ssyncset.done $0x0  }
0x3d: {  	[sflag:s29] =	ssyncadd.s32 $0xFFFFEC00  }
0x3e: {  	[spmem:s3] =	stream.indirect.scatter.add.f32 [tilespmem:s30], [sflag:s31], $0x40, s28, s18, $0xb8;
	[tilespmem:$0x1AEA0] =	vst v63  }
0x3f: {  	_ =	swait.ge [sflag:s31], $0x1400  }
0x40: {  	[sflag:s31] =	ssyncset.done $0x0  }
0x41: {  	[sflag:s31] =	ssyncadd.s32 $0xFFFFEC00  }
0x42: {  	_ =	swait.ge [sflag:s21], $0x1400  }
0x43: {  	[sflag:s21] =	ssyncset.done $0x0  }
0x44: {  	s0 =	sadd.s32 $0x50, s25;
	[sflag:s21] =	ssyncadd.s32 $0xFFFFEC00  }
0x45: {  	[spmem:s3] =	stream.indirect.scatter.add.f32 [tilespmem:s19], [sflag:$0x3], $0x40, s0, s18, $0xb8;
	[tilespmem:$0x1AEA0] =	vst v63  }
0x46: {  	_ =	swait.ge [sflag:s22], $0x1400  }
0x47: {  	[sflag:s22] =	ssyncset.done $0x0  }
0x48: {  	[sflag:s22] =	ssyncadd.s32 $0xFFFFEC00  }
0x49: {  	[bflag:$0x0] =	sbarrier.arrive $0xFFFF  }
0x4a: {  	[hbm:s9], [sflag:s15] =	dma.local [spmem:s17], $0x1388  }
0x4b: {  	_ =	swait.ge [sflag:s13], $0x1388  }
0x4c: {  	[sflag:s13] =	ssyncset.done $0x0  }
0x4d: {  	[sflag:s13] =	ssyncadd.s32 $0xFFFFEC78  }
0x4e: {  	[spmem:s16], [sflag:s15] =	dma.local [hbm:s10], $0x1388  }
0x4f: {  	_ =	swait.ge [sflag:s13], $0x1388  }
0x50: {  	[sflag:s13] =	ssyncset.done $0x0  }
0x51: {  	[sflag:s13] =	ssyncadd.s32 $0xFFFFEC78  }
0x52: {  	[spmem:s17], [sflag:s15] =	dma.local [hbm:s5], $0x1388  }
0x53: {  	_ =	swait.ge [sflag:s13], $0x1388  }
0x54: {  	[sflag:s13] =	ssyncset.done $0x0  }
0x55: {  	[sflag:s13] =	ssyncadd.s32 $0xFFFFEC78  }
0x56: {  	s26 =	simm.s32 $0x1;
	[bflag:$0x0] =	sbarrier.arrive $0xFFFF  }
0x57: {  	[tilespmem:s19], [sflag:$0x1] =	stream.indirect.gather [spmem:s2], $0x40, s4, s18, $0xb8;
	[tilespmem:$0x1AEA0] =	vst v63  }
0x58: {  	s28 =	sand.u32 $0x1, s26  }
0x59: {  	[tilespmem:s20], [sflag:$0x2] =	stream.indirect.gather [spmem:s2], $0x40, s18, s18, $0xb8;
	[tilespmem:$0x1AEA0] =	vst v63  }
0x5a: {  	s24 =	simm.s32 $0x2;
	s26 =	smul.u32 $0x5000, s28;
	_ =	swait.ge [sflag:s21], $0x1400  }
0x5b: {  	s29 =	sadd.s32 $0x1, s28;
	s0 =	sand.u32 $0x1, s24;
	[sflag:s21] =	ssyncset.done $0x0  }
0x5c: {  	s1 =	sadd.s32 $0x3, s0;
	s25 =	smul.u32 $0x5000, s0;
	[sflag:s21] =	ssyncadd.s32 $0xFFFFEC00  }
0x5d: {  	[spmem:s3] =	stream.indirect.scatter.add.f32 [tilespmem:s19], [sflag:$0x3], $0x40, s14, s18, $0xb8;
	[tilespmem:$0x1AEA0] =	vst v63  }
0x5e: {  	s31 =	sadd.s32 $0x3, s28;
	s28 =	simm.s32 $0x2760;
	_ =	swait.ge [sflag:s1], $0x1400  }
0x5f: {  	s24 =	simm.s32 $0xA0;
	s25 =	sshrl.u32 s25, $0x2;
	[sflag:s1] =	ssyncset.done $0x0  }
0x60: {  	s0 =	sadd.s32 $0x1, s0;
	s25 =	sadd.s32 $0x4E20, s25;
	[sflag:s1] =	ssyncadd.s32 $0xFFFFEC00  }
0x61: {  	[tilespmem:s25], [sflag:s0] =	stream.indirect.gather [spmem:s2], $0x40, s24, s18, $0xb8;
	[tilespmem:$0x1AEA0] =	vst v63  }
0x62: {  	s1 =	sshrl.u32 s26, $0x2;
	s26 =	simm.s32 $0x3;
	_ =	swait.ge [sflag:s29], $0x1400  }
0x63: {  	s25 =	simm.s32 $0x2760;
	s30 =	sadd.s32 $0x4E20, s1;
	[sflag:s29] =	ssyncset.done $0x0  }
.LBB2_4:
0x64: {  	[sflag:s29] =	ssyncadd.s32 $0xFFFFEC00  }
0x65: {  	s25 =	sadd.s32 $0x50, s25;
	s24 =	sadd.s32 $0x50, s24;
	s0 =	smov.u32 s26  }
0x66: {  	[spmem:s3] =	stream.indirect.scatter.add.f32 [tilespmem:s30], [sflag:s31], $0x40, s28, s18, $0xb8;
	[tilespmem:$0x1AEA0] =	vst v63  }
0x67: {  	p0 =	sne.s32 s26, $0x7C;
	s26 =	sadd.s32 $0x1, s26;
	s1 =	sand.u32 $0x1, s0  }
0x68: {  	s28 =	smov.u32 s25;
	s29 =	sadd.s32 $0x3, s1;
	s30 =	smul.u32 $0x5000, s1  }
0x69: {  	s0 =	sadd.s32 $0xFFFFFFFF, s0;
	_ =	swait.ge [sflag:s29], $0x1400  }
0x6a: {  	s0 =	sand.u32 $0x1, s0;
	s30 =	sshrl.u32 s30, $0x2;
	[sflag:s29] =	ssyncset.done $0x0  }
.Ltmp1:
0x6b: {  	s30 =	sadd.s32 $0x4E20, s30;
	[sflag:s29] =	ssyncadd.s32 $0xFFFFEC00;
	(pc) =	sbr.rel @p0 .LBB2_4-.Ltmp1, $4  }
0x6c: {  	s1 =	sadd.s32 $0x1, s1;
	s31 =	smul.u32 $0x5000, s0;
	s29 =	sadd.s32 $0x1, s0  }
0x6d: {  	[tilespmem:s30], [sflag:s1] =	stream.indirect.gather [spmem:s2], $0x40, s24, s18, $0xb8;
	[tilespmem:$0x1AEA0] =	vst v63  }
0x6e: {  	s1 =	sshrl.u32 s31, $0x2;
	_ =	swait.ge [sflag:s29], $0x1400  }
0x6f: {  	s31 =	sadd.s32 $0x3, s0;
	s30 =	sadd.s32 $0x4E20, s1;
	[sflag:s29] =	ssyncset.done $0x0  }
0x70: {  	[sflag:s29] =	ssyncadd.s32 $0xFFFFEC00  }
0x71: {  	[spmem:s3] =	stream.indirect.scatter.add.f32 [tilespmem:s30], [sflag:s31], $0x40, s28, s18, $0xb8;
	[tilespmem:$0x1AEA0] =	vst v63  }
0x72: {  	_ =	swait.ge [sflag:s31], $0x1400  }
0x73: {  	[sflag:s31] =	ssyncset.done $0x0  }
0x74: {  	[sflag:s31] =	ssyncadd.s32 $0xFFFFEC00  }
0x75: {  	_ =	swait.ge [sflag:s21], $0x1400  }
0x76: {  	[sflag:s21] =	ssyncset.done $0x0  }
0x77: {  	s0 =	sadd.s32 $0x50, s25;
	[sflag:s21] =	ssyncadd.s32 $0xFFFFEC00  }
0x78: {  	[spmem:s3] =	stream.indirect.scatter.add.f32 [tilespmem:s19], [sflag:$0x3], $0x40, s0, s18, $0xb8;
	[tilespmem:$0x1AEA0] =	vst v63  }
0x79: {  	_ =	swait.ge [sflag:s22], $0x1400  }
0x7a: {  	s23 =	sadd.s32 $0x1, s23;
	[sflag:s22] =	ssyncset.done $0x0  }
0x7b: {  	p0 =	sne.s32 s23, s12;
	[sflag:s22] =	ssyncadd.s32 $0xFFFFEC00  }
.Ltmp2:
0x7c: {  	[bflag:$0x0] =	sbarrier.arrive $0xFFFF;
	(pc) =	sbr.rel @p0 .LBB2_1-.Ltmp2, $4  }
0x7d: {  	[hbm:s11], [sflag:s15] =	dma.local [spmem:s17], $0x1388  }
0x7e: {  	_ =	swait.ge [sflag:s13], $0x1388  }
0x7f: {  	[sflag:s13] =	ssyncset.done $0x0  }
0x80: {  	[sflag:s13] =	ssyncadd.s32 $0xFFFFEC78  }
0x81: {  	_ =	sfence.sel $0x180000  }
0x82: {  	[bflag:$0x0] =	sbarrier.arrive $0xFFFF  }
0x83: {  	_ =	strace $0x9000004A  }
0x84: {  	s0 =	stileid.u32;
	[bflag:$0x2] =	sbarrier.arrive $0xFFFF  }
0x85: {  	p0 =	sne.s32 s0, $0x0;
	s0 =	rddreg [dreg:$0x4]  }
0x86: {  	s0 =	sadd.s32 @!p0 $0x100000, s0  }
0x87: {  	[sflag:s0] =	ssyncadd.tile.s32 @!p0 $0x1;
	_ =	shalt  }
.Lfunc_end2:
_tile_overlayer_lowered:
.L_overlay_start_2:
0x88: {  	(tag) =	ssettag $0x2  }
0x89: {  	s0 =	rddreg [dreg:$0x0];
	s2 =	stileid.u32  }
0x8a: {  	s1 =	rddreg [dreg:$0x1];
	p0 =	sne.s32 s2, $0x0  }
0x8b: {  	s3 =	rddreg [dreg:$0x2];
	[bflag:$0x3] =	sbarrier.arrive $0xFFFF;
	s2 =	simm.s32 @!p0 $0x1C05  }
0x8c: {  	[timem:s3], [sflag:s2] =	dma.local @!p0 [hbm:s0], s1  }
0x8d: {  	s0 =	simm.s32 @!p0 $0x5  }
0x8e: {  	_ =	swait.ge @!p0 [sflag:s0], s1  }
0x8f: {  	s1 =	ssub.s32 @!p0 $0x0, s1;
	[sflag:s0] =	ssyncset.done @!p0 $0x0  }
0x90: {  	[sflag:s0] =	ssyncadd.s32 @!p0 s1  }
0x91: {  	[bflag:$0x3] =	sbarrier.arrive $0xFFFF  }
0x92: {  	_ =	shalt  }

// kernel: kernel.16.cloned.1.call-start
scs
__scs_entry_jumppad:
0x0: {  	(pc) =	sbr.rel $0x88, $3  }
0x1: {  	(tag) =	ssettag $0x0;
	lr =	simm.s32 $0x1  }
0x2: {  	[smem:$0x3F93] =	sst lr;
	_ =	strace $0xD0000000  }
0x3: {  	_ = 	snop  }
0x4: {  	_ = 	snop  }
0x5: {  	_ = 	snop  }
0x6: {  	_ = 	snop  }
0x7: {  	_ = 	snop  }
__scs_overlays_trampoline_lowered:
0x8: {  	[smem:$0x3FA2] =	sst s0  }
0x9: {  	[smem:$0x3FA3] =	sst s1  }
0xa: {  	[smem:$0x3FA4] =	sst s2  }
0xb: {  	[smem:$0x3FA5] =	sst s3  }
0xc: {  	[smem:$0x3FA6] =	sst s4  }
0xd: {  	[smem:$0x3FA7] =	sst s5  }
0xe: {  	[smem:$0x3FA8] =	sst s6  }
0xf: {  	[smem:$0x3FA9] =	sst s7  }
0x10: {  	[smem:$0x3FAA] =	sst s8  }
0x11: {  	[smem:$0x3FAB] =	sst s9;
	s0 =	simm.s32 @!p0 $0x0  }
0x12: {  	s1 =	sld [smem:$0x3F91];
	s0 =	simm.s32 @p0 $0x1  }
0x13: {  	[smem:$0x3FAC] =	sst s0;
	s0 =	simm.s32 @!p1 $0x0  }
0x14: {  	s2 =	sld [smem:$0x3F90];
	s0 =	simm.s32 @p1 $0x1  }
0x15: {  	[smem:$0x3FAD] =	sst s0;
	s0 =	simm.s32 @!p2 $0x0  }
0x16: {  	s3 =	sld [smem:$0x3FDB];
	s0 =	simm.s32 @p2 $0x1  }
0x17: {  	s4 =	simm.s32 $0x1BF5;
	[smem:$0x3FAF] =	sst s0  }
0x18: {  	s0 =	sld [smem:$0x3F92];
	_ =	swait.ge [sflag:s4], $0x0  }
0x19: {  	s7 =	sld [smem:$0x3F93]  }
0x1a: {  	s8 =	sadd.s32 $0xFFFFE003, lr  }
0x1b: {  	s9 =	sadd.s32 $0xFFFFFEF7, lr;
	s5 =	simm.s32 $0xFFFFFFFF;
	p2 =	slt.u32 s8, $0xFFFFF086  }
0x1c: {  	p1 =	slt.u32 s9, $0xF7A;
	s5 =	simm.s32 @!p2 $0x0  }
0x1d: {  	s5 =	simm.s32 @p1 $0x1;
	p0 =	seq.s32 s7, s2  }
0x1e: {  	s7 =	smul.u32 @!p0 $0xF7A, s2;
	p2 =	seq.s32 @!p0 s5, $0x0  }
0x1f: {  	s9 =	smul.u32 $0xF7A, s1;
	s8 =	simm.s32 @!p0 $0x1BF5;
	p2 =	por !p2, p0  }
0x20: {  	[sflag:s8] =	ssyncset.s32 @!p0 $0xFFFFF086;
	s6 =	sadd.s32 @!p0 s3, s7;
	s7 =	simm.s32 @!p0 $0x108  }
0x21: {  	s3 =	sadd.s32 s3, s9;
	s6 =	sadd.s32 @!p0 $0x88, s6;
	s7 =	simm.s32 @p2 $0x1082  }
0x22: {  	[simem:s7], [sflag:s8] =	dma.local @!p0 [hbm:s6], $0xF7A  }
0x23: {  	s9 =	sor.u32 $0xD0000000, s2;
	s6 =	simm.s32 $0x108;
	_ =	swait.ge @!p0 [sflag:s8], $0x0  }
0x24: {  	s3 =	sadd.s32 $0x88, s3;
	s6 =	simm.s32 @!p1 $0x1082;
	[sflag:s4] =	ssyncset.s32 $0xFFFFF086  }
0x25: {  	[simem:s6], [sflag:s4] =	dma.local [hbm:s3], $0xF7A  }
0x26: {  	[smem:$0x3F93] =	sst s1;
	(tag) =	ssettag s2;
	_ =	strace s9  }
0x27: {  	s1 =	sld [smem:$0x3FA3]  }
0x28: {  	s2 =	sld [smem:$0x3FA4]  }
0x29: {  	s4 =	sld [smem:$0x3FA6]  }
0x2a: {  	p0 =	seq.s32 s5, $0x0;
	s5 =	sld [smem:$0x3FA7]  }
0x2b: {  	s6 =	sld [smem:$0x3FA8]  }
0x2c: {  	s7 =	sld [smem:$0x3FA9]  }
0x2d: {  	s3 =	simm.s32 $0x108;
	s8 =	sld [smem:$0x3FAA]  }
0x2e: {  	s3 =	simm.s32 @!p0 $0x1082;
	s9 =	sld [smem:$0x3FAB]  }
0x2f: {  	lr =	sadd.s32 s0, s3;
	s0 =	sld [smem:$0x3FA2]  }
0x30: {  	s3 =	sld [smem:$0x3FA5]  }
0x31: {  	[smem:$0x3FAE] =	sst s10  }
0x32: {  	s10 =	sld [smem:$0x3FAC];
	_ =	sdelay $0x3  }
0x33: {  	p0 =	seq.s32 s10, $0x1;
	s10 =	sld [smem:$0x3FAE];
	_ =	sdelay $0x3  }
0x34: {  	[smem:$0x3FAE] =	sst s10  }
0x35: {  	s10 =	sld [smem:$0x3FAD];
	_ =	sdelay $0x3  }
0x36: {  	p1 =	seq.s32 s10, $0x1;
	s10 =	sld [smem:$0x3FAE];
	_ =	sdelay $0x3  }
0x37: {  	[smem:$0x3FAE] =	sst s10  }
0x38: {  	s10 =	sld [smem:$0x3FAF]  }
0x39: {  	_ = 	snop;
	(pc) =	sbr.ind lr, $3  }
0x3a: {  	_ = 	snop  }
0x3b: {  	_ = 	snop  }
0x3c: {  	p2 =	seq.s32 s10, $0x1;
	s10 =	sld [smem:$0x3FAE]  }
0x3d: {  	_ =	shalt  }
0x3e: {  	_ =	shalt  }
0x3f: {  	_ =	shalt  }
0x40: {  	_ =	shalt  }
0x41: {  	_ =	shalt  }
0x42: {  	_ =	shalt  }
0x43: {  	_ =	shalt  }
0x44: {  	_ =	shalt  }
0x45: {  	_ =	shalt  }
0x46: {  	_ =	shalt  }
0x47: {  	_ =	shalt  }
0x48: {  	_ =	shalt  }
0x49: {  	_ =	shalt  }
0x4a: {  	_ =	shalt  }
0x4b: {  	_ =	shalt  }
0x4c: {  	_ =	shalt  }
0x4d: {  	_ =	shalt  }
0x4e: {  	_ =	shalt  }
0x4f: {  	_ =	shalt  }
0x50: {  	_ =	shalt  }
0x51: {  	_ =	shalt  }
0x52: {  	_ =	shalt  }
0x53: {  	_ =	shalt  }
0x54: {  	_ =	shalt  }
0x55: {  	_ =	shalt  }
0x56: {  	_ =	shalt  }
0x57: {  	_ =	shalt  }
0x58: {  	_ =	shalt  }
0x59: {  	_ =	shalt  }
0x5a: {  	_ =	shalt  }
0x5b: {  	_ =	shalt  }
0x5c: {  	_ =	shalt  }
0x5d: {  	_ =	shalt  }
0x5e: {  	_ =	shalt  }
0x5f: {  	_ =	shalt  }
0x60: {  	_ =	shalt  }
0x61: {  	_ =	shalt  }
0x62: {  	_ =	shalt  }
0x63: {  	_ =	shalt  }
0x64: {  	_ =	shalt  }
0x65: {  	_ =	shalt  }
0x66: {  	_ =	shalt  }
0x67: {  	_ =	shalt  }
0x68: {  	_ =	shalt  }
0x69: {  	_ =	shalt  }
0x6a: {  	_ =	shalt  }
0x6b: {  	_ =	shalt  }
0x6c: {  	_ =	shalt  }
0x6d: {  	_ =	shalt  }
0x6e: {  	_ =	shalt  }
0x6f: {  	_ =	shalt  }
0x70: {  	_ =	shalt  }
0x71: {  	_ =	shalt  }
0x72: {  	_ =	shalt  }
0x73: {  	_ =	shalt  }
0x74: {  	_ =	shalt  }
0x75: {  	_ =	shalt  }
0x76: {  	_ =	shalt  }
0x77: {  	_ =	shalt  }
0x78: {  	_ =	shalt  }
0x79: {  	_ =	shalt  }
0x7a: {  	_ =	shalt  }
0x7b: {  	_ =	shalt  }
0x7c: {  	_ =	shalt  }
0x7d: {  	_ =	shalt  }
0x7e: {  	_ =	shalt  }
0x7f: {  	_ =	shalt  }
0x80: {  	_ =	shalt  }
0x81: {  	_ =	shalt  }
0x82: {  	_ =	shalt  }
0x83: {  	_ =	shalt  }
0x84: {  	_ =	shalt  }
0x85: {  	_ =	shalt  }
0x86: {  	_ =	shalt  }
0x87: {  	_ =	shalt  }
.Lfunc_end0:
.L_simem_size_0:
called_computation.2_lowered:
.L_overlay_start_0:
0x88: {  	s2 =	sld [smem:$0x3FD9]  }
0x89: {  	s3 =	sld [smem:$0x3FFE];
	_ =	sdelay $0x1  }
0x8a: {  	s1 =	srdreg.scid  }
0x8b: {  	s0 =	sand.u32 $0x1, s1  }
0x8c: {  	s17 =	sshll.u32 s0, $0xA;
	s2 =	sadd.s32 s3, s2  }
0x8d: {  	s2 =	sadd.s32 s2, s17  }
0x8e: {  	[smem:$0x3FBA] =	sst s2  }
0x8f: {  	_ = 	snop  }
0x90: {  	s2 =	sld [smem:$0x3FD0];
	(tm) =	ssettm $0x1  }
0x91: {  	s18 =	sld [smem:$0x3FFB];
	_ =	sdelay $0x3  }
0x92: {  	_ =	strace s18  }
0x93: {  	s3 =	sld [smem:$0x3FFC];
	_ =	sdelay $0x3  }
0x94: {  	_ =	strace s3  }
0x95: {  	s3 =	sld [smem:$0x3FFD];
	_ =	sdelay $0x3  }
0x96: {  	_ =	strace s3  }
0x97: {  	_ =	strace $0x8FFFFFFF  }
0x98: {  	s19 =	sld [smem:$0x3FDB];
	_ =	sdelay $0x1  }
0x99: {  	s4 =	simm.s32 $_scs_section_size  }
0x9a: {  	s5 =	simm.s32 $_size__tile_overlayer_lowered;
	s6 =	simm.s32 $_tile_overlayer_lowered  }
0x9b: {  	s22 =	simm.s32 $0x1BFF;
	s21 =	sshll.u32 s6, $0x1;
	s3 =	sadd.s32 s4, s19  }
0x9c: {  	s7 =	simm.s32 $0x0;
	s20 =	sshll.u32 s5, $0x1;
	s5 =	sadd.s32 s21, s3  }
0x9d: {  	[timem:s7], [sflag:s22] =	dma.local [hbm:s5], s20  }
0x9e: {  	_ =	swait.ge [sflag:s22], s20  }
0x9f: {  	s4 =	ssub.s32 $0x0, s20;
	[sflag:s22] =	ssyncset.done $0x0  }
0xa0: {  	[sflag:s22] =	ssyncadd.s32 s4;
	_ =	sdelay $0x1  }
0xa1: {  	s23 =	simm.s32 $0x1B8B  }
0xa2: {  	_ =	swait.ge [sflag:s23], $0x1  }
0xa3: {  	[sflag:s23] =	ssyncset.done $0x0  }
0xa4: {  	s25 =	simm.s32 $0x1B8E;
	s24 =	sld [smem:$0x3FFE];
	[sflag:s23] =	ssyncadd.s32 $0xFFFFFFFF  }
0xa5: {  	s26 =	simm.s32 $execute0_lowered;
	[smem:$0x3FD2] =	sst s25  }
0xa6: {  	s5 =	sshll.u32 s26, $0x1;
	_ =	strace $0x8000004C;
	[dreg:$0x1] =	wrdreg $0xFFFFFFFF  }
0xa7: {  	s28 =	simm.s32 $_size_execute0_lowered;
	s3 =	sadd.s32 s3, s5;
	[dreg:$0x0] =	wrdreg $0x0  }
0xa8: {  	s5 =	sshll.u32 s28, $0x1;
	[dreg:$0x2] =	wrdreg s3  }
0xa9: {  	[dreg:$0x3] =	wrdreg s5  }
0xaa: {  	[dreg:$0x4] =	wrdreg $0xC0  }
0xab: {  	_ =	task [dreg:s7], $0x5FFFF  }
0xac: {  	[dreg:$0x1] =	wrdreg $0xFFFFFFFF  }
0xad: {  	[dreg:$0x0] =	wrdreg $0x60  }
0xae: {  	[dreg:$0x2] =	wrdreg s24  }
0xaf: {  	[dreg:$0x3] =	wrdreg s2  }
0xb0: {  	[dreg:$0x4] =	wrdreg $0x76200  }
0xb1: {  	[dreg:$0x5] =	wrdreg $0x112600  }
0xb2: {  	[dreg:$0x6] =	wrdreg $0x9  }
0xb3: {  	_ =	task.clear_ibuf [dreg:s7], $0x7FFFF;
	_ =	strace $0x9000004C  }
0xb4: {  	s29 =	simm.s32 $0x9;
	_ =	strace $0x8000004E  }
0xb5: {  	_ =	swait.ge [sflag:s29], $0x1  }
0xb6: {  	[sflag:s29] =	ssyncadd.s32 $0xFFFFFFFF  }
0xb7: {  	_ =	strace $0x9000004E  }
0xb8: {  	_ =	sfence  }
0xb9: {  	s30 =	sld [smem:$0x0];
	_ =	sdelay $0x2  }
0xba: {  	s31 =	sshll.u32 s1, $0xD;
	s1 =	sshrl.u32 s1, $0x2  }
0xbb: {  	s3 =	sand.u32 $0x4000, s31;
	s1 =	sadd.s32 s1, s30  }
0xbc: {  	s0 =	sor.u32 s3, s0;
	s1 =	sshll.u32 s1, $0x11  }
0xbd: {  	s0 =	sor.u32 s1, s0  }
0xbe: {  	s0 =	sadd.s32 $0x8F2B, s0  }
0xbf: {  	[sflag:s0] =	ssyncadd.remote.s32 $0x1  }
0xc0: {  	_ =	sfence.sel $0xFFFF  }
0xc1: {  	[dreg:$0x0] =	wrdreg $0xFFFFFFFF;
	(pc) =	sbr.abs _section_cstart, $3  }
0xc2: {  	[dreg:$0x1] =	wrdreg $0xFFFFFFFF  }
0xc3: {  	_ =	task.clear_ibuf [dreg:s7], $0x2FFFF;
	_ =	strace $0x9FFFFFFF  }
0xc4: {  	(tm) =	ssettm $0x7FFFFFFF  }
0xc5: {  	_ =	shalt  }
tec
execute0_lowered:
.L_overlay_start_1:
0x0: {  	(tag) =	ssettag $0x1  }
0x1: {  	s6 =	rddreg [dreg:$0x0]  }
0x2: {  	s7 =	rddreg [dreg:$0x1]  }
0x3: {  	s0 =	stileid.u32;
	s2 =	rddreg [dreg:$0x2]  }
0x4: {  	s1 =	srdreg.scid;
	s3 =	rddreg [dreg:$0x3]  }
0x5: {  	s4 =	simm.s32 $0x0;
	s16 =	simm.s32 $0x50;
	s17 =	simm.s32 $0x4E20  }
0x6: {  	s18 =	simm.s32 $0x6220;
	s19 =	simm.s32 $0x1;
	s20 =	simm.s32 $0x3  }
0x7: {  	s21 =	simm.s32 $0x0;
	s5 =	sand.u32 $0x1, s1;
	s1 =	rddreg [dreg:$0x4]  }
0x8: {  	s29 =	sshll.u32 s0, $0x1;
	s9 =	smul.u32 $0x9C40, s0;
	[smem:$0x7FF] =	sst s4  }
0x9: {  	s31 =	sshll.u32 s0, $0x6;
	s8 =	sor.u32 s5, s29;
	s11 =	smul.u32 $0x9C400, s5  }
0xa: {  	_ =	strace $0x8000004D;
	s13 =	ssub.s32 $0x2, s5;
	s5 =	sadd.s32 $0x2C00, s6  }
0xb: {  	s8 =	smul.u32 $0x4E2, s8;
	s10 =	sshrl.u32 s9, $0x3;
	s14 =	sshrl.u32 s13, $0x1  }
0xc: {  	s30 =	sadd.s32 s9, s2;
	s15 =	sadd.s32 s9, s3;
	s10 =	sadd.s32 s10, s6  }
0xd: {  	s11 =	sadd.s32 s9, s11;
	s13 =	ssub.s32 s13, s14;
	s14 =	sshrl.u32 s30, $0x3  }
0xe: {  	s15 =	sshrl.u32 s15, $0x3;
	s12 =	sadd.s32 s8, s6;
	s11 =	sshrl.u32 s11, $0x3  }
0xf: {  	s7 =	sadd.s32 s7, s8;
	s8 =	sadd.s32 $0x17000, s10;
	s10 =	smax.u32 s13, $0x1  }
0x10: {  	s13 =	sor.u32 $0x1C05, s31;
	s11 =	sadd.s32 s11, s6;
	s6 =	sadd.s32 $0xD200, s12  }
0x11: {  	s12 =	simm.s32 $0x2710;
	s9 =	sadd.s32 $0x2AA00, s11;
	s11 =	simm.s32 $0x5  }
.LBB2_1:
0x12: {  	[tilespmem:s4], [sflag:$0x5] =	stream.linear.gather [hbm4b:s6+s4], $0x2710, $0x38;
	[tilespmem:$0x1AEA0] =	vst v63  }
0x13: {  	_ =	swait.ge [sflag:s11], $0x2710  }
0x14: {  	[sflag:s11] =	ssyncset.done $0x0  }
0x15: {  	[sflag:s11] =	ssyncadd.s32 $0xFFFFD8F0  }
0x16: {  	[tilespmem:s12], [sflag:$0x5] =	stream.linear.gather [hbm4b:s7+s4], $0x2710, $0x38;
	[tilespmem:$0x1AEA0] =	vst v63  }
0x17: {  	_ =	swait.ge [sflag:s11], $0x2710  }
0x18: {  	[sflag:s11] =	ssyncset.done $0x0  }
0x19: {  	[sflag:s11] =	ssyncadd.s32 $0xFFFFD8F0  }
0x1a: {  	[spmem:s14], [sflag:s13] =	dma.local [hbm:s8], $0x1388  }
0x1b: {  	_ =	swait.ge [sflag:s11], $0x1388  }
0x1c: {  	[sflag:s11] =	ssyncset.done $0x0  }
0x1d: {  	[sflag:s11] =	ssyncadd.s32 $0xFFFFEC78  }
0x1e: {  	[spmem:s15], [sflag:s13] =	dma.local [hbm:s5], $0x1388  }
0x1f: {  	_ =	swait.ge [sflag:s11], $0x1388  }
0x20: {  	[sflag:s11] =	ssyncset.done $0x0  }
0x21: {  	[sflag:s11] =	ssyncadd.s32 $0xFFFFEC78  }
0x22: {  	[bflag:$0x0] =	sbarrier.arrive $0xFFFF  }
0x23: {  	[tilespmem:s17], [sflag:$0x1] =	stream.indirect.gather [spmem:s2], $0x40, s4, s16, $0xb8;
	[tilespmem:$0x1AEA0] =	vst v63  }
0x24: {  	s22 =	simm.s32 $0x2;
	s26 =	simm.s32 $0x1  }
0x25: {  	[tilespmem:s18], [sflag:$0x2] =	stream.indirect.gather [spmem:s2], $0x40, s16, s16, $0xb8;
	[tilespmem:$0x1AEA0] =	vst v63  }
0x26: {  	s23 =	sand.u32 $0x1, s22;
	s22 =	simm.s32 $0xA0;
	_ =	swait.ge [sflag:s19], $0x1400  }
0x27: {  	s29 =	sand.u32 $0x1, s26;
	s24 =	sadd.s32 $0x3, s23;
	[sflag:s19] =	ssyncset.done $0x0  }
0x28: {  	s25 =	smul.u32 $0x5000, s23;
	s23 =	sadd.s32 $0x1, s23;
	[sflag:s19] =	ssyncadd.s32 $0xFFFFEC00  }
0x29: {  	[spmem:s3] =	stream.indirect.scatter.add.f32 [tilespmem:s17], [sflag:$0x3], $0x40, s12, s16, $0xb8;
	[tilespmem:$0x1AEA0] =	vst v63  }
0x2a: {  	s31 =	smul.u32 $0x5000, s29;
	s26 =	sadd.s32 $0x1, s29;
	_ =	swait.ge [sflag:s24], $0x1400  }
0x2b: {  	s29 =	sadd.s32 $0x3, s29;
	s25 =	sshrl.u32 s25, $0x2;
	[sflag:s24] =	ssyncset.done $0x0  }
0x2c: {  	s30 =	sadd.s32 $0x4E20, s25;
	s25 =	sshrl.u32 s31, $0x2;
	[sflag:s24] =	ssyncadd.s32 $0xFFFFEC00  }
0x2d: {  	[tilespmem:s30], [sflag:s23] =	stream.indirect.gather [spmem:s2], $0x40, s22, s16, $0xb8;
	[tilespmem:$0x1AEA0] =	vst v63  }
0x2e: {  	s28 =	sadd.s32 $0x4E20, s25;
	s25 =	simm.s32 $0x2760;
	_ =	swait.ge [sflag:s26], $0x1400  }
0x2f: {  	s24 =	simm.s32 $0x3;
	s23 =	simm.s32 $0x2760;
	[sflag:s26] =	ssyncset.done $0x0  }
.LBB2_2:
0x30: {  	[sflag:s26] =	ssyncadd.s32 $0xFFFFEC00  }
0x31: {  	s23 =	sadd.s32 $0x50, s23;
	s22 =	sadd.s32 $0x50, s22;
	s26 =	smov.u32 s24  }
0x32: {  	[spmem:s3] =	stream.indirect.scatter.add.f32 [tilespmem:s28], [sflag:s29], $0x40, s25, s16, $0xb8;
	[tilespmem:$0x1AEA0] =	vst v63  }
0x33: {  	p0 =	sne.s32 s24, $0x7C;
	s24 =	sadd.s32 $0x1, s24;
	s28 =	sand.u32 $0x1, s26  }
0x34: {  	s25 =	smov.u32 s23;
	s29 =	sadd.s32 $0x3, s28;
	s30 =	smul.u32 $0x5000, s28  }
0x35: {  	s26 =	sadd.s32 $0xFFFFFFFF, s26;
	_ =	swait.ge [sflag:s29], $0x1400  }
0x36: {  	s31 =	sand.u32 $0x1, s26;
	s30 =	sshrl.u32 s30, $0x2;
	[sflag:s29] =	ssyncset.done $0x0  }
.Ltmp0:
0x37: {  	[sflag:s29] =	ssyncadd.s32 $0xFFFFEC00;
	s29 =	sadd.s32 $0x4E20, s30;
	(pc) =	sbr.rel @p0 .LBB2_2-.Ltmp0, $4  }
0x38: {  	s28 =	sadd.s32 $0x1, s28;
	s26 =	sadd.s32 $0x1, s31;
	s30 =	smul.u32 $0x5000, s31  }
0x39: {  	[tilespmem:s29], [sflag:s28] =	stream.indirect.gather [spmem:s2], $0x40, s22, s16, $0xb8;
	[tilespmem:$0x1AEA0] =	vst v63  }
0x3a: {  	s28 =	sshrl.u32 s30, $0x2;
	_ =	swait.ge [sflag:s26], $0x1400  }
0x3b: {  	s29 =	sadd.s32 $0x3, s31;
	s28 =	sadd.s32 $0x4E20, s28;
	[sflag:s26] =	ssyncset.done $0x0  }
0x3c: {  	[sflag:s26] =	ssyncadd.s32 $0xFFFFEC00  }
0x3d: {  	[spmem:s3] =	stream.indirect.scatter.add.f32 [tilespmem:s28], [sflag:s29], $0x40, s25, s16, $0xb8;
	[tilespmem:$0x1AEA0] =	vst v63  }
0x3e: {  	_ =	swait.ge [sflag:s29], $0x1400  }
0x3f: {  	[sflag:s29] =	ssyncset.done $0x0  }
0x40: {  	[sflag:s29] =	ssyncadd.s32 $0xFFFFEC00  }
0x41: {  	_ =	swait.ge [sflag:s19], $0x1400  }
0x42: {  	[sflag:s19] =	ssyncset.done $0x0  }
0x43: {  	s22 =	sadd.s32 $0x50, s23;
	[sflag:s19] =	ssyncadd.s32 $0xFFFFEC00  }
0x44: {  	[spmem:s3] =	stream.indirect.scatter.add.f32 [tilespmem:s17], [sflag:$0x3], $0x40, s22, s16, $0xb8;
	[tilespmem:$0x1AEA0] =	vst v63  }
0x45: {  	_ =	swait.ge [sflag:s20], $0x1400  }
0x46: {  	s21 =	sadd.s32 $0x1, s21;
	[sflag:s20] =	ssyncset.done $0x0  }
0x47: {  	p0 =	sne.s32 s21, s10;
	[sflag:s20] =	ssyncadd.s32 $0xFFFFEC00  }
.Ltmp1:
0x48: {  	[bflag:$0x0] =	sbarrier.arrive $0xFFFF;
	(pc) =	sbr.rel @p0 .LBB2_1-.Ltmp1, $4  }
0x49: {  	[hbm:s9], [sflag:s13] =	dma.local [spmem:s15], $0x1388  }
0x4a: {  	_ =	swait.ge [sflag:s11], $0x1388  }
0x4b: {  	[sflag:s11] =	ssyncset.done $0x0  }
0x4c: {  	[sflag:s11] =	ssyncadd.s32 $0xFFFFEC78  }
0x4d: {  	_ =	sfence.sel $0x180000  }
0x4e: {  	[bflag:$0x0] =	sbarrier.arrive $0xFFFF  }
0x4f: {  	p0 =	sne.s32 s0, $0x0;
	_ =	strace $0x9000004D  }
0x50: {  	s0 =	sadd.s32 @!p0 $0x100000, s1;
	[bflag:$0x2] =	sbarrier.arrive $0xFFFF  }
0x51: {  	[sflag:s0] =	ssyncadd.tile.s32 @!p0 $0x1;
	_ =	shalt  }
.Lfunc_end2:
_tile_overlayer_lowered:
.L_overlay_start_2:
0x52: {  	(tag) =	ssettag $0x2  }
0x53: {  	s0 =	rddreg [dreg:$0x0];
	s2 =	stileid.u32  }
0x54: {  	s1 =	rddreg [dreg:$0x1];
	p0 =	sne.s32 s2, $0x0  }
0x55: {  	s3 =	rddreg [dreg:$0x2];
	[bflag:$0x3] =	sbarrier.arrive $0xFFFF;
	s2 =	simm.s32 @!p0 $0x1C05  }
0x56: {  	[timem:s3], [sflag:s2] =	dma.local @!p0 [hbm:s0], s1  }
0x57: {  	s0 =	simm.s32 @!p0 $0x5  }
0x58: {  	_ =	swait.ge @!p0 [sflag:s0], s1  }
0x59: {  	s1 =	ssub.s32 @!p0 $0x0, s1;
	[sflag:s0] =	ssyncset.done @!p0 $0x0  }
0x5a: {  	[sflag:s0] =	ssyncadd.s32 @!p0 s1  }
0x5b: {  	[bflag:$0x3] =	sbarrier.arrive $0xFFFF  }
0x5c: {  	_ =	shalt  }

// kernel: kernel.19.cloned.1.call-start
scs
__scs_entry_jumppad:
0x0: {  	(pc) =	sbr.rel $0x88, $3  }
0x1: {  	(tag) =	ssettag $0x0;
	lr =	simm.s32 $0x1  }
0x2: {  	[smem:$0x3F93] =	sst lr;
	_ =	strace $0xD0000000  }
0x3: {  	_ = 	snop  }
0x4: {  	_ = 	snop  }
0x5: {  	_ = 	snop  }
0x6: {  	_ = 	snop  }
0x7: {  	_ = 	snop  }
__scs_overlays_trampoline_lowered:
0x8: {  	[smem:$0x3FA2] =	sst s0  }
0x9: {  	[smem:$0x3FA3] =	sst s1  }
0xa: {  	[smem:$0x3FA4] =	sst s2  }
0xb: {  	[smem:$0x3FA5] =	sst s3  }
0xc: {  	[smem:$0x3FA6] =	sst s4  }
0xd: {  	[smem:$0x3FA7] =	sst s5  }
0xe: {  	[smem:$0x3FA8] =	sst s6  }
0xf: {  	[smem:$0x3FA9] =	sst s7  }
0x10: {  	[smem:$0x3FAA] =	sst s8  }
0x11: {  	[smem:$0x3FAB] =	sst s9;
	s0 =	simm.s32 @!p0 $0x0  }
0x12: {  	s1 =	sld [smem:$0x3F91];
	s0 =	simm.s32 @p0 $0x1  }
0x13: {  	[smem:$0x3FAC] =	sst s0;
	s0 =	simm.s32 @!p1 $0x0  }
0x14: {  	s2 =	sld [smem:$0x3F90];
	s0 =	simm.s32 @p1 $0x1  }
0x15: {  	[smem:$0x3FAD] =	sst s0;
	s0 =	simm.s32 @!p2 $0x0  }
0x16: {  	s3 =	sld [smem:$0x3FDB];
	s0 =	simm.s32 @p2 $0x1  }
0x17: {  	s4 =	simm.s32 $0x1BF5;
	[smem:$0x3FAF] =	sst s0  }
0x18: {  	s0 =	sld [smem:$0x3F92];
	_ =	swait.ge [sflag:s4], $0x0  }
0x19: {  	s7 =	sld [smem:$0x3F93]  }
0x1a: {  	s8 =	sadd.s32 $0xFFFFE003, lr  }
0x1b: {  	s9 =	sadd.s32 $0xFFFFFEF7, lr;
	s5 =	simm.s32 $0xFFFFFFFF;
	p2 =	slt.u32 s8, $0xFFFFF086  }
0x1c: {  	p1 =	slt.u32 s9, $0xF7A;
	s5 =	simm.s32 @!p2 $0x0  }
0x1d: {  	s5 =	simm.s32 @p1 $0x1;
	p0 =	seq.s32 s7, s2  }
0x1e: {  	s7 =	smul.u32 @!p0 $0xF7A, s2;
	p2 =	seq.s32 @!p0 s5, $0x0  }
0x1f: {  	s9 =	smul.u32 $0xF7A, s1;
	s8 =	simm.s32 @!p0 $0x1BF5;
	p2 =	por !p2, p0  }
0x20: {  	[sflag:s8] =	ssyncset.s32 @!p0 $0xFFFFF086;
	s6 =	sadd.s32 @!p0 s3, s7;
	s7 =	simm.s32 @!p0 $0x108  }
0x21: {  	s3 =	sadd.s32 s3, s9;
	s6 =	sadd.s32 @!p0 $0x88, s6;
	s7 =	simm.s32 @p2 $0x1082  }
0x22: {  	[simem:s7], [sflag:s8] =	dma.local @!p0 [hbm:s6], $0xF7A  }
0x23: {  	s9 =	sor.u32 $0xD0000000, s2;
	s6 =	simm.s32 $0x108;
	_ =	swait.ge @!p0 [sflag:s8], $0x0  }
0x24: {  	s3 =	sadd.s32 $0x88, s3;
	s6 =	simm.s32 @!p1 $0x1082;
	[sflag:s4] =	ssyncset.s32 $0xFFFFF086  }
0x25: {  	[simem:s6], [sflag:s4] =	dma.local [hbm:s3], $0xF7A  }
0x26: {  	[smem:$0x3F93] =	sst s1;
	(tag) =	ssettag s2;
	_ =	strace s9  }
0x27: {  	s1 =	sld [smem:$0x3FA3]  }
0x28: {  	s2 =	sld [smem:$0x3FA4]  }
0x29: {  	s4 =	sld [smem:$0x3FA6]  }
0x2a: {  	p0 =	seq.s32 s5, $0x0;
	s5 =	sld [smem:$0x3FA7]  }
0x2b: {  	s6 =	sld [smem:$0x3FA8]  }
0x2c: {  	s7 =	sld [smem:$0x3FA9]  }
0x2d: {  	s3 =	simm.s32 $0x108;
	s8 =	sld [smem:$0x3FAA]  }
0x2e: {  	s3 =	simm.s32 @!p0 $0x1082;
	s9 =	sld [smem:$0x3FAB]  }
0x2f: {  	lr =	sadd.s32 s0, s3;
	s0 =	sld [smem:$0x3FA2]  }
0x30: {  	s3 =	sld [smem:$0x3FA5]  }
0x31: {  	[smem:$0x3FAE] =	sst s10  }
0x32: {  	s10 =	sld [smem:$0x3FAC];
	_ =	sdelay $0x3  }
0x33: {  	p0 =	seq.s32 s10, $0x1;
	s10 =	sld [smem:$0x3FAE];
	_ =	sdelay $0x3  }
0x34: {  	[smem:$0x3FAE] =	sst s10  }
0x35: {  	s10 =	sld [smem:$0x3FAD];
	_ =	sdelay $0x3  }
0x36: {  	p1 =	seq.s32 s10, $0x1;
	s10 =	sld [smem:$0x3FAE];
	_ =	sdelay $0x3  }
0x37: {  	[smem:$0x3FAE] =	sst s10  }
0x38: {  	s10 =	sld [smem:$0x3FAF]  }
0x39: {  	_ = 	snop;
	(pc) =	sbr.ind lr, $3  }
0x3a: {  	_ = 	snop  }
0x3b: {  	_ = 	snop  }
0x3c: {  	p2 =	seq.s32 s10, $0x1;
	s10 =	sld [smem:$0x3FAE]  }
0x3d: {  	_ =	shalt  }
0x3e: {  	_ =	shalt  }
0x3f: {  	_ =	shalt  }
0x40: {  	_ =	shalt  }
0x41: {  	_ =	shalt  }
0x42: {  	_ =	shalt  }
0x43: {  	_ =	shalt  }
0x44: {  	_ =	shalt  }
0x45: {  	_ =	shalt  }
0x46: {  	_ =	shalt  }
0x47: {  	_ =	shalt  }
0x48: {  	_ =	shalt  }
0x49: {  	_ =	shalt  }
0x4a: {  	_ =	shalt  }
0x4b: {  	_ =	shalt  }
0x4c: {  	_ =	shalt  }
0x4d: {  	_ =	shalt  }
0x4e: {  	_ =	shalt  }
0x4f: {  	_ =	shalt  }
0x50: {  	_ =	shalt  }
0x51: {  	_ =	shalt  }
0x52: {  	_ =	shalt  }
0x53: {  	_ =	shalt  }
0x54: {  	_ =	shalt  }
0x55: {  	_ =	shalt  }
0x56: {  	_ =	shalt  }
0x57: {  	_ =	shalt  }
0x58: {  	_ =	shalt  }
0x59: {  	_ =	shalt  }
0x5a: {  	_ =	shalt  }
0x5b: {  	_ =	shalt  }
0x5c: {  	_ =	shalt  }
0x5d: {  	_ =	shalt  }
0x5e: {  	_ =	shalt  }
0x5f: {  	_ =	shalt  }
0x60: {  	_ =	shalt  }
0x61: {  	_ =	shalt  }
0x62: {  	_ =	shalt  }
0x63: {  	_ =	shalt  }
0x64: {  	_ =	shalt  }
0x65: {  	_ =	shalt  }
0x66: {  	_ =	shalt  }
0x67: {  	_ =	shalt  }
0x68: {  	_ =	shalt  }
0x69: {  	_ =	shalt  }
0x6a: {  	_ =	shalt  }
0x6b: {  	_ =	shalt  }
0x6c: {  	_ =	shalt  }
0x6d: {  	_ =	shalt  }
0x6e: {  	_ =	shalt  }
0x6f: {  	_ =	shalt  }
0x70: {  	_ =	shalt  }
0x71: {  	_ =	shalt  }
0x72: {  	_ =	shalt  }
0x73: {  	_ =	shalt  }
0x74: {  	_ =	shalt  }
0x75: {  	_ =	shalt  }
0x76: {  	_ =	shalt  }
0x77: {  	_ =	shalt  }
0x78: {  	_ =	shalt  }
0x79: {  	_ =	shalt  }
0x7a: {  	_ =	shalt  }
0x7b: {  	_ =	shalt  }
0x7c: {  	_ =	shalt  }
0x7d: {  	_ =	shalt  }
0x7e: {  	_ =	shalt  }
0x7f: {  	_ =	shalt  }
0x80: {  	_ =	shalt  }
0x81: {  	_ =	shalt  }
0x82: {  	_ =	shalt  }
0x83: {  	_ =	shalt  }
0x84: {  	_ =	shalt  }
0x85: {  	_ =	shalt  }
0x86: {  	_ =	shalt  }
0x87: {  	_ =	shalt  }
.Lfunc_end0:
.L_simem_size_0:
called_computation.3_lowered:
.L_overlay_start_0:
0x88: {  	s2 =	sld [smem:$0x3FD9]  }
0x89: {  	s3 =	sld [smem:$0x3FFE];
	_ =	sdelay $0x1  }
0x8a: {  	s1 =	srdreg.scid  }
0x8b: {  	s0 =	sand.u32 $0x1, s1  }
0x8c: {  	s17 =	sshll.u32 s0, $0xA;
	s2 =	sadd.s32 s3, s2  }
0x8d: {  	s2 =	sadd.s32 s2, s17  }
0x8e: {  	[smem:$0x3FBA] =	sst s2  }
0x8f: {  	_ = 	snop  }
0x90: {  	s2 =	sld [smem:$0x3FD0];
	(tm) =	ssettm $0x1  }
0x91: {  	s18 =	sld [smem:$0x3FFB];
	_ =	sdelay $0x3  }
0x92: {  	_ =	strace s18  }
0x93: {  	s3 =	sld [smem:$0x3FFC];
	_ =	sdelay $0x3  }
0x94: {  	_ =	strace s3  }
0x95: {  	s3 =	sld [smem:$0x3FFD];
	_ =	sdelay $0x3  }
0x96: {  	_ =	strace s3  }
0x97: {  	_ =	strace $0x8FFFFFFF  }
0x98: {  	s19 =	sld [smem:$0x3FDB];
	_ =	sdelay $0x1  }
0x99: {  	s4 =	simm.s32 $_scs_section_size  }
0x9a: {  	s5 =	simm.s32 $_size__tile_overlayer_lowered;
	s6 =	simm.s32 $_tile_overlayer_lowered  }
0x9b: {  	s22 =	simm.s32 $0x1BFF;
	s21 =	sshll.u32 s6, $0x1;
	s3 =	sadd.s32 s4, s19  }
0x9c: {  	s7 =	simm.s32 $0x0;
	s20 =	sshll.u32 s5, $0x1;
	s5 =	sadd.s32 s21, s3  }
0x9d: {  	[timem:s7], [sflag:s22] =	dma.local [hbm:s5], s20  }
0x9e: {  	_ =	swait.ge [sflag:s22], s20  }
0x9f: {  	s4 =	ssub.s32 $0x0, s20;
	[sflag:s22] =	ssyncset.done $0x0  }
0xa0: {  	[sflag:s22] =	ssyncadd.s32 s4;
	_ =	sdelay $0x1  }
0xa1: {  	s23 =	simm.s32 $0x1B8B  }
0xa2: {  	_ =	swait.ge [sflag:s23], $0x1  }
0xa3: {  	[sflag:s23] =	ssyncset.done $0x0  }
0xa4: {  	s25 =	simm.s32 $0x1B8E;
	s24 =	sld [smem:$0x3FFE];
	[sflag:s23] =	ssyncadd.s32 $0xFFFFFFFF  }
0xa5: {  	s26 =	simm.s32 $execute0_lowered;
	[smem:$0x3FD2] =	sst s25  }
0xa6: {  	s5 =	sshll.u32 s26, $0x1;
	_ =	strace $0x8000004F;
	[dreg:$0x1] =	wrdreg $0xFFFFFFFF  }
0xa7: {  	s28 =	simm.s32 $_size_execute0_lowered;
	s3 =	sadd.s32 s3, s5;
	[dreg:$0x0] =	wrdreg $0x0  }
0xa8: {  	s5 =	sshll.u32 s28, $0x1;
	[dreg:$0x2] =	wrdreg s3  }
0xa9: {  	[dreg:$0x3] =	wrdreg s5  }
0xaa: {  	[dreg:$0x4] =	wrdreg $0xC0  }
0xab: {  	_ =	task [dreg:s7], $0x5FFFF  }
0xac: {  	[dreg:$0x1] =	wrdreg $0xFFFFFFFF  }
0xad: {  	[dreg:$0x0] =	wrdreg $0x60  }
0xae: {  	[dreg:$0x2] =	wrdreg s24  }
0xaf: {  	[dreg:$0x3] =	wrdreg s2  }
0xb0: {  	[dreg:$0x4] =	wrdreg $0x9E200  }
0xb1: {  	[dreg:$0x5] =	wrdreg $0x13A600  }
0xb2: {  	[dreg:$0x6] =	wrdreg $0x9  }
0xb3: {  	_ =	task.clear_ibuf [dreg:s7], $0x7FFFF;
	_ =	strace $0x9000004F  }
0xb4: {  	s29 =	simm.s32 $0x9;
	_ =	strace $0x80000051  }
0xb5: {  	_ =	swait.ge [sflag:s29], $0x1  }
0xb6: {  	[sflag:s29] =	ssyncadd.s32 $0xFFFFFFFF  }
0xb7: {  	_ =	strace $0x90000051  }
0xb8: {  	_ =	sfence  }
0xb9: {  	s30 =	sld [smem:$0x0];
	_ =	sdelay $0x2  }
0xba: {  	s31 =	sshll.u32 s1, $0xD;
	s1 =	sshrl.u32 s1, $0x2  }
0xbb: {  	s3 =	sand.u32 $0x4000, s31;
	s1 =	sadd.s32 s1, s30  }
0xbc: {  	s0 =	sor.u32 s3, s0;
	s1 =	sshll.u32 s1, $0x11  }
0xbd: {  	s0 =	sor.u32 s1, s0  }
0xbe: {  	s0 =	sadd.s32 $0x8F2B, s0  }
0xbf: {  	[sflag:s0] =	ssyncadd.remote.s32 $0x1  }
0xc0: {  	_ =	sfence.sel $0xFFFF  }
0xc1: {  	[dreg:$0x0] =	wrdreg $0xFFFFFFFF;
	(pc) =	sbr.abs _section_cstart, $3  }
0xc2: {  	[dreg:$0x1] =	wrdreg $0xFFFFFFFF  }
0xc3: {  	_ =	task.clear_ibuf [dreg:s7], $0x2FFFF;
	_ =	strace $0x9FFFFFFF  }
0xc4: {  	(tm) =	ssettm $0x7FFFFFFF  }
0xc5: {  	_ =	shalt  }
tec
execute0_lowered:
.L_overlay_start_1:
0x0: {  	(tag) =	ssettag $0x1  }
0x1: {  	s0 =	rddreg [dreg:$0x0]  }
0x2: {  	s1 =	rddreg [dreg:$0x1]  }
0x3: {  	s2 =	rddreg [dreg:$0x2]  }
0x4: {  	s3 =	rddreg [dreg:$0x3]  }
0x5: {  	s15 =	stileid.u32;
	s4 =	srdreg.scid;
	s14 =	simm.s32 $0x9  }
0x6: {  	s28 =	simm.s32 $0x5;
	s29 =	simm.s32 $0x7;
	s30 =	simm.s32 $0x0  }
0x7: {  	s5 =	sand.u32 $0x1, s4;
	s6 =	sshll.u32 s15, $0x1;
	s7 =	smul.u32 $0x1388, s15  }
0x8: {  	s4 =	simm.s32 $0x0;
	s10 =	sadd.s32 $0x3E400, s0;
	s13 =	smul.u32 $0x9C40, s15  }
0x9: {  	s16 =	smul.u32 $0x27100, s15;
	s26 =	sshll.u32 s15, $0x6;
	s6 =	sor.u32 s5, s6  }
0xa: {  	[smem:$0x7FF] =	sst s4;
	s11 =	ssub.s32 $0x2, s5;
	s19 =	smul.u32 $0x13880, s5  }
0xb: {  	s8 =	smul.u32 $0x4E2, s6;
	_ =	strace $0x80000050;
	s7 =	sadd.s32 s7, s0  }
0xc: {  	s12 =	sshrl.u32 s11, $0x1;
	s6 =	smul.u32 $0x13880, s6;
	s31 =	sadd.s32 s13, s2  }
0xd: {  	s18 =	sadd.s32 s13, s3;
	s22 =	sadd.s32 s16, s10;
	s11 =	ssub.s32 s11, s12  }
0xe: {  	s17 =	sadd.s32 $0x17000, s7;
	s20 =	sadd.s32 $0x2AA00, s7;
	s5 =	sadd.s32 s19, s22  }
0xf: {  	s31 =	sshrl.u32 s31, $0x3;
	s18 =	sshrl.u32 s18, $0x3;
	[dreg:$0x7] =	wrdreg s17  }
0x10: {  	s9 =	sadd.s32 s8, s0;
	s0 =	sadd.s32 $0x2AF400, s0;
	[dreg:$0x8] =	wrdreg s20  }
0x11: {  	s1 =	sadd.s32 s1, s8;
	s21 =	smax.u32 s11, $0x1;
	[dreg:$0xc] =	wrdreg s31  }
0x12: {  	s23 =	sadd.s32 s10, s6;
	s5 =	sadd.s32 $0x280, s5;
	[dreg:$0x6] =	wrdreg s1  }
0x13: {  	s20 =	simm.s32 $0x4E20;
	s9 =	sadd.s32 $0xD200, s9;
	[dreg:$0x9] =	wrdreg s21  }
0x14: {  	[dreg:$0xa] =	wrdreg s23;
	s24 =	sadd.s32 s16, s0;
	s0 =	sadd.s32 s0, s6  }
0x15: {  	s16 =	sor.u32 $0x1C09, s26;
	s21 =	simm.s32 $0x7620;
	[dreg:$0x5] =	wrdreg s9  }
0x16: {  	s26 =	simm.s32 $0x3;
	[dreg:$0xb] =	wrdreg s0;
	s25 =	sadd.s32 s19, s24  }
0x17: {  	s19 =	simm.s32 $0x50;
	s6 =	sadd.s32 $0x280, s25;
	s25 =	simm.s32 $0x1  }
.LBB2_1:
0x18: {  	s0 =	rddreg [dreg:$0x5]  }
0x19: {  	[tilespmem:s4], [sflag:$0x9] =	stream.linear.gather [hbm4b:s0+s4], $0x2710, $0x38;
	[tilespmem:$0x1D6A0] =	vst v63  }
0x1a: {  	_ =	swait.ge [sflag:s14], $0x2710  }
0x1b: {  	[sflag:s14] =	ssyncset.done $0x0  }
0x1c: {  	s1 =	simm.s32 $0x2710;
	s7 =	rddreg [dreg:$0x6];
	[sflag:s14] =	ssyncadd.s32 $0xFFFFD8F0  }
0x1d: {  	[tilespmem:s1], [sflag:$0x9] =	stream.linear.gather [hbm4b:s7+s4], $0x2710, $0x38;
	[tilespmem:$0x1D6A0] =	vst v63  }
0x1e: {  	_ =	swait.ge [sflag:s14], $0x2710  }
0x1f: {  	[sflag:s14] =	ssyncset.done $0x0;
	s8 =	rddreg [dreg:$0x7]  }
0x20: {  	s7 =	rddreg [dreg:$0xc];
	[sflag:s14] =	ssyncadd.s32 $0xFFFFD8F0  }
0x21: {  	[spmem:s7], [sflag:s16] =	dma.local [hbm:s8], $0x1388  }
0x22: {  	_ =	swait.ge [sflag:s14], $0x1388  }
0x23: {  	[sflag:s14] =	ssyncset.done $0x0  }
0x24: {  	s9 =	rddreg [dreg:$0x8];
	[sflag:s14] =	ssyncadd.s32 $0xFFFFEC78  }
0x25: {  	[spmem:s18], [sflag:s16] =	dma.local [hbm:s9], $0x1388  }
0x26: {  	_ =	swait.ge [sflag:s14], $0x1388  }
0x27: {  	[sflag:s14] =	ssyncset.done $0x0  }
0x28: {  	[sflag:s14] =	ssyncadd.s32 $0xFFFFEC78  }
0x29: {  	[bflag:$0x0] =	sbarrier.arrive $0xFFFF  }
0x2a: {  	[tilespmem:s20], [sflag:$0x1] =	stream.indirect.gather [spmem:s2], $0x40, s4, s19, $0xb8;
	[tilespmem:$0x1D6A0] =	vst v63  }
0x2b: {  	_ = 	snop  }
0x2c: {  	[tilespmem:s21], [sflag:$0x3] =	stream.indirect.gather [spmem:s3], $0x40, s1, s19, $0xb8;
	[tilespmem:$0x1D6A0] =	vst v63  }
0x2d: {  	s10 =	simm.s32 $0x6220  }
0x2e: {  	[tilespmem:s10], [sflag:$0x2] =	stream.indirect.gather [spmem:s2], $0x40, s19, s19, $0xb8;
	[tilespmem:$0x1D6A0] =	vst v63  }
0x2f: {  	s11 =	simm.s32 $0x2760;
	s12 =	simm.s32 $0x8A20  }
0x30: {  	[tilespmem:s12], [sflag:$0x4] =	stream.indirect.gather [spmem:s3], $0x40, s11, s19, $0xb8;
	[tilespmem:$0x1D6A0] =	vst v63  }
0x31: {  	_ =	swait.ge [sflag:s25], $0x1400  }
0x32: {  	[sflag:s25] =	ssyncset.done $0x0  }
0x33: {  	[sflag:s25] =	ssyncadd.s32 $0xFFFFEC00  }
0x34: {  	_ =	swait.ge [sflag:s26], $0x1400  }
0x35: {  	s17 =	simm.s32 $0x2;
	[sflag:s26] =	ssyncset.done $0x0  }
0x36: {  	s0 =	sand.u32 $0x1, s17;
	s13 =	rddreg [dreg:$0xa];
	[sflag:s26] =	ssyncadd.s32 $0xFFFFEC00  }
0x37: {  	[hbm4b:s13+s4] =	stream.linear.scatter [tilespmem:s20], [sflag:$0x5], $0x1400, $0x38;
	[tilespmem:$0x1D6A0] =	vst v63  }
0x38: {  	s22 =	sadd.s32 $0x5, s0;
	s15 =	rddreg [dreg:$0xb]  }
0x39: {  	[hbm4b:s15+s4] =	stream.linear.scatter [tilespmem:s21], [sflag:$0x7], $0x1400, $0x38;
	[tilespmem:$0x1D6A0] =	vst v63  }
0x3a: {  	s23 =	simm.s32 $0x27B0;
	_ =	swait.ge [sflag:s22], $0x1400  }
0x3b: {  	s31 =	sadd.s32 $0x280, s6;
	s24 =	smul.u32 $0x1400, s0;
	[sflag:s22] =	ssyncset.done $0x0  }
0x3c: {  	s8 =	sadd.s32 $0x7, s0;
	s9 =	simm.s32 $0xA0;
	[sflag:s22] =	ssyncadd.s32 $0xFFFFEC00  }
0x3d: {  	s1 =	sadd.s32 $0x7620, s24;
	s10 =	simm.s32 $0x1;
	_ =	swait.ge [sflag:s8], $0x1400  }
0x3e: {  	s10 =	sand.u32 $0x1, s10;
	s11 =	sadd.s32 $0x4E20, s24;
	[sflag:s8] =	ssyncset.done $0x0  }
0x3f: {  	s12 =	sadd.s32 $0x1, s0;
	s0 =	sadd.s32 $0x3, s0;
	[sflag:s8] =	ssyncadd.s32 $0xFFFFEC00  }
0x40: {  	[tilespmem:s11], [sflag:s12] =	stream.indirect.gather [spmem:s2], $0x40, s9, s19, $0xb8;
	[tilespmem:$0x1D6A0] =	vst v63  }
0x41: {  	s24 =	simm.s32 $0x4;
	s13 =	smul.u32 $0x1400, s10;
	s15 =	sadd.s32 $0x1, s10  }
0x42: {  	[tilespmem:s1], [sflag:s0] =	stream.indirect.gather [spmem:s3], $0x40, s23, s19, $0xb8;
	[tilespmem:$0x1D6A0] =	vst v63  }
0x43: {  	s17 =	sadd.s32 $0x3, s10;
	s22 =	simm.s32 $0x3;
	_ =	swait.ge [sflag:s15], $0x1400  }
0x44: {  	s7 =	sand.u32 $0x1, s22;
	s8 =	sadd.s32 $0x7620, s13;
	[sflag:s15] =	ssyncset.done $0x0  }
0x45: {  	s9 =	sadd.s32 $0x7, s10;
	s10 =	sadd.s32 $0x5, s10;
	[sflag:s15] =	ssyncadd.s32 $0xFFFFEC00  }
0x46: {  	s11 =	sadd.s32 $0x4E20, s13;
	s12 =	smov.u32 s5;
	_ =	swait.ge [sflag:s17], $0x1400  }
0x47: {  	s13 =	smov.u32 s6;
	s23 =	simm.s32 $0xF0;
	[sflag:s17] =	ssyncset.done $0x0  }
0x48: {  	s1 =	simm.s32 $0x2800;
	s0 =	sadd.s32 $0x280, s5;
	[sflag:s17] =	ssyncadd.s32 $0xFFFFEC00  }
.LBB2_2:
0x49: {  	[hbm4b:s12+s4] =	stream.linear.scatter [tilespmem:s11], [sflag:s10], $0x1400, $0x38;
	[tilespmem:$0x1D6A0] =	vst v63  }
0x4a: {  	s10 =	smov.u32 s24;
	s12 =	smov.u32 s0  }
0x4b: {  	p0 =	sne.s32 s24, $0x7C;
	s24 =	sadd.s32 $0x1, s24;
	s11 =	sadd.s32 $0x5, s7  }
0x4c: {  	[hbm4b:s13+s4] =	stream.linear.scatter [tilespmem:s8], [sflag:s9], $0x1400, $0x38;
	[tilespmem:$0x1D6A0] =	vst v63  }
0x4d: {  	s13 =	smov.u32 s31;
	_ =	swait.ge [sflag:s11], $0x1400  }
0x4e: {  	s8 =	sadd.s32 $0x7, s7;
	[sflag:s11] =	ssyncset.done $0x0  }
0x4f: {  	s9 =	smul.u32 $0x1400, s7;
	[sflag:s11] =	ssyncadd.s32 $0xFFFFEC00  }
0x50: {  	s11 =	sadd.s32 $0xFFFFFFFF, s22;
	s22 =	smov.u32 s10;
	_ =	swait.ge [sflag:s8], $0x1400  }
0x51: {  	s15 =	sadd.s32 $0x1, s7;
	s10 =	sadd.s32 $0x4E20, s9;
	[sflag:s8] =	ssyncset.done $0x0  }
0x52: {  	s7 =	sadd.s32 $0x3, s7;
	s11 =	sand.u32 $0x1, s11;
	[sflag:s8] =	ssyncadd.s32 $0xFFFFEC00  }
0x53: {  	[tilespmem:s10], [sflag:s15] =	stream.indirect.gather [spmem:s2], $0x40, s23, s19, $0xb8;
	[tilespmem:$0x1D6A0] =	vst v63  }
0x54: {  	s8 =	sadd.s32 $0x7620, s9;
	s15 =	smul.u32 $0x1400, s11;
	s10 =	sadd.s32 $0x1, s11  }
0x55: {  	[tilespmem:s8], [sflag:s7] =	stream.indirect.gather [spmem:s3], $0x40, s1, s19, $0xb8;
	[tilespmem:$0x1D6A0] =	vst v63  }
0x56: {  	s9 =	sadd.s32 $0x7, s11;
	s8 =	sadd.s32 $0x7620, s15;
	_ =	swait.ge [sflag:s10], $0x1400  }
.Ltmp0:
0x57: {  	s17 =	sadd.s32 $0x3, s11;
	[sflag:s10] =	ssyncset.done $0x0;
	(pc) =	sbr.rel @p0 .LBB2_2-.Ltmp0, $4  }
0x58: {  	s23 =	sadd.s32 $0x50, s23;
	[sflag:s10] =	ssyncadd.s32 $0xFFFFEC00  }
0x59: {  	s1 =	sadd.s32 $0x50, s1;
	s10 =	sadd.s32 $0x5, s11;
	_ =	swait.ge [sflag:s17], $0x1400  }
0x5a: {  	s7 =	sand.u32 $0x1, s22;
	s11 =	sadd.s32 $0x4E20, s15;
	[sflag:s17] =	ssyncset.done $0x0  }
0x5b: {  	s0 =	sadd.s32 $0x280, s0;
	s31 =	sadd.s32 $0x280, s31;
	[sflag:s17] =	ssyncadd.s32 $0xFFFFEC00  }
0x5c: {  	[hbm4b:s12+s4] =	stream.linear.scatter [tilespmem:s11], [sflag:s10], $0x1400, $0x38;
	[tilespmem:$0x1D6A0] =	vst v63  }
0x5d: {  	s11 =	sadd.s32 $0x5, s7  }
0x5e: {  	[hbm4b:s13+s4] =	stream.linear.scatter [tilespmem:s8], [sflag:s9], $0x1400, $0x38;
	[tilespmem:$0x1D6A0] =	vst v63  }
0x5f: {  	_ =	swait.ge [sflag:s11], $0x1400  }
0x60: {  	[sflag:s11] =	ssyncset.done $0x0  }
0x61: {  	s12 =	sadd.s32 $0x7, s7;
	[sflag:s11] =	ssyncadd.s32 $0xFFFFEC00  }
0x62: {  	s24 =	smul.u32 $0x1400, s7;
	_ =	swait.ge [sflag:s12], $0x1400  }
0x63: {  	s17 =	sadd.s32 $0x1, s7;
	s13 =	sadd.s32 $0xFFFFFFFF, s22;
	[sflag:s12] =	ssyncset.done $0x0  }
0x64: {  	s15 =	sadd.s32 $0x4E20, s24;
	s10 =	sand.u32 $0x1, s13;
	[sflag:s12] =	ssyncadd.s32 $0xFFFFEC00  }
0x65: {  	[tilespmem:s15], [sflag:s17] =	stream.indirect.gather [spmem:s2], $0x40, s23, s19, $0xb8;
	[tilespmem:$0x1D6A0] =	vst v63  }
0x66: {  	s22 =	sadd.s32 $0x3, s7;
	s23 =	sadd.s32 $0x7620, s24;
	s24 =	sadd.s32 $0x1, s10  }
0x67: {  	[tilespmem:s23], [sflag:s22] =	stream.indirect.gather [spmem:s3], $0x40, s1, s19, $0xb8;
	[tilespmem:$0x1D6A0] =	vst v63  }
0x68: {  	_ =	swait.ge [sflag:s24], $0x1400  }
0x69: {  	[sflag:s24] =	ssyncset.done $0x0  }
0x6a: {  	s11 =	sadd.s32 $0x3, s10;
	[sflag:s24] =	ssyncadd.s32 $0xFFFFEC00  }
0x6b: {  	s12 =	smul.u32 $0x1400, s10;
	_ =	swait.ge [sflag:s11], $0x1400  }
0x6c: {  	[sflag:s11] =	ssyncset.done $0x0  }
0x6d: {  	s13 =	sadd.s32 $0x5, s10;
	s15 =	sadd.s32 $0x4E20, s12;
	[sflag:s11] =	ssyncadd.s32 $0xFFFFEC00  }
0x6e: {  	[hbm4b:s0+s4] =	stream.linear.scatter [tilespmem:s15], [sflag:s13], $0x1400, $0x38;
	[tilespmem:$0x1D6A0] =	vst v63  }
0x6f: {  	s17 =	sadd.s32 $0x7620, s12;
	s22 =	sadd.s32 $0x7, s10  }
0x70: {  	[hbm4b:s31+s4] =	stream.linear.scatter [tilespmem:s17], [sflag:s22], $0x1400, $0x38;
	[tilespmem:$0x1D6A0] =	vst v63  }
0x71: {  	_ =	swait.ge [sflag:s13], $0x1400  }
0x72: {  	[sflag:s13] =	ssyncset.done $0x0  }
0x73: {  	[sflag:s13] =	ssyncadd.s32 $0xFFFFEC00  }
0x74: {  	_ =	swait.ge [sflag:s22], $0x1400  }
0x75: {  	[sflag:s22] =	ssyncset.done $0x0  }
0x76: {  	[sflag:s22] =	ssyncadd.s32 $0xFFFFEC00  }
0x77: {  	_ =	swait.ge [sflag:s25], $0x1400  }
0x78: {  	[sflag:s25] =	ssyncset.done $0x0  }
0x79: {  	[sflag:s25] =	ssyncadd.s32 $0xFFFFEC00  }
0x7a: {  	_ =	swait.ge [sflag:s26], $0x1400  }
0x7b: {  	[sflag:s26] =	ssyncset.done $0x0  }
0x7c: {  	s23 =	sadd.s32 $0x280, s0;
	[sflag:s26] =	ssyncadd.s32 $0xFFFFEC00  }
0x7d: {  	[hbm4b:s23+s4] =	stream.linear.scatter [tilespmem:s20], [sflag:$0x5], $0x1400, $0x38;
	[tilespmem:$0x1D6A0] =	vst v63  }
0x7e: {  	s24 =	sadd.s32 $0x280, s31  }
0x7f: {  	[hbm4b:s24+s4] =	stream.linear.scatter [tilespmem:s21], [sflag:$0x7], $0x1400, $0x38;
	[tilespmem:$0x1D6A0] =	vst v63  }
0x80: {  	_ =	swait.ge [sflag:s28], $0x1400  }
0x81: {  	[sflag:s28] =	ssyncset.done $0x0  }
0x82: {  	[sflag:s28] =	ssyncadd.s32 $0xFFFFEC00  }
0x83: {  	_ =	swait.ge [sflag:s29], $0x1400  }
0x84: {  	s30 =	sadd.s32 $0x1, s30;
	s31 =	rddreg [dreg:$0x9]  }
0x85: {  	p0 =	sne.s32 s30, s31  }
.Ltmp1:
0x86: {  	_ = 	snop;
	(pc) =	sbr.rel @p0 .LBB2_1-.Ltmp1, $3  }
0x87: {  	_ =	sdelay $0x1  }
0x88: {  	[sflag:s29] =	ssyncset.done $0x0  }
0x89: {  	[sflag:s29] =	ssyncadd.s32 $0xFFFFEC00  }
0x8a: {  	_ =	sfence.sel $0x180000  }
0x8b: {  	[bflag:$0x0] =	sbarrier.arrive $0xFFFF  }
0x8c: {  	_ =	strace $0x90000050  }
0x8d: {  	s0 =	stileid.u32;
	[bflag:$0x2] =	sbarrier.arrive $0xFFFF  }
0x8e: {  	p0 =	sne.s32 s0, $0x0;
	s0 =	rddreg [dreg:$0x4]  }
0x8f: {  	s0 =	sadd.s32 @!p0 $0x100000, s0  }
0x90: {  	[sflag:s0] =	ssyncadd.tile.s32 @!p0 $0x1;
	_ =	shalt  }
.Lfunc_end2:
_tile_overlayer_lowered:
.L_overlay_start_2:
0x91: {  	(tag) =	ssettag $0x2  }
0x92: {  	s0 =	rddreg [dreg:$0x0];
	s2 =	stileid.u32  }
0x93: {  	s1 =	rddreg [dreg:$0x1];
	p0 =	sne.s32 s2, $0x0  }
0x94: {  	s3 =	rddreg [dreg:$0x2];
	[bflag:$0x3] =	sbarrier.arrive $0xFFFF;
	s2 =	simm.s32 @!p0 $0x1C09  }
0x95: {  	[timem:s3], [sflag:s2] =	dma.local @!p0 [hbm:s0], s1  }
0x96: {  	s0 =	simm.s32 @!p0 $0x9  }
0x97: {  	_ =	swait.ge @!p0 [sflag:s0], s1  }
0x98: {  	s1 =	ssub.s32 @!p0 $0x0, s1;
	[sflag:s0] =	ssyncset.done @!p0 $0x0  }
0x99: {  	[sflag:s0] =	ssyncadd.s32 @!p0 s1  }
0x9a: {  	[bflag:$0x3] =	sbarrier.arrive $0xFFFF  }
0x9b: {  	_ =	shalt  }

</sc_bundles>
